<compile_context>
chip_gen: v7x
topology: tpu7x:2x2x1
jax: 0.10.2.dev20260603
libtpu: 0.0.44.dev20260713+nightly
codegen_flags: <defaults>
</compile_context>

<pallas_src>
import functools
import jax
import jax.numpy as jnp
from jax import lax
from jax.experimental import pallas as pl
from jax.experimental.pallas import tpu as pltpu
from jax.experimental.pallas import tpu_sc as plsc

N_NODES = 10000
NP = 10240
HALF = NP // 2
SPN = 6144
D = 128
DA = D + 16
E = 320000
CHUNK = 128
NC = 2
NS = 16
T_PER_TILE = 160
GRP = 8
NROW2D = NS * T_PER_TILE
EP = NROW2D * CHUNK
ZBLK = SPN // (CHUNK * NS)


def _sc_agg_body(h_hbm, src_hbm, dst_hbm, zrows_hbm, agg_out,
                 src_idx, dst_idx, rows0, rows1, agg_sp,
                 sem0, sem1, sem_s0, sem_s1):
    c = lax.axis_index("c")
    s = lax.axis_index("s")

    pltpu.sync_copy(zrows_hbm, rows0)

    def zbody(j, carry):
        pltpu.sync_copy(rows0,
                        agg_sp.at[pl.ds((s * ZBLK + j) * CHUNK, CHUNK)])
        return carry

    lax.fori_loop(0, ZBLK, zbody, 0)

    plsc.subcore_barrier()

    def _drain_scatters(k0, k1):
        pltpu.make_async_copy(rows0, agg_sp.at[dst_idx.at[k0]],
                              sem_s0).wait()
        pltpu.make_async_copy(rows1, agg_sp.at[dst_idx.at[k1]],
                              sem_s1).wait()

    def body(g, carry):
        @pl.when(g > 0)
        def _():
            _drain_scatters(GRP - 2, GRP - 1)

        base = s * T_PER_TILE + g * GRP
        pltpu.sync_copy(src_hbm.at[pl.ds(base, GRP)], src_idx)
        pltpu.sync_copy(dst_hbm.at[c, pl.ds(base, GRP)], dst_idx)
        for k in range(0, GRP, 2):
            if k > 0:
                _drain_scatters(k - 2, k - 1)
            cp0 = pltpu.async_copy(h_hbm.at[src_idx.at[k]], rows0, sem0)
            cp1 = pltpu.async_copy(h_hbm.at[src_idx.at[k + 1]], rows1, sem1)
            cp0.wait()
            pltpu.async_copy(rows0, agg_sp.at[dst_idx.at[k]], sem_s0,
                             add=True)
            cp1.wait()
            pltpu.async_copy(rows1, agg_sp.at[dst_idx.at[k + 1]], sem_s1,
                             add=True)
        return carry

    lax.fori_loop(0, T_PER_TILE // GRP, body, 0)
    _drain_scatters(GRP - 2, GRP - 1)

    plsc.subcore_barrier()

    def obody(j, carry):
        rr = (s * ZBLK + j) * CHUNK
        pltpu.sync_copy(agg_sp.at[pl.ds(rr, CHUNK)], rows0)
        pltpu.sync_copy(rows0, agg_out.at[c, pl.ds(rr, CHUNK)])
        return carry

    lax.fori_loop(0, ZBLK, obody, 0)


@functools.cache
def _get_sc_agg():
  mesh = plsc.VectorSubcoreMesh(core_axis_name="c", subcore_axis_name="s")
  return pl.kernel(
    _sc_agg_body,
    mesh=mesh,
    out_type=[
        jax.ShapeDtypeStruct((NC, SPN, DA), jnp.float32),
    ],
    scratch_types=[
        pltpu.VMEM((GRP, CHUNK), jnp.int32),
        pltpu.VMEM((GRP, CHUNK), jnp.int32),
        pltpu.VMEM((CHUNK, DA), jnp.float32),
        pltpu.VMEM((CHUNK, DA), jnp.float32),
        pltpu.VMEM_SHARED((SPN, DA), jnp.float32),
        pltpu.SemaphoreType.DMA,
        pltpu.SemaphoreType.DMA,
        pltpu.SemaphoreType.DMA,
        pltpu.SemaphoreType.DMA,
    ],
    compiler_params=pltpu.CompilerParams(use_tc_tiling_on_sc=False),
  )


def _tc_layer_body(h_ref, hn_ref, deg_ref, ws_ref, wn_ref, b_ref, o_ref,
                   *, relu):
    rdeg = 1.0 / jnp.maximum(deg_ref[:, 0:1], 1.0)
    hn = hn_ref[:, :] * rdeg
    out = (jnp.dot(h_ref[:, :], ws_ref[:, :],
                   preferred_element_type=jnp.float32)
           + jnp.dot(hn, wn_ref[:, :], preferred_element_type=jnp.float32)
           + b_ref[:, :])
    if relu:
        out = jnp.maximum(out, 0.0)
    o_ref[:, :] = out


_BR = 1024


def _tc_layer(h, hn, degv, ws, wn, b, relu):
    return pl.pallas_call(
        functools.partial(_tc_layer_body, relu=relu),
        grid=(NP // _BR,),
        in_specs=[
            pl.BlockSpec((_BR, D), lambda i: (i, 0)),
            pl.BlockSpec((_BR, D), lambda i: (i, 0)),
            pl.BlockSpec((_BR, 8), lambda i: (i, 0)),
            pl.BlockSpec((D, D), lambda i: (0, 0)),
            pl.BlockSpec((D, D), lambda i: (0, 0)),
            pl.BlockSpec((1, D), lambda i: (0, 0)),
        ],
        out_specs=pl.BlockSpec((_BR, D), lambda i: (i, 0)),
        out_shape=jax.ShapeDtypeStruct((NP, D), jnp.float32),
    )(h, hn, degv, ws, wn, b)


def _aggregate(sc_agg, h, src2d, dstr, zrows):
    h_aug = jnp.concatenate([h, jnp.ones((NP, DA - D), jnp.float32)], axis=1)
    [agg] = sc_agg(h_aug, src2d, dstr, zrows)
    agg_full = jnp.concatenate([agg[0, :HALF], agg[1, :HALF]], axis=0)
    return agg_full[:, :D], agg_full[:, D:D + 8]


def kernel(features, edge_index, W_self1, W_neigh1, b1,
           W_self2, W_neigh2, b2, W_self3, W_neigh3, b3):
    src = edge_index[0]
    dst = edge_index[1]
    pad_e = EP - E
    src_p = jnp.concatenate([src, jnp.zeros((pad_e,), jnp.int32)])
    dst_p = jnp.concatenate([dst, jnp.full((pad_e,), N_NODES, jnp.int32)])
    src2d = src_p.reshape(NROW2D, CHUNK)
    sink = HALF + (jnp.arange(EP, dtype=jnp.int32) & (SPN - HALF - 1))
    dst0 = jnp.where(dst_p < HALF, dst_p, sink)
    dst1 = jnp.where(dst_p >= HALF, dst_p - HALF, sink)
    dstr = jnp.stack([dst0.reshape(NROW2D, CHUNK),
                      dst1.reshape(NROW2D, CHUNK)])

    h0 = jnp.pad(features, ((0, NP - N_NODES), (0, 0)))
    zrows = jnp.zeros((CHUNK, DA), jnp.float32)

    w3 = jnp.pad(W_self3, ((0, 0), (0, D - W_self3.shape[1])))
    wn3 = jnp.pad(W_neigh3, ((0, 0), (0, D - W_neigh3.shape[1])))
    b3p = jnp.pad(b3, (0, D - b3.shape[0]))

    sc_agg = _get_sc_agg()
    hn, degv = _aggregate(sc_agg, h0, src2d, dstr, zrows)
    h1 = _tc_layer(h0, hn, degv, W_self1, W_neigh1, b1.reshape(1, D),
                   relu=True)
    hn, degv = _aggregate(sc_agg, h1, src2d, dstr, zrows)
    h2 = _tc_layer(h1, hn, degv, W_self2, W_neigh2, b2.reshape(1, D),
                   relu=True)
    hn, degv = _aggregate(sc_agg, h2, src2d, dstr, zrows)
    h3 = _tc_layer(h2, hn, degv, w3, wn3, b3p.reshape(1, D), relu=False)
    return h3[:N_NODES, :W_self3.shape[1]]

# --- scband reference (transcript-rebuilt; emitter-appended) ---
"""Pipeline reference for scband-sage-28853590295254 (READ-ONLY COPY).

The authoritative reference and input builder live on the scoring server;
editing this copy changes nothing except your own understanding.
"""

import jax, jax.numpy as jnp
import numpy as np

N_NODES = 10000
N_EDGES = 320000
D_IN = 128
D_H = 128
N_CLS = 47


def setup_inputs(seed: int = 0) -> dict:
    key = jax.random.key(seed)
    ks = jax.random.split(key, 10)
    features = jax.random.normal(ks[0], (N_NODES, D_IN), dtype=jnp.float32)
    edge_index = jax.random.randint(ks[1], (2, N_EDGES), 0, N_NODES, dtype=jnp.int32)
    s1 = 1.0 / np.sqrt(D_IN)
    s2 = 1.0 / np.sqrt(D_H)
    W_self1 = jax.random.uniform(ks[2], (D_IN, D_H), jnp.float32, -s1, s1)
    W_neigh1 = jax.random.uniform(ks[3], (D_IN, D_H), jnp.float32, -s1, s1)
    b1 = jnp.zeros((D_H,), jnp.float32)
    W_self2 = jax.random.uniform(ks[4], (D_H, D_H), jnp.float32, -s2, s2)
    W_neigh2 = jax.random.uniform(ks[5], (D_H, D_H), jnp.float32, -s2, s2)
    b2 = jnp.zeros((D_H,), jnp.float32)
    W_self3 = jax.random.uniform(ks[6], (D_H, N_CLS), jnp.float32, -s2, s2)
    W_neigh3 = jax.random.uniform(ks[7], (D_H, N_CLS), jnp.float32, -s2, s2)
    b3 = jnp.zeros((N_CLS,), jnp.float32)
    return {
        "features": features,
        "edge_index": edge_index,
        "W_self1": W_self1, "W_neigh1": W_neigh1, "b1": b1,
        "W_self2": W_self2, "W_neigh2": W_neigh2, "b2": b2,
        "W_self3": W_self3, "W_neigh3": W_neigh3, "b3": b3,
    }


def _sage_conv(h, src, dst, W_self, W_neigh, b):
    # DGL SAGEConv with 'mean' aggregator: fc_self(h_self) + fc_neigh(mean_neigh(h)) + bias
    msgs = h[src]  # gather source node features along edges
    agg = jax.ops.segment_sum(msgs, dst, num_segments=N_NODES)
    deg = jax.ops.segment_sum(jnp.ones((msgs.shape[0],), dtype=h.dtype), dst, num_segments=N_NODES)
    h_neigh = agg / jnp.maximum(deg, 1.0)[:, None]
    return h @ W_self + h_neigh @ W_neigh + b


def reference(features, edge_index, W_self1, W_neigh1, b1, W_self2, W_neigh2, b2, W_self3, W_neigh3, b3):
    src = edge_index[0]
    dst = edge_index[1]
    h = _sage_conv(features, src, dst, W_self1, W_neigh1, b1)
    h = jax.nn.relu(h)  # dropout is identity in eval mode
    h = _sage_conv(h, src, dst, W_self2, W_neigh2, b2)
    h = jax.nn.relu(h)
    h = _sage_conv(h, src, dst, W_self3, W_neigh3, b3)
    return h

if __name__ == "__main__":
    import jax
    _d = setup_inputs()
    print(jax.jit(kernel)(*tuple(_d.values())))

</pallas_src>

<mosaic_0001>
#map = affine_map<(d0, d1) -> (0, 0)>
#map1 = affine_map<(d0, d1) -> (0, 0, 0)>
module attributes {stable_mosaic.version = 14 : i64} {
  func.func @_sc_agg_body(%arg0: i32, %arg1: i32, %arg2: memref<10240x144xf32, #tpu.memory_space<hbm>>, %arg3: memref<2560x128xi32, #tpu.memory_space<hbm>>, %arg4: memref<2x2560x128xi32, #tpu.memory_space<hbm>>, %arg5: memref<128x144xf32, #tpu.memory_space<hbm>>, %arg6: memref<2x6144x144xf32, #tpu.memory_space<hbm>>, %arg7: memref<8x128xi32, #tpu.memory_space<vmem>>, %arg8: memref<8x128xi32, #tpu.memory_space<vmem>>, %arg9: memref<128x144xf32, #tpu.memory_space<vmem>>, %arg10: memref<128x144xf32, #tpu.memory_space<vmem>>, %arg11: memref<6144x144xf32, #tpu.memory_space<vmem_shared>>, %arg12: memref<!tpu.dma_semaphore, #tpu.memory_space<semaphore_mem>>, %arg13: memref<!tpu.dma_semaphore, #tpu.memory_space<semaphore_mem>>, %arg14: memref<!tpu.dma_semaphore, #tpu.memory_space<semaphore_mem>>, %arg15: memref<!tpu.dma_semaphore, #tpu.memory_space<semaphore_mem>>) attributes {dimension_semantics = [#tpu.dimension_semantics<core_parallel>, #tpu.dimension_semantics<subcore_parallel>], iteration_bounds = array<i64: 2, 16>, scalar_prefetch = 0 : i64, scratch_operands = 9 : i64, tpu.core_type = #tpu.core_type<sc_vector_subcore>, window_params = [{transform_indices = #map}, {transform_indices = #map}, {transform_indices = #map1}, {transform_indices = #map}, {transform_indices = #map1}]} {
    "tpu.region"() ({
      %run_scoped3A = tpu.sem_alloc : memref<!tpu.dma_semaphore, #tpu.memory_space<semaphore_mem>>
      tpu.enqueue_dma source(%arg5 : memref<128x144xf32, #tpu.memory_space<hbm>>) target(%arg9 : memref<128x144xf32, #tpu.memory_space<vmem>>) target_semaphore(%run_scoped3A : memref<!tpu.dma_semaphore, #tpu.memory_space<semaphore_mem>>)
      tpu.wait_dma2 semaphore(%run_scoped3A : memref<!tpu.dma_semaphore, #tpu.memory_space<semaphore_mem>>) src(%arg5 : memref<128x144xf32, #tpu.memory_space<hbm>>) dst(%arg9 : memref<128x144xf32, #tpu.memory_space<vmem>>)
      tpu.yield
    }) : () -> ()
    %scan3A = arith.constant 0 : i32
    %scan3A_0 = arith.constant 0 : i32
    %scan3A_1 = arith.constant 3 : i32
    %scan3A_2 = arith.addi %scan3A_0, %scan3A_1 : i32
    %scan3A_3 = arith.constant 1 : i32
    scf.for %scan3A_31 = %scan3A_0 to %scan3A_2 step %scan3A_3  : i32 {
      %mul3A = arith.constant 3 : i32
      %mul3A_32 = arith.muli %arg1, %mul3A : i32
      %add3A = arith.addi %mul3A_32, %scan3A_31 : i32
      %mul3A_33 = arith.constant 128 : i32
      %mul3A_34 = arith.muli %add3A, %mul3A_33 : i32
      "tpu.region"() ({
        %run_scoped3A = tpu.sem_alloc : memref<!tpu.dma_semaphore, #tpu.memory_space<semaphore_mem>>
        %dma_start3A = arith.constant 0 : i32
        %dma_start3A_35 = tpu.memref_slice %arg11[%mul3A_34, %dma_start3A] : memref<6144x144xf32, #tpu.memory_space<vmem_shared>> -> memref<128x144xf32, #tpu.memory_space<vmem_shared>>
        %dma_start3A_36 = arith.constant 0 : i32
        %dma_start3A_37 = tpu.memref_slice %arg11[%mul3A_34, %dma_start3A_36] : memref<6144x144xf32, #tpu.memory_space<vmem_shared>> -> memref<128x144xf32, #tpu.memory_space<vmem_shared>>
        tpu.enqueue_dma source(%arg9 : memref<128x144xf32, #tpu.memory_space<vmem>>) target(%dma_start3A_37 : memref<128x144xf32, #tpu.memory_space<vmem_shared>>) target_semaphore(%run_scoped3A : memref<!tpu.dma_semaphore, #tpu.memory_space<semaphore_mem>>)
        %dma_wait3A_38 = arith.constant 0 : i32
        %dma_wait3A_39 = tpu.memref_slice %arg11[%mul3A_34, %dma_wait3A_38] : memref<6144x144xf32, #tpu.memory_space<vmem_shared>> -> memref<128x144xf32, #tpu.memory_space<vmem_shared>>
        %dma_wait3A_40 = arith.constant 0 : i32
        %dma_wait3A_41 = tpu.memref_slice %arg11[%mul3A_34, %dma_wait3A_40] : memref<6144x144xf32, #tpu.memory_space<vmem_shared>> -> memref<128x144xf32, #tpu.memory_space<vmem_shared>>
        tpu.wait_dma2 semaphore(%run_scoped3A : memref<!tpu.dma_semaphore, #tpu.memory_space<semaphore_mem>>) src(%arg9 : memref<128x144xf32, #tpu.memory_space<vmem>>) dst(%dma_wait3A_41 : memref<128x144xf32, #tpu.memory_space<vmem_shared>>)
        tpu.yield
      }) : () -> ()
    }
    %scan3A_4 = arith.constant 3 : i32
    %barrier3A = arith.constant 0 : index
    tpu.barrier barrier_id(%barrier3A)
    %scan3A_5 = arith.constant 0 : i32
    %scan3A_6 = arith.constant 0 : i32
    %scan3A_7 = arith.constant 20 : i32
    %scan3A_8 = arith.addi %scan3A_6, %scan3A_7 : i32
    %scan3A_9 = arith.constant 1 : i32
    scf.for %scan3A_31 = %scan3A_6 to %scan3A_8 step %scan3A_9  : i32 {
      %gt3A = arith.constant 0 : i32
      %gt3A_32 = arith.cmpi sgt, %scan3A_31, %gt3A : i32
      %convert_element_type3A = arith.extui %gt3A_32 : i1 to i32
      %cond3A = arith.constant 0 : i32
      %cond3A_33 = arith.cmpi ne, %convert_element_type3A, %cond3A : i32
      scf.if %cond3A_33 {
        %dma_wait3A_246 = arith.constant 6 : i32
        %dma_wait3A_247 = arith.constant 0 : i32
        %dma_wait3A_248 = tpu.memref_slice %arg8[%dma_wait3A_246, %dma_wait3A_247] : memref<8x128xi32, #tpu.memory_space<vmem>> -> memref<1x128xi32, #tpu.memory_space<vmem>>
        %dma_wait3A_249 = tpu.memref_squeeze %dma_wait3A_248 : memref<1x128xi32, #tpu.memory_space<vmem>> -> memref<128xi32, #tpu.memory_space<vmem>>
        %dma_wait3A_250 = arith.constant 0 : i32
        %dma_wait3A_251 = arith.constant 0 : i32
        %dma_wait3A_252 = tpu.memref_slice %arg11[%dma_wait3A_250, %dma_wait3A_251] : memref<6144x144xf32, #tpu.memory_space<vmem_shared>> -> memref<6144x144xf32, #tpu.memory_space<vmem_shared>>
        tpu.wait_indirect_dma semaphore(%arg14 : memref<!tpu.dma_semaphore, #tpu.memory_space<semaphore_mem>>) src(%arg9 : memref<128x144xf32, #tpu.memory_space<vmem>>) dst(%dma_wait3A_252 : memref<6144x144xf32, #tpu.memory_space<vmem_shared>>)
        %dma_wait3A_253 = arith.constant 7 : i32
        %dma_wait3A_254 = arith.constant 0 : i32
        %dma_wait3A_255 = tpu.memref_slice %arg8[%dma_wait3A_253, %dma_wait3A_254] : memref<8x128xi32, #tpu.memory_space<vmem>> -> memref<1x128xi32, #tpu.memory_space<vmem>>
        %dma_wait3A_256 = tpu.memref_squeeze %dma_wait3A_255 : memref<1x128xi32, #tpu.memory_space<vmem>> -> memref<128xi32, #tpu.memory_space<vmem>>
        %dma_wait3A_257 = arith.constant 0 : i32
        %dma_wait3A_258 = arith.constant 0 : i32
        %dma_wait3A_259 = tpu.memref_slice %arg11[%dma_wait3A_257, %dma_wait3A_258] : memref<6144x144xf32, #tpu.memory_space<vmem_shared>> -> memref<6144x144xf32, #tpu.memory_space<vmem_shared>>
        tpu.wait_indirect_dma semaphore(%arg15 : memref<!tpu.dma_semaphore, #tpu.memory_space<semaphore_mem>>) src(%arg10 : memref<128x144xf32, #tpu.memory_space<vmem>>) dst(%dma_wait3A_259 : memref<6144x144xf32, #tpu.memory_space<vmem_shared>>)
      } else {
      }
      %mul3A = arith.constant 160 : i32
      %mul3A_34 = arith.muli %arg1, %mul3A : i32
      %mul3A_35 = arith.constant 8 : i32
      %mul3A_36 = arith.muli %scan3A_31, %mul3A_35 : i32
      %add3A = arith.addi %mul3A_34, %mul3A_36 : i32
      "tpu.region"() ({
        %run_scoped3A = tpu.sem_alloc : memref<!tpu.dma_semaphore, #tpu.memory_space<semaphore_mem>>
        %dma_start3A_246 = arith.constant 0 : i32
        %dma_start3A_247 = tpu.memref_slice %arg3[%add3A, %dma_start3A_246] : memref<2560x128xi32, #tpu.memory_space<hbm>> -> memref<8x128xi32, #tpu.memory_space<hbm>>
        %dma_start3A_248 = arith.constant 0 : i32
        %dma_start3A_249 = tpu.memref_slice %arg3[%add3A, %dma_start3A_248] : memref<2560x128xi32, #tpu.memory_space<hbm>> -> memref<8x128xi32, #tpu.memory_space<hbm>>
        tpu.enqueue_dma source(%dma_start3A_249 : memref<8x128xi32, #tpu.memory_space<hbm>>) target(%arg7 : memref<8x128xi32, #tpu.memory_space<vmem>>) target_semaphore(%run_scoped3A : memref<!tpu.dma_semaphore, #tpu.memory_space<semaphore_mem>>)
        %dma_wait3A_250 = arith.constant 0 : i32
        %dma_wait3A_251 = tpu.memref_slice %arg3[%add3A, %dma_wait3A_250] : memref<2560x128xi32, #tpu.memory_space<hbm>> -> memref<8x128xi32, #tpu.memory_space<hbm>>
        %dma_wait3A_252 = arith.constant 0 : i32
        %dma_wait3A_253 = tpu.memref_slice %arg3[%add3A, %dma_wait3A_252] : memref<2560x128xi32, #tpu.memory_space<hbm>> -> memref<8x128xi32, #tpu.memory_space<hbm>>
        tpu.wait_dma2 semaphore(%run_scoped3A : memref<!tpu.dma_semaphore, #tpu.memory_space<semaphore_mem>>) src(%dma_wait3A_253 : memref<8x128xi32, #tpu.memory_space<hbm>>) dst(%arg7 : memref<8x128xi32, #tpu.memory_space<vmem>>)
        tpu.yield
      }) : () -> ()
      "tpu.region"() ({
        %run_scoped3A = tpu.sem_alloc : memref<!tpu.dma_semaphore, #tpu.memory_space<semaphore_mem>>
        %dma_start3A_246 = arith.constant 0 : i32
        %dma_start3A_247 = tpu.memref_slice %arg4[%arg0, %add3A, %dma_start3A_246] : memref<2x2560x128xi32, #tpu.memory_space<hbm>> -> memref<1x8x128xi32, #tpu.memory_space<hbm>>
        %dma_start3A_248 = tpu.memref_squeeze %dma_start3A_247 : memref<1x8x128xi32, #tpu.memory_space<hbm>> -> memref<8x128xi32, #tpu.memory_space<hbm>>
        %dma_start3A_249 = arith.constant 0 : i32
        %dma_start3A_250 = tpu.memref_slice %arg4[%arg0, %add3A, %dma_start3A_249] : memref<2x2560x128xi32, #tpu.memory_space<hbm>> -> memref<1x8x128xi32, #tpu.memory_space<hbm>>
        %dma_start3A_251 = tpu.memref_squeeze %dma_start3A_250 : memref<1x8x128xi32, #tpu.memory_space<hbm>> -> memref<8x128xi32, #tpu.memory_space<hbm>>
        tpu.enqueue_dma source(%dma_start3A_251 : memref<8x128xi32, #tpu.memory_space<hbm>>) target(%arg8 : memref<8x128xi32, #tpu.memory_space<vmem>>) target_semaphore(%run_scoped3A : memref<!tpu.dma_semaphore, #tpu.memory_space<semaphore_mem>>)
        %dma_wait3A_252 = arith.constant 0 : i32
        %dma_wait3A_253 = tpu.memref_slice %arg4[%arg0, %add3A, %dma_wait3A_252] : memref<2x2560x128xi32, #tpu.memory_space<hbm>> -> memref<1x8x128xi32, #tpu.memory_space<hbm>>
        %dma_wait3A_254 = tpu.memref_squeeze %dma_wait3A_253 : memref<1x8x128xi32, #tpu.memory_space<hbm>> -> memref<8x128xi32, #tpu.memory_space<hbm>>
        %dma_wait3A_255 = arith.constant 0 : i32
        %dma_wait3A_256 = tpu.memref_slice %arg4[%arg0, %add3A, %dma_wait3A_255] : memref<2x2560x128xi32, #tpu.memory_space<hbm>> -> memref<1x8x128xi32, #tpu.memory_space<hbm>>
        %dma_wait3A_257 = tpu.memref_squeeze %dma_wait3A_256 : memref<1x8x128xi32, #tpu.memory_space<hbm>> -> memref<8x128xi32, #tpu.memory_space<hbm>>
        tpu.wait_dma2 semaphore(%run_scoped3A : memref<!tpu.dma_semaphore, #tpu.memory_space<semaphore_mem>>) src(%dma_wait3A_257 : memref<8x128xi32, #tpu.memory_space<hbm>>) dst(%arg8 : memref<8x128xi32, #tpu.memory_space<vmem>>)
        tpu.yield
      }) : () -> ()
      %dma_start3A = arith.constant 0 : i32
      %dma_start3A_37 = arith.constant 0 : i32
      %dma_start3A_38 = tpu.memref_slice %arg7[%dma_start3A, %dma_start3A_37] : memref<8x128xi32, #tpu.memory_space<vmem>> -> memref<1x128xi32, #tpu.memory_space<vmem>>
      %dma_start3A_39 = tpu.memref_squeeze %dma_start3A_38 : memref<1x128xi32, #tpu.memory_space<vmem>> -> memref<128xi32, #tpu.memory_space<vmem>>
      %dma_start3A_40 = arith.constant 0 : i32
      %dma_start3A_41 = arith.constant 0 : i32
      %dma_start3A_42 = tpu.memref_slice %arg2[%dma_start3A_40, %dma_start3A_41] : memref<10240x144xf32, #tpu.memory_space<hbm>> -> memref<10240x144xf32, #tpu.memory_space<hbm>>
      tpu.enqueue_indirect_dma source(%dma_start3A_42 : memref<10240x144xf32, #tpu.memory_space<hbm>>) target(%arg9 : memref<128x144xf32, #tpu.memory_space<vmem>>) offsets(%dma_start3A_39 : memref<128xi32, #tpu.memory_space<vmem>>) semaphore(%arg12 : memref<!tpu.dma_semaphore, #tpu.memory_space<semaphore_mem>>)
      %dma_start3A_43 = arith.constant 1 : i32
      %dma_start3A_44 = arith.constant 0 : i32
      %dma_start3A_45 = tpu.memref_slice %arg7[%dma_start3A_43, %dma_start3A_44] : memref<8x128xi32, #tpu.memory_space<vmem>> -> memref<1x128xi32, #tpu.memory_space<vmem>>
      %dma_start3A_46 = tpu.memref_squeeze %dma_start3A_45 : memref<1x128xi32, #tpu.memory_space<vmem>> -> memref<128xi32, #tpu.memory_space<vmem>>
      %dma_start3A_47 = arith.constant 0 : i32
      %dma_start3A_48 = arith.constant 0 : i32
      %dma_start3A_49 = tpu.memref_slice %arg2[%dma_start3A_47, %dma_start3A_48] : memref<10240x144xf32, #tpu.memory_space<hbm>> -> memref<10240x144xf32, #tpu.memory_space<hbm>>
      tpu.enqueue_indirect_dma source(%dma_start3A_49 : memref<10240x144xf32, #tpu.memory_space<hbm>>) target(%arg10 : memref<128x144xf32, #tpu.memory_space<vmem>>) offsets(%dma_start3A_46 : memref<128xi32, #tpu.memory_space<vmem>>) semaphore(%arg13 : memref<!tpu.dma_semaphore, #tpu.memory_space<semaphore_mem>>)
      %dma_wait3A_50 = arith.constant 0 : i32
      %dma_wait3A_51 = arith.constant 0 : i32
      %dma_wait3A_52 = tpu.memref_slice %arg7[%dma_wait3A_50, %dma_wait3A_51] : memref<8x128xi32, #tpu.memory_space<vmem>> -> memref<1x128xi32, #tpu.memory_space<vmem>>
      %dma_wait3A_53 = tpu.memref_squeeze %dma_wait3A_52 : memref<1x128xi32, #tpu.memory_space<vmem>> -> memref<128xi32, #tpu.memory_space<vmem>>
      %dma_wait3A_54 = arith.constant 0 : i32
      %dma_wait3A_55 = arith.constant 0 : i32
      %dma_wait3A_56 = tpu.memref_slice %arg2[%dma_wait3A_54, %dma_wait3A_55] : memref<10240x144xf32, #tpu.memory_space<hbm>> -> memref<10240x144xf32, #tpu.memory_space<hbm>>
      tpu.wait_indirect_dma semaphore(%arg12 : memref<!tpu.dma_semaphore, #tpu.memory_space<semaphore_mem>>) src(%dma_wait3A_56 : memref<10240x144xf32, #tpu.memory_space<hbm>>) dst(%arg9 : memref<128x144xf32, #tpu.memory_space<vmem>>)
      %dma_start3A_57 = arith.constant 0 : i32
      %dma_start3A_58 = arith.constant 0 : i32
      %dma_start3A_59 = tpu.memref_slice %arg8[%dma_start3A_57, %dma_start3A_58] : memref<8x128xi32, #tpu.memory_space<vmem>> -> memref<1x128xi32, #tpu.memory_space<vmem>>
      %dma_start3A_60 = tpu.memref_squeeze %dma_start3A_59 : memref<1x128xi32, #tpu.memory_space<vmem>> -> memref<128xi32, #tpu.memory_space<vmem>>
      %dma_start3A_61 = arith.constant 0 : i32
      %dma_start3A_62 = arith.constant 0 : i32
      %dma_start3A_63 = tpu.memref_slice %arg11[%dma_start3A_61, %dma_start3A_62] : memref<6144x144xf32, #tpu.memory_space<vmem_shared>> -> memref<6144x144xf32, #tpu.memory_space<vmem_shared>>
      tpu.enqueue_indirect_dma source(%arg9 : memref<128x144xf32, #tpu.memory_space<vmem>>) target(%dma_start3A_63 : memref<6144x144xf32, #tpu.memory_space<vmem_shared>>) offsets(%dma_start3A_60 : memref<128xi32, #tpu.memory_space<vmem>>) semaphore(%arg14 : memref<!tpu.dma_semaphore, #tpu.memory_space<semaphore_mem>>) {add = true}
      %dma_wait3A_64 = arith.constant 1 : i32
      %dma_wait3A_65 = arith.constant 0 : i32
      %dma_wait3A_66 = tpu.memref_slice %arg7[%dma_wait3A_64, %dma_wait3A_65] : memref<8x128xi32, #tpu.memory_space<vmem>> -> memref<1x128xi32, #tpu.memory_space<vmem>>
      %dma_wait3A_67 = tpu.memref_squeeze %dma_wait3A_66 : memref<1x128xi32, #tpu.memory_space<vmem>> -> memref<128xi32, #tpu.memory_space<vmem>>
      %dma_wait3A_68 = arith.constant 0 : i32
      %dma_wait3A_69 = arith.constant 0 : i32
      %dma_wait3A_70 = tpu.memref_slice %arg2[%dma_wait3A_68, %dma_wait3A_69] : memref<10240x144xf32, #tpu.memory_space<hbm>> -> memref<10240x144xf32, #tpu.memory_space<hbm>>
      tpu.wait_indirect_dma semaphore(%arg13 : memref<!tpu.dma_semaphore, #tpu.memory_space<semaphore_mem>>) src(%dma_wait3A_70 : memref<10240x144xf32, #tpu.memory_space<hbm>>) dst(%arg10 : memref<128x144xf32, #tpu.memory_space<vmem>>)
      %dma_start3A_71 = arith.constant 1 : i32
      %dma_start3A_72 = arith.constant 0 : i32
      %dma_start3A_73 = tpu.memref_slice %arg8[%dma_start3A_71, %dma_start3A_72] : memref<8x128xi32, #tpu.memory_space<vmem>> -> memref<1x128xi32, #tpu.memory_space<vmem>>
      %dma_start3A_74 = tpu.memref_squeeze %dma_start3A_73 : memref<1x128xi32, #tpu.memory_space<vmem>> -> memref<128xi32, #tpu.memory_space<vmem>>
      %dma_start3A_75 = arith.constant 0 : i32
      %dma_start3A_76 = arith.constant 0 : i32
      %dma_start3A_77 = tpu.memref_slice %arg11[%dma_start3A_75, %dma_start3A_76] : memref<6144x144xf32, #tpu.memory_space<vmem_shared>> -> memref<6144x144xf32, #tpu.memory_space<vmem_shared>>
      tpu.enqueue_indirect_dma source(%arg10 : memref<128x144xf32, #tpu.memory_space<vmem>>) target(%dma_start3A_77 : memref<6144x144xf32, #tpu.memory_space<vmem_shared>>) offsets(%dma_start3A_74 : memref<128xi32, #tpu.memory_space<vmem>>) semaphore(%arg15 : memref<!tpu.dma_semaphore, #tpu.memory_space<semaphore_mem>>) {add = true}
      %dma_wait3A_78 = arith.constant 0 : i32
      %dma_wait3A_79 = arith.constant 0 : i32
      %dma_wait3A_80 = tpu.memref_slice %arg8[%dma_wait3A_78, %dma_wait3A_79] : memref<8x128xi32, #tpu.memory_space<vmem>> -> memref<1x128xi32, #tpu.memory_space<vmem>>
      %dma_wait3A_81 = tpu.memref_squeeze %dma_wait3A_80 : memref<1x128xi32, #tpu.memory_space<vmem>> -> memref<128xi32, #tpu.memory_space<vmem>>
      %dma_wait3A_82 = arith.constant 0 : i32
      %dma_wait3A_83 = arith.constant 0 : i32
      %dma_wait3A_84 = tpu.memref_slice %arg11[%dma_wait3A_82, %dma_wait3A_83] : memref<6144x144xf32, #tpu.memory_space<vmem_shared>> -> memref<6144x144xf32, #tpu.memory_space<vmem_shared>>
      tpu.wait_indirect_dma semaphore(%arg14 : memref<!tpu.dma_semaphore, #tpu.memory_space<semaphore_mem>>) src(%arg9 : memref<128x144xf32, #tpu.memory_space<vmem>>) dst(%dma_wait3A_84 : memref<6144x144xf32, #tpu.memory_space<vmem_shared>>)
      %dma_wait3A_85 = arith.constant 1 : i32
      %dma_wait3A_86 = arith.constant 0 : i32
      %dma_wait3A_87 = tpu.memref_slice %arg8[%dma_wait3A_85, %dma_wait3A_86] : memref<8x128xi32, #tpu.memory_space<vmem>> -> memref<1x128xi32, #tpu.memory_space<vmem>>
      %dma_wait3A_88 = tpu.memref_squeeze %dma_wait3A_87 : memref<1x128xi32, #tpu.memory_space<vmem>> -> memref<128xi32, #tpu.memory_space<vmem>>
      %dma_wait3A_89 = arith.constant 0 : i32
      %dma_wait3A_90 = arith.constant 0 : i32
      %dma_wait3A_91 = tpu.memref_slice %arg11[%dma_wait3A_89, %dma_wait3A_90] : memref<6144x144xf32, #tpu.memory_space<vmem_shared>> -> memref<6144x144xf32, #tpu.memory_space<vmem_shared>>
      tpu.wait_indirect_dma semaphore(%arg15 : memref<!tpu.dma_semaphore, #tpu.memory_space<semaphore_mem>>) src(%arg10 : memref<128x144xf32, #tpu.memory_space<vmem>>) dst(%dma_wait3A_91 : memref<6144x144xf32, #tpu.memory_space<vmem_shared>>)
      %dma_start3A_92 = arith.constant 2 : i32
      %dma_start3A_93 = arith.constant 0 : i32
      %dma_start3A_94 = tpu.memref_slice %arg7[%dma_start3A_92, %dma_start3A_93] : memref<8x128xi32, #tpu.memory_space<vmem>> -> memref<1x128xi32, #tpu.memory_space<vmem>>
      %dma_start3A_95 = tpu.memref_squeeze %dma_start3A_94 : memref<1x128xi32, #tpu.memory_space<vmem>> -> memref<128xi32, #tpu.memory_space<vmem>>
      %dma_start3A_96 = arith.constant 0 : i32
      %dma_start3A_97 = arith.constant 0 : i32
      %dma_start3A_98 = tpu.memref_slice %arg2[%dma_start3A_96, %dma_start3A_97] : memref<10240x144xf32, #tpu.memory_space<hbm>> -> memref<10240x144xf32, #tpu.memory_space<hbm>>
      tpu.enqueue_indirect_dma source(%dma_start3A_98 : memref<10240x144xf32, #tpu.memory_space<hbm>>) target(%arg9 : memref<128x144xf32, #tpu.memory_space<vmem>>) offsets(%dma_start3A_95 : memref<128xi32, #tpu.memory_space<vmem>>) semaphore(%arg12 : memref<!tpu.dma_semaphore, #tpu.memory_space<semaphore_mem>>)
      %dma_start3A_99 = arith.constant 3 : i32
      %dma_start3A_100 = arith.constant 0 : i32
      %dma_start3A_101 = tpu.memref_slice %arg7[%dma_start3A_99, %dma_start3A_100] : memref<8x128xi32, #tpu.memory_space<vmem>> -> memref<1x128xi32, #tpu.memory_space<vmem>>
      %dma_start3A_102 = tpu.memref_squeeze %dma_start3A_101 : memref<1x128xi32, #tpu.memory_space<vmem>> -> memref<128xi32, #tpu.memory_space<vmem>>
      %dma_start3A_103 = arith.constant 0 : i32
      %dma_start3A_104 = arith.constant 0 : i32
      %dma_start3A_105 = tpu.memref_slice %arg2[%dma_start3A_103, %dma_start3A_104] : memref<10240x144xf32, #tpu.memory_space<hbm>> -> memref<10240x144xf32, #tpu.memory_space<hbm>>
      tpu.enqueue_indirect_dma source(%dma_start3A_105 : memref<10240x144xf32, #tpu.memory_space<hbm>>) target(%arg10 : memref<128x144xf32, #tpu.memory_space<vmem>>) offsets(%dma_start3A_102 : memref<128xi32, #tpu.memory_space<vmem>>) semaphore(%arg13 : memref<!tpu.dma_semaphore, #tpu.memory_space<semaphore_mem>>)
      %dma_wait3A_106 = arith.constant 2 : i32
      %dma_wait3A_107 = arith.constant 0 : i32
      %dma_wait3A_108 = tpu.memref_slice %arg7[%dma_wait3A_106, %dma_wait3A_107] : memref<8x128xi32, #tpu.memory_space<vmem>> -> memref<1x128xi32, #tpu.memory_space<vmem>>
      %dma_wait3A_109 = tpu.memref_squeeze %dma_wait3A_108 : memref<1x128xi32, #tpu.memory_space<vmem>> -> memref<128xi32, #tpu.memory_space<vmem>>
      %dma_wait3A_110 = arith.constant 0 : i32
      %dma_wait3A_111 = arith.constant 0 : i32
      %dma_wait3A_112 = tpu.memref_slice %arg2[%dma_wait3A_110, %dma_wait3A_111] : memref<10240x144xf32, #tpu.memory_space<hbm>> -> memref<10240x144xf32, #tpu.memory_space<hbm>>
      tpu.wait_indirect_dma semaphore(%arg12 : memref<!tpu.dma_semaphore, #tpu.memory_space<semaphore_mem>>) src(%dma_wait3A_112 : memref<10240x144xf32, #tpu.memory_space<hbm>>) dst(%arg9 : memref<128x144xf32, #tpu.memory_space<vmem>>)
      %dma_start3A_113 = arith.constant 2 : i32
      %dma_start3A_114 = arith.constant 0 : i32
      %dma_start3A_115 = tpu.memref_slice %arg8[%dma_start3A_113, %dma_start3A_114] : memref<8x128xi32, #tpu.memory_space<vmem>> -> memref<1x128xi32, #tpu.memory_space<vmem>>
      %dma_start3A_116 = tpu.memref_squeeze %dma_start3A_115 : memref<1x128xi32, #tpu.memory_space<vmem>> -> memref<128xi32, #tpu.memory_space<vmem>>
      %dma_start3A_117 = arith.constant 0 : i32
      %dma_start3A_118 = arith.constant 0 : i32
      %dma_start3A_119 = tpu.memref_slice %arg11[%dma_start3A_117, %dma_start3A_118] : memref<6144x144xf32, #tpu.memory_space<vmem_shared>> -> memref<6144x144xf32, #tpu.memory_space<vmem_shared>>
      tpu.enqueue_indirect_dma source(%arg9 : memref<128x144xf32, #tpu.memory_space<vmem>>) target(%dma_start3A_119 : memref<6144x144xf32, #tpu.memory_space<vmem_shared>>) offsets(%dma_start3A_116 : memref<128xi32, #tpu.memory_space<vmem>>) semaphore(%arg14 : memref<!tpu.dma_semaphore, #tpu.memory_space<semaphore_mem>>) {add = true}
      %dma_wait3A_120 = arith.constant 3 : i32
      %dma_wait3A_121 = arith.constant 0 : i32
      %dma_wait3A_122 = tpu.memref_slice %arg7[%dma_wait3A_120, %dma_wait3A_121] : memref<8x128xi32, #tpu.memory_space<vmem>> -> memref<1x128xi32, #tpu.memory_space<vmem>>
      %dma_wait3A_123 = tpu.memref_squeeze %dma_wait3A_122 : memref<1x128xi32, #tpu.memory_space<vmem>> -> memref<128xi32, #tpu.memory_space<vmem>>
      %dma_wait3A_124 = arith.constant 0 : i32
      %dma_wait3A_125 = arith.constant 0 : i32
      %dma_wait3A_126 = tpu.memref_slice %arg2[%dma_wait3A_124, %dma_wait3A_125] : memref<10240x144xf32, #tpu.memory_space<hbm>> -> memref<10240x144xf32, #tpu.memory_space<hbm>>
      tpu.wait_indirect_dma semaphore(%arg13 : memref<!tpu.dma_semaphore, #tpu.memory_space<semaphore_mem>>) src(%dma_wait3A_126 : memref<10240x144xf32, #tpu.memory_space<hbm>>) dst(%arg10 : memref<128x144xf32, #tpu.memory_space<vmem>>)
      %dma_start3A_127 = arith.constant 3 : i32
      %dma_start3A_128 = arith.constant 0 : i32
      %dma_start3A_129 = tpu.memref_slice %arg8[%dma_start3A_127, %dma_start3A_128] : memref<8x128xi32, #tpu.memory_space<vmem>> -> memref<1x128xi32, #tpu.memory_space<vmem>>
      %dma_start3A_130 = tpu.memref_squeeze %dma_start3A_129 : memref<1x128xi32, #tpu.memory_space<vmem>> -> memref<128xi32, #tpu.memory_space<vmem>>
      %dma_start3A_131 = arith.constant 0 : i32
      %dma_start3A_132 = arith.constant 0 : i32
      %dma_start3A_133 = tpu.memref_slice %arg11[%dma_start3A_131, %dma_start3A_132] : memref<6144x144xf32, #tpu.memory_space<vmem_shared>> -> memref<6144x144xf32, #tpu.memory_space<vmem_shared>>
      tpu.enqueue_indirect_dma source(%arg10 : memref<128x144xf32, #tpu.memory_space<vmem>>) target(%dma_start3A_133 : memref<6144x144xf32, #tpu.memory_space<vmem_shared>>) offsets(%dma_start3A_130 : memref<128xi32, #tpu.memory_space<vmem>>) semaphore(%arg15 : memref<!tpu.dma_semaphore, #tpu.memory_space<semaphore_mem>>) {add = true}
      %dma_wait3A_134 = arith.constant 2 : i32
      %dma_wait3A_135 = arith.constant 0 : i32
      %dma_wait3A_136 = tpu.memref_slice %arg8[%dma_wait3A_134, %dma_wait3A_135] : memref<8x128xi32, #tpu.memory_space<vmem>> -> memref<1x128xi32, #tpu.memory_space<vmem>>
      %dma_wait3A_137 = tpu.memref_squeeze %dma_wait3A_136 : memref<1x128xi32, #tpu.memory_space<vmem>> -> memref<128xi32, #tpu.memory_space<vmem>>
      %dma_wait3A_138 = arith.constant 0 : i32
      %dma_wait3A_139 = arith.constant 0 : i32
      %dma_wait3A_140 = tpu.memref_slice %arg11[%dma_wait3A_138, %dma_wait3A_139] : memref<6144x144xf32, #tpu.memory_space<vmem_shared>> -> memref<6144x144xf32, #tpu.memory_space<vmem_shared>>
      tpu.wait_indirect_dma semaphore(%arg14 : memref<!tpu.dma_semaphore, #tpu.memory_space<semaphore_mem>>) src(%arg9 : memref<128x144xf32, #tpu.memory_space<vmem>>) dst(%dma_wait3A_140 : memref<6144x144xf32, #tpu.memory_space<vmem_shared>>)
      %dma_wait3A_141 = arith.constant 3 : i32
      %dma_wait3A_142 = arith.constant 0 : i32
      %dma_wait3A_143 = tpu.memref_slice %arg8[%dma_wait3A_141, %dma_wait3A_142] : memref<8x128xi32, #tpu.memory_space<vmem>> -> memref<1x128xi32, #tpu.memory_space<vmem>>
      %dma_wait3A_144 = tpu.memref_squeeze %dma_wait3A_143 : memref<1x128xi32, #tpu.memory_space<vmem>> -> memref<128xi32, #tpu.memory_space<vmem>>
      %dma_wait3A_145 = arith.constant 0 : i32
      %dma_wait3A_146 = arith.constant 0 : i32
      %dma_wait3A_147 = tpu.memref_slice %arg11[%dma_wait3A_145, %dma_wait3A_146] : memref<6144x144xf32, #tpu.memory_space<vmem_shared>> -> memref<6144x144xf32, #tpu.memory_space<vmem_shared>>
      tpu.wait_indirect_dma semaphore(%arg15 : memref<!tpu.dma_semaphore, #tpu.memory_space<semaphore_mem>>) src(%arg10 : memref<128x144xf32, #tpu.memory_space<vmem>>) dst(%dma_wait3A_147 : memref<6144x144xf32, #tpu.memory_space<vmem_shared>>)
      %dma_start3A_148 = arith.constant 4 : i32
      %dma_start3A_149 = arith.constant 0 : i32
      %dma_start3A_150 = tpu.memref_slice %arg7[%dma_start3A_148, %dma_start3A_149] : memref<8x128xi32, #tpu.memory_space<vmem>> -> memref<1x128xi32, #tpu.memory_space<vmem>>
      %dma_start3A_151 = tpu.memref_squeeze %dma_start3A_150 : memref<1x128xi32, #tpu.memory_space<vmem>> -> memref<128xi32, #tpu.memory_space<vmem>>
      %dma_start3A_152 = arith.constant 0 : i32
      %dma_start3A_153 = arith.constant 0 : i32
      %dma_start3A_154 = tpu.memref_slice %arg2[%dma_start3A_152, %dma_start3A_153] : memref<10240x144xf32, #tpu.memory_space<hbm>> -> memref<10240x144xf32, #tpu.memory_space<hbm>>
      tpu.enqueue_indirect_dma source(%dma_start3A_154 : memref<10240x144xf32, #tpu.memory_space<hbm>>) target(%arg9 : memref<128x144xf32, #tpu.memory_space<vmem>>) offsets(%dma_start3A_151 : memref<128xi32, #tpu.memory_space<vmem>>) semaphore(%arg12 : memref<!tpu.dma_semaphore, #tpu.memory_space<semaphore_mem>>)
      %dma_start3A_155 = arith.constant 5 : i32
      %dma_start3A_156 = arith.constant 0 : i32
      %dma_start3A_157 = tpu.memref_slice %arg7[%dma_start3A_155, %dma_start3A_156] : memref<8x128xi32, #tpu.memory_space<vmem>> -> memref<1x128xi32, #tpu.memory_space<vmem>>
      %dma_start3A_158 = tpu.memref_squeeze %dma_start3A_157 : memref<1x128xi32, #tpu.memory_space<vmem>> -> memref<128xi32, #tpu.memory_space<vmem>>
      %dma_start3A_159 = arith.constant 0 : i32
      %dma_start3A_160 = arith.constant 0 : i32
      %dma_start3A_161 = tpu.memref_slice %arg2[%dma_start3A_159, %dma_start3A_160] : memref<10240x144xf32, #tpu.memory_space<hbm>> -> memref<10240x144xf32, #tpu.memory_space<hbm>>
      tpu.enqueue_indirect_dma source(%dma_start3A_161 : memref<10240x144xf32, #tpu.memory_space<hbm>>) target(%arg10 : memref<128x144xf32, #tpu.memory_space<vmem>>) offsets(%dma_start3A_158 : memref<128xi32, #tpu.memory_space<vmem>>) semaphore(%arg13 : memref<!tpu.dma_semaphore, #tpu.memory_space<semaphore_mem>>)
      %dma_wait3A_162 = arith.constant 4 : i32
      %dma_wait3A_163 = arith.constant 0 : i32
      %dma_wait3A_164 = tpu.memref_slice %arg7[%dma_wait3A_162, %dma_wait3A_163] : memref<8x128xi32, #tpu.memory_space<vmem>> -> memref<1x128xi32, #tpu.memory_space<vmem>>
      %dma_wait3A_165 = tpu.memref_squeeze %dma_wait3A_164 : memref<1x128xi32, #tpu.memory_space<vmem>> -> memref<128xi32, #tpu.memory_space<vmem>>
      %dma_wait3A_166 = arith.constant 0 : i32
      %dma_wait3A_167 = arith.constant 0 : i32
      %dma_wait3A_168 = tpu.memref_slice %arg2[%dma_wait3A_166, %dma_wait3A_167] : memref<10240x144xf32, #tpu.memory_space<hbm>> -> memref<10240x144xf32, #tpu.memory_space<hbm>>
      tpu.wait_indirect_dma semaphore(%arg12 : memref<!tpu.dma_semaphore, #tpu.memory_space<semaphore_mem>>) src(%dma_wait3A_168 : memref<10240x144xf32, #tpu.memory_space<hbm>>) dst(%arg9 : memref<128x144xf32, #tpu.memory_space<vmem>>)
      %dma_start3A_169 = arith.constant 4 : i32
      %dma_start3A_170 = arith.constant 0 : i32
      %dma_start3A_171 = tpu.memref_slice %arg8[%dma_start3A_169, %dma_start3A_170] : memref<8x128xi32, #tpu.memory_space<vmem>> -> memref<1x128xi32, #tpu.memory_space<vmem>>
      %dma_start3A_172 = tpu.memref_squeeze %dma_start3A_171 : memref<1x128xi32, #tpu.memory_space<vmem>> -> memref<128xi32, #tpu.memory_space<vmem>>
      %dma_start3A_173 = arith.constant 0 : i32
      %dma_start3A_174 = arith.constant 0 : i32
      %dma_start3A_175 = tpu.memref_slice %arg11[%dma_start3A_173, %dma_start3A_174] : memref<6144x144xf32, #tpu.memory_space<vmem_shared>> -> memref<6144x144xf32, #tpu.memory_space<vmem_shared>>
      tpu.enqueue_indirect_dma source(%arg9 : memref<128x144xf32, #tpu.memory_space<vmem>>) target(%dma_start3A_175 : memref<6144x144xf32, #tpu.memory_space<vmem_shared>>) offsets(%dma_start3A_172 : memref<128xi32, #tpu.memory_space<vmem>>) semaphore(%arg14 : memref<!tpu.dma_semaphore, #tpu.memory_space<semaphore_mem>>) {add = true}
      %dma_wait3A_176 = arith.constant 5 : i32
      %dma_wait3A_177 = arith.constant 0 : i32
      %dma_wait3A_178 = tpu.memref_slice %arg7[%dma_wait3A_176, %dma_wait3A_177] : memref<8x128xi32, #tpu.memory_space<vmem>> -> memref<1x128xi32, #tpu.memory_space<vmem>>
      %dma_wait3A_179 = tpu.memref_squeeze %dma_wait3A_178 : memref<1x128xi32, #tpu.memory_space<vmem>> -> memref<128xi32, #tpu.memory_space<vmem>>
      %dma_wait3A_180 = arith.constant 0 : i32
      %dma_wait3A_181 = arith.constant 0 : i32
      %dma_wait3A_182 = tpu.memref_slice %arg2[%dma_wait3A_180, %dma_wait3A_181] : memref<10240x144xf32, #tpu.memory_space<hbm>> -> memref<10240x144xf32, #tpu.memory_space<hbm>>
      tpu.wait_indirect_dma semaphore(%arg13 : memref<!tpu.dma_semaphore, #tpu.memory_space<semaphore_mem>>) src(%dma_wait3A_182 : memref<10240x144xf32, #tpu.memory_space<hbm>>) dst(%arg10 : memref<128x144xf32, #tpu.memory_space<vmem>>)
      %dma_start3A_183 = arith.constant 5 : i32
      %dma_start3A_184 = arith.constant 0 : i32
      %dma_start3A_185 = tpu.memref_slice %arg8[%dma_start3A_183, %dma_start3A_184] : memref<8x128xi32, #tpu.memory_space<vmem>> -> memref<1x128xi32, #tpu.memory_space<vmem>>
      %dma_start3A_186 = tpu.memref_squeeze %dma_start3A_185 : memref<1x128xi32, #tpu.memory_space<vmem>> -> memref<128xi32, #tpu.memory_space<vmem>>
      %dma_start3A_187 = arith.constant 0 : i32
      %dma_start3A_188 = arith.constant 0 : i32
      %dma_start3A_189 = tpu.memref_slice %arg11[%dma_start3A_187, %dma_start3A_188] : memref<6144x144xf32, #tpu.memory_space<vmem_shared>> -> memref<6144x144xf32, #tpu.memory_space<vmem_shared>>
      tpu.enqueue_indirect_dma source(%arg10 : memref<128x144xf32, #tpu.memory_space<vmem>>) target(%dma_start3A_189 : memref<6144x144xf32, #tpu.memory_space<vmem_shared>>) offsets(%dma_start3A_186 : memref<128xi32, #tpu.memory_space<vmem>>) semaphore(%arg15 : memref<!tpu.dma_semaphore, #tpu.memory_space<semaphore_mem>>) {add = true}
      %dma_wait3A_190 = arith.constant 4 : i32
      %dma_wait3A_191 = arith.constant 0 : i32
      %dma_wait3A_192 = tpu.memref_slice %arg8[%dma_wait3A_190, %dma_wait3A_191] : memref<8x128xi32, #tpu.memory_space<vmem>> -> memref<1x128xi32, #tpu.memory_space<vmem>>
      %dma_wait3A_193 = tpu.memref_squeeze %dma_wait3A_192 : memref<1x128xi32, #tpu.memory_space<vmem>> -> memref<128xi32, #tpu.memory_space<vmem>>
      %dma_wait3A_194 = arith.constant 0 : i32
      %dma_wait3A_195 = arith.constant 0 : i32
      %dma_wait3A_196 = tpu.memref_slice %arg11[%dma_wait3A_194, %dma_wait3A_195] : memref<6144x144xf32, #tpu.memory_space<vmem_shared>> -> memref<6144x144xf32, #tpu.memory_space<vmem_shared>>
      tpu.wait_indirect_dma semaphore(%arg14 : memref<!tpu.dma_semaphore, #tpu.memory_space<semaphore_mem>>) src(%arg9 : memref<128x144xf32, #tpu.memory_space<vmem>>) dst(%dma_wait3A_196 : memref<6144x144xf32, #tpu.memory_space<vmem_shared>>)
      %dma_wait3A_197 = arith.constant 5 : i32
      %dma_wait3A_198 = arith.constant 0 : i32
      %dma_wait3A_199 = tpu.memref_slice %arg8[%dma_wait3A_197, %dma_wait3A_198] : memref<8x128xi32, #tpu.memory_space<vmem>> -> memref<1x128xi32, #tpu.memory_space<vmem>>
      %dma_wait3A_200 = tpu.memref_squeeze %dma_wait3A_199 : memref<1x128xi32, #tpu.memory_space<vmem>> -> memref<128xi32, #tpu.memory_space<vmem>>
      %dma_wait3A_201 = arith.constant 0 : i32
      %dma_wait3A_202 = arith.constant 0 : i32
      %dma_wait3A_203 = tpu.memref_slice %arg11[%dma_wait3A_201, %dma_wait3A_202] : memref<6144x144xf32, #tpu.memory_space<vmem_shared>> -> memref<6144x144xf32, #tpu.memory_space<vmem_shared>>
      tpu.wait_indirect_dma semaphore(%arg15 : memref<!tpu.dma_semaphore, #tpu.memory_space<semaphore_mem>>) src(%arg10 : memref<128x144xf32, #tpu.memory_space<vmem>>) dst(%dma_wait3A_203 : memref<6144x144xf32, #tpu.memory_space<vmem_shared>>)
      %dma_start3A_204 = arith.constant 6 : i32
      %dma_start3A_205 = arith.constant 0 : i32
      %dma_start3A_206 = tpu.memref_slice %arg7[%dma_start3A_204, %dma_start3A_205] : memref<8x128xi32, #tpu.memory_space<vmem>> -> memref<1x128xi32, #tpu.memory_space<vmem>>
      %dma_start3A_207 = tpu.memref_squeeze %dma_start3A_206 : memref<1x128xi32, #tpu.memory_space<vmem>> -> memref<128xi32, #tpu.memory_space<vmem>>
      %dma_start3A_208 = arith.constant 0 : i32
      %dma_start3A_209 = arith.constant 0 : i32
      %dma_start3A_210 = tpu.memref_slice %arg2[%dma_start3A_208, %dma_start3A_209] : memref<10240x144xf32, #tpu.memory_space<hbm>> -> memref<10240x144xf32, #tpu.memory_space<hbm>>
      tpu.enqueue_indirect_dma source(%dma_start3A_210 : memref<10240x144xf32, #tpu.memory_space<hbm>>) target(%arg9 : memref<128x144xf32, #tpu.memory_space<vmem>>) offsets(%dma_start3A_207 : memref<128xi32, #tpu.memory_space<vmem>>) semaphore(%arg12 : memref<!tpu.dma_semaphore, #tpu.memory_space<semaphore_mem>>)
      %dma_start3A_211 = arith.constant 7 : i32
      %dma_start3A_212 = arith.constant 0 : i32
      %dma_start3A_213 = tpu.memref_slice %arg7[%dma_start3A_211, %dma_start3A_212] : memref<8x128xi32, #tpu.memory_space<vmem>> -> memref<1x128xi32, #tpu.memory_space<vmem>>
      %dma_start3A_214 = tpu.memref_squeeze %dma_start3A_213 : memref<1x128xi32, #tpu.memory_space<vmem>> -> memref<128xi32, #tpu.memory_space<vmem>>
      %dma_start3A_215 = arith.constant 0 : i32
      %dma_start3A_216 = arith.constant 0 : i32
      %dma_start3A_217 = tpu.memref_slice %arg2[%dma_start3A_215, %dma_start3A_216] : memref<10240x144xf32, #tpu.memory_space<hbm>> -> memref<10240x144xf32, #tpu.memory_space<hbm>>
      tpu.enqueue_indirect_dma source(%dma_start3A_217 : memref<10240x144xf32, #tpu.memory_space<hbm>>) target(%arg10 : memref<128x144xf32, #tpu.memory_space<vmem>>) offsets(%dma_start3A_214 : memref<128xi32, #tpu.memory_space<vmem>>) semaphore(%arg13 : memref<!tpu.dma_semaphore, #tpu.memory_space<semaphore_mem>>)
      %dma_wait3A_218 = arith.constant 6 : i32
      %dma_wait3A_219 = arith.constant 0 : i32
      %dma_wait3A_220 = tpu.memref_slice %arg7[%dma_wait3A_218, %dma_wait3A_219] : memref<8x128xi32, #tpu.memory_space<vmem>> -> memref<1x128xi32, #tpu.memory_space<vmem>>
      %dma_wait3A_221 = tpu.memref_squeeze %dma_wait3A_220 : memref<1x128xi32, #tpu.memory_space<vmem>> -> memref<128xi32, #tpu.memory_space<vmem>>
      %dma_wait3A_222 = arith.constant 0 : i32
      %dma_wait3A_223 = arith.constant 0 : i32
      %dma_wait3A_224 = tpu.memref_slice %arg2[%dma_wait3A_222, %dma_wait3A_223] : memref<10240x144xf32, #tpu.memory_space<hbm>> -> memref<10240x144xf32, #tpu.memory_space<hbm>>
      tpu.wait_indirect_dma semaphore(%arg12 : memref<!tpu.dma_semaphore, #tpu.memory_space<semaphore_mem>>) src(%dma_wait3A_224 : memref<10240x144xf32, #tpu.memory_space<hbm>>) dst(%arg9 : memref<128x144xf32, #tpu.memory_space<vmem>>)
      %dma_start3A_225 = arith.constant 6 : i32
      %dma_start3A_226 = arith.constant 0 : i32
      %dma_start3A_227 = tpu.memref_slice %arg8[%dma_start3A_225, %dma_start3A_226] : memref<8x128xi32, #tpu.memory_space<vmem>> -> memref<1x128xi32, #tpu.memory_space<vmem>>
      %dma_start3A_228 = tpu.memref_squeeze %dma_start3A_227 : memref<1x128xi32, #tpu.memory_space<vmem>> -> memref<128xi32, #tpu.memory_space<vmem>>
      %dma_start3A_229 = arith.constant 0 : i32
      %dma_start3A_230 = arith.constant 0 : i32
      %dma_start3A_231 = tpu.memref_slice %arg11[%dma_start3A_229, %dma_start3A_230] : memref<6144x144xf32, #tpu.memory_space<vmem_shared>> -> memref<6144x144xf32, #tpu.memory_space<vmem_shared>>
      tpu.enqueue_indirect_dma source(%arg9 : memref<128x144xf32, #tpu.memory_space<vmem>>) target(%dma_start3A_231 : memref<6144x144xf32, #tpu.memory_space<vmem_shared>>) offsets(%dma_start3A_228 : memref<128xi32, #tpu.memory_space<vmem>>) semaphore(%arg14 : memref<!tpu.dma_semaphore, #tpu.memory_space<semaphore_mem>>) {add = true}
      %dma_wait3A_232 = arith.constant 7 : i32
      %dma_wait3A_233 = arith.constant 0 : i32
      %dma_wait3A_234 = tpu.memref_slice %arg7[%dma_wait3A_232, %dma_wait3A_233] : memref<8x128xi32, #tpu.memory_space<vmem>> -> memref<1x128xi32, #tpu.memory_space<vmem>>
      %dma_wait3A_235 = tpu.memref_squeeze %dma_wait3A_234 : memref<1x128xi32, #tpu.memory_space<vmem>> -> memref<128xi32, #tpu.memory_space<vmem>>
      %dma_wait3A_236 = arith.constant 0 : i32
      %dma_wait3A_237 = arith.constant 0 : i32
      %dma_wait3A_238 = tpu.memref_slice %arg2[%dma_wait3A_236, %dma_wait3A_237] : memref<10240x144xf32, #tpu.memory_space<hbm>> -> memref<10240x144xf32, #tpu.memory_space<hbm>>
      tpu.wait_indirect_dma semaphore(%arg13 : memref<!tpu.dma_semaphore, #tpu.memory_space<semaphore_mem>>) src(%dma_wait3A_238 : memref<10240x144xf32, #tpu.memory_space<hbm>>) dst(%arg10 : memref<128x144xf32, #tpu.memory_space<vmem>>)
      %dma_start3A_239 = arith.constant 7 : i32
      %dma_start3A_240 = arith.constant 0 : i32
      %dma_start3A_241 = tpu.memref_slice %arg8[%dma_start3A_239, %dma_start3A_240] : memref<8x128xi32, #tpu.memory_space<vmem>> -> memref<1x128xi32, #tpu.memory_space<vmem>>
      %dma_start3A_242 = tpu.memref_squeeze %dma_start3A_241 : memref<1x128xi32, #tpu.memory_space<vmem>> -> memref<128xi32, #tpu.memory_space<vmem>>
      %dma_start3A_243 = arith.constant 0 : i32
      %dma_start3A_244 = arith.constant 0 : i32
      %dma_start3A_245 = tpu.memref_slice %arg11[%dma_start3A_243, %dma_start3A_244] : memref<6144x144xf32, #tpu.memory_space<vmem_shared>> -> memref<6144x144xf32, #tpu.memory_space<vmem_shared>>
      tpu.enqueue_indirect_dma source(%arg10 : memref<128x144xf32, #tpu.memory_space<vmem>>) target(%dma_start3A_245 : memref<6144x144xf32, #tpu.memory_space<vmem_shared>>) offsets(%dma_start3A_242 : memref<128xi32, #tpu.memory_space<vmem>>) semaphore(%arg15 : memref<!tpu.dma_semaphore, #tpu.memory_space<semaphore_mem>>) {add = true}
    }
    %scan3A_10 = arith.constant 20 : i32
    %dma_wait3A = arith.constant 6 : i32
    %dma_wait3A_11 = arith.constant 0 : i32
    %dma_wait3A_12 = tpu.memref_slice %arg8[%dma_wait3A, %dma_wait3A_11] : memref<8x128xi32, #tpu.memory_space<vmem>> -> memref<1x128xi32, #tpu.memory_space<vmem>>
    %dma_wait3A_13 = tpu.memref_squeeze %dma_wait3A_12 : memref<1x128xi32, #tpu.memory_space<vmem>> -> memref<128xi32, #tpu.memory_space<vmem>>
    %dma_wait3A_14 = arith.constant 0 : i32
    %dma_wait3A_15 = arith.constant 0 : i32
    %dma_wait3A_16 = tpu.memref_slice %arg11[%dma_wait3A_14, %dma_wait3A_15] : memref<6144x144xf32, #tpu.memory_space<vmem_shared>> -> memref<6144x144xf32, #tpu.memory_space<vmem_shared>>
    tpu.wait_indirect_dma semaphore(%arg14 : memref<!tpu.dma_semaphore, #tpu.memory_space<semaphore_mem>>) src(%arg9 : memref<128x144xf32, #tpu.memory_space<vmem>>) dst(%dma_wait3A_16 : memref<6144x144xf32, #tpu.memory_space<vmem_shared>>)
    %dma_wait3A_17 = arith.constant 7 : i32
    %dma_wait3A_18 = arith.constant 0 : i32
    %dma_wait3A_19 = tpu.memref_slice %arg8[%dma_wait3A_17, %dma_wait3A_18] : memref<8x128xi32, #tpu.memory_space<vmem>> -> memref<1x128xi32, #tpu.memory_space<vmem>>
    %dma_wait3A_20 = tpu.memref_squeeze %dma_wait3A_19 : memref<1x128xi32, #tpu.memory_space<vmem>> -> memref<128xi32, #tpu.memory_space<vmem>>
    %dma_wait3A_21 = arith.constant 0 : i32
    %dma_wait3A_22 = arith.constant 0 : i32
    %dma_wait3A_23 = tpu.memref_slice %arg11[%dma_wait3A_21, %dma_wait3A_22] : memref<6144x144xf32, #tpu.memory_space<vmem_shared>> -> memref<6144x144xf32, #tpu.memory_space<vmem_shared>>
    tpu.wait_indirect_dma semaphore(%arg15 : memref<!tpu.dma_semaphore, #tpu.memory_space<semaphore_mem>>) src(%arg10 : memref<128x144xf32, #tpu.memory_space<vmem>>) dst(%dma_wait3A_23 : memref<6144x144xf32, #tpu.memory_space<vmem_shared>>)
    %barrier3A_24 = arith.constant 0 : index
    tpu.barrier barrier_id(%barrier3A_24)
    %scan3A_25 = arith.constant 0 : i32
    %scan3A_26 = arith.constant 0 : i32
    %scan3A_27 = arith.constant 3 : i32
    %scan3A_28 = arith.addi %scan3A_26, %scan3A_27 : i32
    %scan3A_29 = arith.constant 1 : i32
    scf.for %scan3A_31 = %scan3A_26 to %scan3A_28 step %scan3A_29  : i32 {
      %mul3A = arith.constant 3 : i32
      %mul3A_32 = arith.muli %arg1, %mul3A : i32
      %add3A = arith.addi %mul3A_32, %scan3A_31 : i32
      %mul3A_33 = arith.constant 128 : i32
      %mul3A_34 = arith.muli %add3A, %mul3A_33 : i32
      "tpu.region"() ({
        %run_scoped3A = tpu.sem_alloc : memref<!tpu.dma_semaphore, #tpu.memory_space<semaphore_mem>>
        %dma_start3A = arith.constant 0 : i32
        %dma_start3A_35 = tpu.memref_slice %arg11[%mul3A_34, %dma_start3A] : memref<6144x144xf32, #tpu.memory_space<vmem_shared>> -> memref<128x144xf32, #tpu.memory_space<vmem_shared>>
        %dma_start3A_36 = arith.constant 0 : i32
        %dma_start3A_37 = tpu.memref_slice %arg11[%mul3A_34, %dma_start3A_36] : memref<6144x144xf32, #tpu.memory_space<vmem_shared>> -> memref<128x144xf32, #tpu.memory_space<vmem_shared>>
        tpu.enqueue_dma source(%dma_start3A_37 : memref<128x144xf32, #tpu.memory_space<vmem_shared>>) target(%arg9 : memref<128x144xf32, #tpu.memory_space<vmem>>) target_semaphore(%run_scoped3A : memref<!tpu.dma_semaphore, #tpu.memory_space<semaphore_mem>>)
        %dma_wait3A_38 = arith.constant 0 : i32
        %dma_wait3A_39 = tpu.memref_slice %arg11[%mul3A_34, %dma_wait3A_38] : memref<6144x144xf32, #tpu.memory_space<vmem_shared>> -> memref<128x144xf32, #tpu.memory_space<vmem_shared>>
        %dma_wait3A_40 = arith.constant 0 : i32
        %dma_wait3A_41 = tpu.memref_slice %arg11[%mul3A_34, %dma_wait3A_40] : memref<6144x144xf32, #tpu.memory_space<vmem_shared>> -> memref<128x144xf32, #tpu.memory_space<vmem_shared>>
        tpu.wait_dma2 semaphore(%run_scoped3A : memref<!tpu.dma_semaphore, #tpu.memory_space<semaphore_mem>>) src(%dma_wait3A_41 : memref<128x144xf32, #tpu.memory_space<vmem_shared>>) dst(%arg9 : memref<128x144xf32, #tpu.memory_space<vmem>>)
        tpu.yield
      }) : () -> ()
      "tpu.region"() ({
        %run_scoped3A = tpu.sem_alloc : memref<!tpu.dma_semaphore, #tpu.memory_space<semaphore_mem>>
        %dma_start3A = arith.constant 0 : i32
        %dma_start3A_35 = tpu.memref_slice %arg6[%arg0, %mul3A_34, %dma_start3A] : memref<2x6144x144xf32, #tpu.memory_space<hbm>> -> memref<1x128x144xf32, #tpu.memory_space<hbm>>
        %dma_start3A_36 = tpu.memref_squeeze %dma_start3A_35 : memref<1x128x144xf32, #tpu.memory_space<hbm>> -> memref<128x144xf32, #tpu.memory_space<hbm>>
        %dma_start3A_37 = arith.constant 0 : i32
        %dma_start3A_38 = tpu.memref_slice %arg6[%arg0, %mul3A_34, %dma_start3A_37] : memref<2x6144x144xf32, #tpu.memory_space<hbm>> -> memref<1x128x144xf32, #tpu.memory_space<hbm>>
        %dma_start3A_39 = tpu.memref_squeeze %dma_start3A_38 : memref<1x128x144xf32, #tpu.memory_space<hbm>> -> memref<128x144xf32, #tpu.memory_space<hbm>>
        tpu.enqueue_dma source(%arg9 : memref<128x144xf32, #tpu.memory_space<vmem>>) target(%dma_start3A_39 : memref<128x144xf32, #tpu.memory_space<hbm>>) target_semaphore(%run_scoped3A : memref<!tpu.dma_semaphore, #tpu.memory_space<semaphore_mem>>)
        %dma_wait3A_40 = arith.constant 0 : i32
        %dma_wait3A_41 = tpu.memref_slice %arg6[%arg0, %mul3A_34, %dma_wait3A_40] : memref<2x6144x144xf32, #tpu.memory_space<hbm>> -> memref<1x128x144xf32, #tpu.memory_space<hbm>>
        %dma_wait3A_42 = tpu.memref_squeeze %dma_wait3A_41 : memref<1x128x144xf32, #tpu.memory_space<hbm>> -> memref<128x144xf32, #tpu.memory_space<hbm>>
        %dma_wait3A_43 = arith.constant 0 : i32
        %dma_wait3A_44 = tpu.memref_slice %arg6[%arg0, %mul3A_34, %dma_wait3A_43] : memref<2x6144x144xf32, #tpu.memory_space<hbm>> -> memref<1x128x144xf32, #tpu.memory_space<hbm>>
        %dma_wait3A_45 = tpu.memref_squeeze %dma_wait3A_44 : memref<1x128x144xf32, #tpu.memory_space<hbm>> -> memref<128x144xf32, #tpu.memory_space<hbm>>
        tpu.wait_dma2 semaphore(%run_scoped3A : memref<!tpu.dma_semaphore, #tpu.memory_space<semaphore_mem>>) src(%arg9 : memref<128x144xf32, #tpu.memory_space<vmem>>) dst(%dma_wait3A_45 : memref<128x144xf32, #tpu.memory_space<hbm>>)
        tpu.yield
      }) : () -> ()
    }
    %scan3A_30 = arith.constant 3 : i32
    return
  }
}

#map = affine_map<(d0, d1) -> (0, 0)>
#map1 = affine_map<(d0, d1) -> (0, 0, 0)>
module attributes {stable_mosaic.version = 14 : i64} {
  func.func @_sc_agg_body(%arg0: i32, %arg1: i32, %arg2: memref<10240x144xf32, #tpu.memory_space<hbm>>, %arg3: memref<2560x128xi32, #tpu.memory_space<hbm>>, %arg4: memref<2x2560x128xi32, #tpu.memory_space<hbm>>, %arg5: memref<128x144xf32, #tpu.memory_space<hbm>>, %arg6: memref<2x6144x144xf32, #tpu.memory_space<hbm>>, %arg7: memref<8x128xi32, #tpu.memory_space<vmem>>, %arg8: memref<8x128xi32, #tpu.memory_space<vmem>>, %arg9: memref<128x144xf32, #tpu.memory_space<vmem>>, %arg10: memref<128x144xf32, #tpu.memory_space<vmem>>, %arg11: memref<6144x144xf32, #tpu.memory_space<vmem_shared>>, %arg12: memref<!tpu.dma_semaphore, #tpu.memory_space<semaphore_mem>>, %arg13: memref<!tpu.dma_semaphore, #tpu.memory_space<semaphore_mem>>, %arg14: memref<!tpu.dma_semaphore, #tpu.memory_space<semaphore_mem>>, %arg15: memref<!tpu.dma_semaphore, #tpu.memory_space<semaphore_mem>>) attributes {dimension_semantics = [#tpu.dimension_semantics<core_parallel>, #tpu.dimension_semantics<subcore_parallel>], iteration_bounds = array<i64: 2, 16>, scalar_prefetch = 0 : i64, scratch_operands = 9 : i64, tpu.core_type = #tpu.core_type<sc_vector_subcore>, window_params = [{transform_indices = #map}, {transform_indices = #map}, {transform_indices = #map1}, {transform_indices = #map}, {transform_indices = #map1}]} {
    "tpu.region"() ({
      %run_scoped3A = tpu.sem_alloc : memref<!tpu.dma_semaphore, #tpu.memory_space<semaphore_mem>>
      tpu.enqueue_dma source(%arg5 : memref<128x144xf32, #tpu.memory_space<hbm>>) target(%arg9 : memref<128x144xf32, #tpu.memory_space<vmem>>) target_semaphore(%run_scoped3A : memref<!tpu.dma_semaphore, #tpu.memory_space<semaphore_mem>>)
      tpu.wait_dma2 semaphore(%run_scoped3A : memref<!tpu.dma_semaphore, #tpu.memory_space<semaphore_mem>>) src(%arg5 : memref<128x144xf32, #tpu.memory_space<hbm>>) dst(%arg9 : memref<128x144xf32, #tpu.memory_space<vmem>>)
      tpu.yield
    }) : () -> ()
    %scan3A = arith.constant 0 : i32
    %scan3A_0 = arith.constant 0 : i32
    %scan3A_1 = arith.constant 3 : i32
    %scan3A_2 = arith.addi %scan3A_0, %scan3A_1 : i32
    %scan3A_3 = arith.constant 1 : i32
    scf.for %scan3A_31 = %scan3A_0 to %scan3A_2 step %scan3A_3  : i32 {
      %mul3A = arith.constant 3 : i32
      %mul3A_32 = arith.muli %arg1, %mul3A : i32
      %add3A = arith.addi %mul3A_32, %scan3A_31 : i32
      %mul3A_33 = arith.constant 128 : i32
      %mul3A_34 = arith.muli %add3A, %mul3A_33 : i32
      "tpu.region"() ({
        %run_scoped3A = tpu.sem_alloc : memref<!tpu.dma_semaphore, #tpu.memory_space<semaphore_mem>>
        %dma_start3A = arith.constant 0 : i32
        %dma_start3A_35 = tpu.memref_slice %arg11[%mul3A_34, %dma_start3A] : memref<6144x144xf32, #tpu.memory_space<vmem_shared>> -> memref<128x144xf32, #tpu.memory_space<vmem_shared>>
        %dma_start3A_36 = arith.constant 0 : i32
        %dma_start3A_37 = tpu.memref_slice %arg11[%mul3A_34, %dma_start3A_36] : memref<6144x144xf32, #tpu.memory_space<vmem_shared>> -> memref<128x144xf32, #tpu.memory_space<vmem_shared>>
        tpu.enqueue_dma source(%arg9 : memref<128x144xf32, #tpu.memory_space<vmem>>) target(%dma_start3A_37 : memref<128x144xf32, #tpu.memory_space<vmem_shared>>) target_semaphore(%run_scoped3A : memref<!tpu.dma_semaphore, #tpu.memory_space<semaphore_mem>>)
        %dma_wait3A_38 = arith.constant 0 : i32
        %dma_wait3A_39 = tpu.memref_slice %arg11[%mul3A_34, %dma_wait3A_38] : memref<6144x144xf32, #tpu.memory_space<vmem_shared>> -> memref<128x144xf32, #tpu.memory_space<vmem_shared>>
        %dma_wait3A_40 = arith.constant 0 : i32
        %dma_wait3A_41 = tpu.memref_slice %arg11[%mul3A_34, %dma_wait3A_40] : memref<6144x144xf32, #tpu.memory_space<vmem_shared>> -> memref<128x144xf32, #tpu.memory_space<vmem_shared>>
        tpu.wait_dma2 semaphore(%run_scoped3A : memref<!tpu.dma_semaphore, #tpu.memory_space<semaphore_mem>>) src(%arg9 : memref<128x144xf32, #tpu.memory_space<vmem>>) dst(%dma_wait3A_41 : memref<128x144xf32, #tpu.memory_space<vmem_shared>>)
        tpu.yield
      }) : () -> ()
    }
    %scan3A_4 = arith.constant 3 : i32
    %barrier3A = arith.constant 0 : index
    tpu.barrier barrier_id(%barrier3A)
    %scan3A_5 = arith.constant 0 : i32
    %scan3A_6 = arith.constant 0 : i32
    %scan3A_7 = arith.constant 20 : i32
    %scan3A_8 = arith.addi %scan3A_6, %scan3A_7 : i32
    %scan3A_9 = arith.constant 1 : i32
    scf.for %scan3A_31 = %scan3A_6 to %scan3A_8 step %scan3A_9  : i32 {
      %gt3A = arith.constant 0 : i32
      %gt3A_32 = arith.cmpi sgt, %scan3A_31, %gt3A : i32
      %convert_element_type3A = arith.extui %gt3A_32 : i1 to i32
      %cond3A = arith.constant 0 : i32
      %cond3A_33 = arith.cmpi ne, %convert_element_type3A, %cond3A : i32
      scf.if %cond3A_33 {
        %dma_wait3A_246 = arith.constant 6 : i32
        %dma_wait3A_247 = arith.constant 0 : i32
        %dma_wait3A_248 = tpu.memref_slice %arg8[%dma_wait3A_246, %dma_wait3A_247] : memref<8x128xi32, #tpu.memory_space<vmem>> -> memref<1x128xi32, #tpu.memory_space<vmem>>
        %dma_wait3A_249 = tpu.memref_squeeze %dma_wait3A_248 : memref<1x128xi32, #tpu.memory_space<vmem>> -> memref<128xi32, #tpu.memory_space<vmem>>
        %dma_wait3A_250 = arith.constant 0 : i32
        %dma_wait3A_251 = arith.constant 0 : i32
        %dma_wait3A_252 = tpu.memref_slice %arg11[%dma_wait3A_250, %dma_wait3A_251] : memref<6144x144xf32, #tpu.memory_space<vmem_shared>> -> memref<6144x144xf32, #tpu.memory_space<vmem_shared>>
        tpu.wait_indirect_dma semaphore(%arg14 : memref<!tpu.dma_semaphore, #tpu.memory_space<semaphore_mem>>) src(%arg9 : memref<128x144xf32, #tpu.memory_space<vmem>>) dst(%dma_wait3A_252 : memref<6144x144xf32, #tpu.memory_space<vmem_shared>>)
        %dma_wait3A_253 = arith.constant 7 : i32
        %dma_wait3A_254 = arith.constant 0 : i32
        %dma_wait3A_255 = tpu.memref_slice %arg8[%dma_wait3A_253, %dma_wait3A_254] : memref<8x128xi32, #tpu.memory_space<vmem>> -> memref<1x128xi32, #tpu.memory_space<vmem>>
        %dma_wait3A_256 = tpu.memref_squeeze %dma_wait3A_255 : memref<1x128xi32, #tpu.memory_space<vmem>> -> memref<128xi32, #tpu.memory_space<vmem>>
        %dma_wait3A_257 = arith.constant 0 : i32
        %dma_wait3A_258 = arith.constant 0 : i32
        %dma_wait3A_259 = tpu.memref_slice %arg11[%dma_wait3A_257, %dma_wait3A_258] : memref<6144x144xf32, #tpu.memory_space<vmem_shared>> -> memref<6144x144xf32, #tpu.memory_space<vmem_shared>>
        tpu.wait_indirect_dma semaphore(%arg15 : memref<!tpu.dma_semaphore, #tpu.memory_space<semaphore_mem>>) src(%arg10 : memref<128x144xf32, #tpu.memory_space<vmem>>) dst(%dma_wait3A_259 : memref<6144x144xf32, #tpu.memory_space<vmem_shared>>)
      } else {
      }
      %mul3A = arith.constant 160 : i32
      %mul3A_34 = arith.muli %arg1, %mul3A : i32
      %mul3A_35 = arith.constant 8 : i32
      %mul3A_36 = arith.muli %scan3A_31, %mul3A_35 : i32
      %add3A = arith.addi %mul3A_34, %mul3A_36 : i32
      "tpu.region"() ({
        %run_scoped3A = tpu.sem_alloc : memref<!tpu.dma_semaphore, #tpu.memory_space<semaphore_mem>>
        %dma_start3A_246 = arith.constant 0 : i32
        %dma_start3A_247 = tpu.memref_slice %arg3[%add3A, %dma_start3A_246] : memref<2560x128xi32, #tpu.memory_space<hbm>> -> memref<8x128xi32, #tpu.memory_space<hbm>>
        %dma_start3A_248 = arith.constant 0 : i32
        %dma_start3A_249 = tpu.memref_slice %arg3[%add3A, %dma_start3A_248] : memref<2560x128xi32, #tpu.memory_space<hbm>> -> memref<8x128xi32, #tpu.memory_space<hbm>>
        tpu.enqueue_dma source(%dma_start3A_249 : memref<8x128xi32, #tpu.memory_space<hbm>>) target(%arg7 : memref<8x128xi32, #tpu.memory_space<vmem>>) target_semaphore(%run_scoped3A : memref<!tpu.dma_semaphore, #tpu.memory_space<semaphore_mem>>)
        %dma_wait3A_250 = arith.constant 0 : i32
        %dma_wait3A_251 = tpu.memref_slice %arg3[%add3A, %dma_wait3A_250] : memref<2560x128xi32, #tpu.memory_space<hbm>> -> memref<8x128xi32, #tpu.memory_space<hbm>>
        %dma_wait3A_252 = arith.constant 0 : i32
        %dma_wait3A_253 = tpu.memref_slice %arg3[%add3A, %dma_wait3A_252] : memref<2560x128xi32, #tpu.memory_space<hbm>> -> memref<8x128xi32, #tpu.memory_space<hbm>>
        tpu.wait_dma2 semaphore(%run_scoped3A : memref<!tpu.dma_semaphore, #tpu.memory_space<semaphore_mem>>) src(%dma_wait3A_253 : memref<8x128xi32, #tpu.memory_space<hbm>>) dst(%arg7 : memref<8x128xi32, #tpu.memory_space<vmem>>)
        tpu.yield
      }) : () -> ()
      "tpu.region"() ({
        %run_scoped3A = tpu.sem_alloc : memref<!tpu.dma_semaphore, #tpu.memory_space<semaphore_mem>>
        %dma_start3A_246 = arith.constant 0 : i32
        %dma_start3A_247 = tpu.memref_slice %arg4[%arg0, %add3A, %dma_start3A_246] : memref<2x2560x128xi32, #tpu.memory_space<hbm>> -> memref<1x8x128xi32, #tpu.memory_space<hbm>>
        %dma_start3A_248 = tpu.memref_squeeze %dma_start3A_247 : memref<1x8x128xi32, #tpu.memory_space<hbm>> -> memref<8x128xi32, #tpu.memory_space<hbm>>
        %dma_start3A_249 = arith.constant 0 : i32
        %dma_start3A_250 = tpu.memref_slice %arg4[%arg0, %add3A, %dma_start3A_249] : memref<2x2560x128xi32, #tpu.memory_space<hbm>> -> memref<1x8x128xi32, #tpu.memory_space<hbm>>
        %dma_start3A_251 = tpu.memref_squeeze %dma_start3A_250 : memref<1x8x128xi32, #tpu.memory_space<hbm>> -> memref<8x128xi32, #tpu.memory_space<hbm>>
        tpu.enqueue_dma source(%dma_start3A_251 : memref<8x128xi32, #tpu.memory_space<hbm>>) target(%arg8 : memref<8x128xi32, #tpu.memory_space<vmem>>) target_semaphore(%run_scoped3A : memref<!tpu.dma_semaphore, #tpu.memory_space<semaphore_mem>>)
        %dma_wait3A_252 = arith.constant 0 : i32
        %dma_wait3A_253 = tpu.memref_slice %arg4[%arg0, %add3A, %dma_wait3A_252] : memref<2x2560x128xi32, #tpu.memory_space<hbm>> -> memref<1x8x128xi32, #tpu.memory_space<hbm>>
        %dma_wait3A_254 = tpu.memref_squeeze %dma_wait3A_253 : memref<1x8x128xi32, #tpu.memory_space<hbm>> -> memref<8x128xi32, #tpu.memory_space<hbm>>
        %dma_wait3A_255 = arith.constant 0 : i32
        %dma_wait3A_256 = tpu.memref_slice %arg4[%arg0, %add3A, %dma_wait3A_255] : memref<2x2560x128xi32, #tpu.memory_space<hbm>> -> memref<1x8x128xi32, #tpu.memory_space<hbm>>
        %dma_wait3A_257 = tpu.memref_squeeze %dma_wait3A_256 : memref<1x8x128xi32, #tpu.memory_space<hbm>> -> memref<8x128xi32, #tpu.memory_space<hbm>>
        tpu.wait_dma2 semaphore(%run_scoped3A : memref<!tpu.dma_semaphore, #tpu.memory_space<semaphore_mem>>) src(%dma_wait3A_257 : memref<8x128xi32, #tpu.memory_space<hbm>>) dst(%arg8 : memref<8x128xi32, #tpu.memory_space<vmem>>)
        tpu.yield
      }) : () -> ()
      %dma_start3A = arith.constant 0 : i32
      %dma_start3A_37 = arith.constant 0 : i32
      %dma_start3A_38 = tpu.memref_slice %arg7[%dma_start3A, %dma_start3A_37] : memref<8x128xi32, #tpu.memory_space<vmem>> -> memref<1x128xi32, #tpu.memory_space<vmem>>
      %dma_start3A_39 = tpu.memref_squeeze %dma_start3A_38 : memref<1x128xi32, #tpu.memory_space<vmem>> -> memref<128xi32, #tpu.memory_space<vmem>>
      %dma_start3A_40 = arith.constant 0 : i32
      %dma_start3A_41 = arith.constant 0 : i32
      %dma_start3A_42 = tpu.memref_slice %arg2[%dma_start3A_40, %dma_start3A_41] : memref<10240x144xf32, #tpu.memory_space<hbm>> -> memref<10240x144xf32, #tpu.memory_space<hbm>>
      tpu.enqueue_indirect_dma source(%dma_start3A_42 : memref<10240x144xf32, #tpu.memory_space<hbm>>) target(%arg9 : memref<128x144xf32, #tpu.memory_space<vmem>>) offsets(%dma_start3A_39 : memref<128xi32, #tpu.memory_space<vmem>>) semaphore(%arg12 : memref<!tpu.dma_semaphore, #tpu.memory_space<semaphore_mem>>)
      %dma_start3A_43 = arith.constant 1 : i32
      %dma_start3A_44 = arith.constant 0 : i32
      %dma_start3A_45 = tpu.memref_slice %arg7[%dma_start3A_43, %dma_start3A_44] : memref<8x128xi32, #tpu.memory_space<vmem>> -> memref<1x128xi32, #tpu.memory_space<vmem>>
      %dma_start3A_46 = tpu.memref_squeeze %dma_start3A_45 : memref<1x128xi32, #tpu.memory_space<vmem>> -> memref<128xi32, #tpu.memory_space<vmem>>
      %dma_start3A_47 = arith.constant 0 : i32
      %dma_start3A_48 = arith.constant 0 : i32
      %dma_start3A_49 = tpu.memref_slice %arg2[%dma_start3A_47, %dma_start3A_48] : memref<10240x144xf32, #tpu.memory_space<hbm>> -> memref<10240x144xf32, #tpu.memory_space<hbm>>
      tpu.enqueue_indirect_dma source(%dma_start3A_49 : memref<10240x144xf32, #tpu.memory_space<hbm>>) target(%arg10 : memref<128x144xf32, #tpu.memory_space<vmem>>) offsets(%dma_start3A_46 : memref<128xi32, #tpu.memory_space<vmem>>) semaphore(%arg13 : memref<!tpu.dma_semaphore, #tpu.memory_space<semaphore_mem>>)
      %dma_wait3A_50 = arith.constant 0 : i32
      %dma_wait3A_51 = arith.constant 0 : i32
      %dma_wait3A_52 = tpu.memref_slice %arg7[%dma_wait3A_50, %dma_wait3A_51] : memref<8x128xi32, #tpu.memory_space<vmem>> -> memref<1x128xi32, #tpu.memory_space<vmem>>
      %dma_wait3A_53 = tpu.memref_squeeze %dma_wait3A_52 : memref<1x128xi32, #tpu.memory_space<vmem>> -> memref<128xi32, #tpu.memory_space<vmem>>
      %dma_wait3A_54 = arith.constant 0 : i32
      %dma_wait3A_55 = arith.constant 0 : i32
      %dma_wait3A_56 = tpu.memref_slice %arg2[%dma_wait3A_54, %dma_wait3A_55] : memref<10240x144xf32, #tpu.memory_space<hbm>> -> memref<10240x144xf32, #tpu.memory_space<hbm>>
      tpu.wait_indirect_dma semaphore(%arg12 : memref<!tpu.dma_semaphore, #tpu.memory_space<semaphore_mem>>) src(%dma_wait3A_56 : memref<10240x144xf32, #tpu.memory_space<hbm>>) dst(%arg9 : memref<128x144xf32, #tpu.memory_space<vmem>>)
      %dma_start3A_57 = arith.constant 0 : i32
      %dma_start3A_58 = arith.constant 0 : i32
      %dma_start3A_59 = tpu.memref_slice %arg8[%dma_start3A_57, %dma_start3A_58] : memref<8x128xi32, #tpu.memory_space<vmem>> -> memref<1x128xi32, #tpu.memory_space<vmem>>
      %dma_start3A_60 = tpu.memref_squeeze %dma_start3A_59 : memref<1x128xi32, #tpu.memory_space<vmem>> -> memref<128xi32, #tpu.memory_space<vmem>>
      %dma_start3A_61 = arith.constant 0 : i32
      %dma_start3A_62 = arith.constant 0 : i32
      %dma_start3A_63 = tpu.memref_slice %arg11[%dma_start3A_61, %dma_start3A_62] : memref<6144x144xf32, #tpu.memory_space<vmem_shared>> -> memref<6144x144xf32, #tpu.memory_space<vmem_shared>>
      tpu.enqueue_indirect_dma source(%arg9 : memref<128x144xf32, #tpu.memory_space<vmem>>) target(%dma_start3A_63 : memref<6144x144xf32, #tpu.memory_space<vmem_shared>>) offsets(%dma_start3A_60 : memref<128xi32, #tpu.memory_space<vmem>>) semaphore(%arg14 : memref<!tpu.dma_semaphore, #tpu.memory_space<semaphore_mem>>) {add = true}
      %dma_wait3A_64 = arith.constant 1 : i32
      %dma_wait3A_65 = arith.constant 0 : i32
      %dma_wait3A_66 = tpu.memref_slice %arg7[%dma_wait3A_64, %dma_wait3A_65] : memref<8x128xi32, #tpu.memory_space<vmem>> -> memref<1x128xi32, #tpu.memory_space<vmem>>
      %dma_wait3A_67 = tpu.memref_squeeze %dma_wait3A_66 : memref<1x128xi32, #tpu.memory_space<vmem>> -> memref<128xi32, #tpu.memory_space<vmem>>
      %dma_wait3A_68 = arith.constant 0 : i32
      %dma_wait3A_69 = arith.constant 0 : i32
      %dma_wait3A_70 = tpu.memref_slice %arg2[%dma_wait3A_68, %dma_wait3A_69] : memref<10240x144xf32, #tpu.memory_space<hbm>> -> memref<10240x144xf32, #tpu.memory_space<hbm>>
      tpu.wait_indirect_dma semaphore(%arg13 : memref<!tpu.dma_semaphore, #tpu.memory_space<semaphore_mem>>) src(%dma_wait3A_70 : memref<10240x144xf32, #tpu.memory_space<hbm>>) dst(%arg10 : memref<128x144xf32, #tpu.memory_space<vmem>>)
      %dma_start3A_71 = arith.constant 1 : i32
      %dma_start3A_72 = arith.constant 0 : i32
      %dma_start3A_73 = tpu.memref_slice %arg8[%dma_start3A_71, %dma_start3A_72] : memref<8x128xi32, #tpu.memory_space<vmem>> -> memref<1x128xi32, #tpu.memory_space<vmem>>
      %dma_start3A_74 = tpu.memref_squeeze %dma_start3A_73 : memref<1x128xi32, #tpu.memory_space<vmem>> -> memref<128xi32, #tpu.memory_space<vmem>>
      %dma_start3A_75 = arith.constant 0 : i32
      %dma_start3A_76 = arith.constant 0 : i32
      %dma_start3A_77 = tpu.memref_slice %arg11[%dma_start3A_75, %dma_start3A_76] : memref<6144x144xf32, #tpu.memory_space<vmem_shared>> -> memref<6144x144xf32, #tpu.memory_space<vmem_shared>>
      tpu.enqueue_indirect_dma source(%arg10 : memref<128x144xf32, #tpu.memory_space<vmem>>) target(%dma_start3A_77 : memref<6144x144xf32, #tpu.memory_space<vmem_shared>>) offsets(%dma_start3A_74 : memref<128xi32, #tpu.memory_space<vmem>>) semaphore(%arg15 : memref<!tpu.dma_semaphore, #tpu.memory_space<semaphore_mem>>) {add = true}
      %dma_wait3A_78 = arith.constant 0 : i32
      %dma_wait3A_79 = arith.constant 0 : i32
      %dma_wait3A_80 = tpu.memref_slice %arg8[%dma_wait3A_78, %dma_wait3A_79] : memref<8x128xi32, #tpu.memory_space<vmem>> -> memref<1x128xi32, #tpu.memory_space<vmem>>
      %dma_wait3A_81 = tpu.memref_squeeze %dma_wait3A_80 : memref<1x128xi32, #tpu.memory_space<vmem>> -> memref<128xi32, #tpu.memory_space<vmem>>
      %dma_wait3A_82 = arith.constant 0 : i32
      %dma_wait3A_83 = arith.constant 0 : i32
      %dma_wait3A_84 = tpu.memref_slice %arg11[%dma_wait3A_82, %dma_wait3A_83] : memref<6144x144xf32, #tpu.memory_space<vmem_shared>> -> memref<6144x144xf32, #tpu.memory_space<vmem_shared>>
      tpu.wait_indirect_dma semaphore(%arg14 : memref<!tpu.dma_semaphore, #tpu.memory_space<semaphore_mem>>) src(%arg9 : memref<128x144xf32, #tpu.memory_space<vmem>>) dst(%dma_wait3A_84 : memref<6144x144xf32, #tpu.memory_space<vmem_shared>>)
      %dma_wait3A_85 = arith.constant 1 : i32
      %dma_wait3A_86 = arith.constant 0 : i32
      %dma_wait3A_87 = tpu.memref_slice %arg8[%dma_wait3A_85, %dma_wait3A_86] : memref<8x128xi32, #tpu.memory_space<vmem>> -> memref<1x128xi32, #tpu.memory_space<vmem>>
      %dma_wait3A_88 = tpu.memref_squeeze %dma_wait3A_87 : memref<1x128xi32, #tpu.memory_space<vmem>> -> memref<128xi32, #tpu.memory_space<vmem>>
      %dma_wait3A_89 = arith.constant 0 : i32
      %dma_wait3A_90 = arith.constant 0 : i32
      %dma_wait3A_91 = tpu.memref_slice %arg11[%dma_wait3A_89, %dma_wait3A_90] : memref<6144x144xf32, #tpu.memory_space<vmem_shared>> -> memref<6144x144xf32, #tpu.memory_space<vmem_shared>>
      tpu.wait_indirect_dma semaphore(%arg15 : memref<!tpu.dma_semaphore, #tpu.memory_space<semaphore_mem>>) src(%arg10 : memref<128x144xf32, #tpu.memory_space<vmem>>) dst(%dma_wait3A_91 : memref<6144x144xf32, #tpu.memory_space<vmem_shared>>)
      %dma_start3A_92 = arith.constant 2 : i32
      %dma_start3A_93 = arith.constant 0 : i32
      %dma_start3A_94 = tpu.memref_slice %arg7[%dma_start3A_92, %dma_start3A_93] : memref<8x128xi32, #tpu.memory_space<vmem>> -> memref<1x128xi32, #tpu.memory_space<vmem>>
      %dma_start3A_95 = tpu.memref_squeeze %dma_start3A_94 : memref<1x128xi32, #tpu.memory_space<vmem>> -> memref<128xi32, #tpu.memory_space<vmem>>
      %dma_start3A_96 = arith.constant 0 : i32
      %dma_start3A_97 = arith.constant 0 : i32
      %dma_start3A_98 = tpu.memref_slice %arg2[%dma_start3A_96, %dma_start3A_97] : memref<10240x144xf32, #tpu.memory_space<hbm>> -> memref<10240x144xf32, #tpu.memory_space<hbm>>
      tpu.enqueue_indirect_dma source(%dma_start3A_98 : memref<10240x144xf32, #tpu.memory_space<hbm>>) target(%arg9 : memref<128x144xf32, #tpu.memory_space<vmem>>) offsets(%dma_start3A_95 : memref<128xi32, #tpu.memory_space<vmem>>) semaphore(%arg12 : memref<!tpu.dma_semaphore, #tpu.memory_space<semaphore_mem>>)
      %dma_start3A_99 = arith.constant 3 : i32
      %dma_start3A_100 = arith.constant 0 : i32
      %dma_start3A_101 = tpu.memref_slice %arg7[%dma_start3A_99, %dma_start3A_100] : memref<8x128xi32, #tpu.memory_space<vmem>> -> memref<1x128xi32, #tpu.memory_space<vmem>>
      %dma_start3A_102 = tpu.memref_squeeze %dma_start3A_101 : memref<1x128xi32, #tpu.memory_space<vmem>> -> memref<128xi32, #tpu.memory_space<vmem>>
      %dma_start3A_103 = arith.constant 0 : i32
      %dma_start3A_104 = arith.constant 0 : i32
      %dma_start3A_105 = tpu.memref_slice %arg2[%dma_start3A_103, %dma_start3A_104] : memref<10240x144xf32, #tpu.memory_space<hbm>> -> memref<10240x144xf32, #tpu.memory_space<hbm>>
      tpu.enqueue_indirect_dma source(%dma_start3A_105 : memref<10240x144xf32, #tpu.memory_space<hbm>>) target(%arg10 : memref<128x144xf32, #tpu.memory_space<vmem>>) offsets(%dma_start3A_102 : memref<128xi32, #tpu.memory_space<vmem>>) semaphore(%arg13 : memref<!tpu.dma_semaphore, #tpu.memory_space<semaphore_mem>>)
      %dma_wait3A_106 = arith.constant 2 : i32
      %dma_wait3A_107 = arith.constant 0 : i32
      %dma_wait3A_108 = tpu.memref_slice %arg7[%dma_wait3A_106, %dma_wait3A_107] : memref<8x128xi32, #tpu.memory_space<vmem>> -> memref<1x128xi32, #tpu.memory_space<vmem>>
      %dma_wait3A_109 = tpu.memref_squeeze %dma_wait3A_108 : memref<1x128xi32, #tpu.memory_space<vmem>> -> memref<128xi32, #tpu.memory_space<vmem>>
      %dma_wait3A_110 = arith.constant 0 : i32
      %dma_wait3A_111 = arith.constant 0 : i32
      %dma_wait3A_112 = tpu.memref_slice %arg2[%dma_wait3A_110, %dma_wait3A_111] : memref<10240x144xf32, #tpu.memory_space<hbm>> -> memref<10240x144xf32, #tpu.memory_space<hbm>>
      tpu.wait_indirect_dma semaphore(%arg12 : memref<!tpu.dma_semaphore, #tpu.memory_space<semaphore_mem>>) src(%dma_wait3A_112 : memref<10240x144xf32, #tpu.memory_space<hbm>>) dst(%arg9 : memref<128x144xf32, #tpu.memory_space<vmem>>)
      %dma_start3A_113 = arith.constant 2 : i32
      %dma_start3A_114 = arith.constant 0 : i32
      %dma_start3A_115 = tpu.memref_slice %arg8[%dma_start3A_113, %dma_start3A_114] : memref<8x128xi32, #tpu.memory_space<vmem>> -> memref<1x128xi32, #tpu.memory_space<vmem>>
      %dma_start3A_116 = tpu.memref_squeeze %dma_start3A_115 : memref<1x128xi32, #tpu.memory_space<vmem>> -> memref<128xi32, #tpu.memory_space<vmem>>
      %dma_start3A_117 = arith.constant 0 : i32
      %dma_start3A_118 = arith.constant 0 : i32
      %dma_start3A_119 = tpu.memref_slice %arg11[%dma_start3A_117, %dma_start3A_118] : memref<6144x144xf32, #tpu.memory_space<vmem_shared>> -> memref<6144x144xf32, #tpu.memory_space<vmem_shared>>
      tpu.enqueue_indirect_dma source(%arg9 : memref<128x144xf32, #tpu.memory_space<vmem>>) target(%dma_start3A_119 : memref<6144x144xf32, #tpu.memory_space<vmem_shared>>) offsets(%dma_start3A_116 : memref<128xi32, #tpu.memory_space<vmem>>) semaphore(%arg14 : memref<!tpu.dma_semaphore, #tpu.memory_space<semaphore_mem>>) {add = true}
      %dma_wait3A_120 = arith.constant 3 : i32
      %dma_wait3A_121 = arith.constant 0 : i32
      %dma_wait3A_122 = tpu.memref_slice %arg7[%dma_wait3A_120, %dma_wait3A_121] : memref<8x128xi32, #tpu.memory_space<vmem>> -> memref<1x128xi32, #tpu.memory_space<vmem>>
      %dma_wait3A_123 = tpu.memref_squeeze %dma_wait3A_122 : memref<1x128xi32, #tpu.memory_space<vmem>> -> memref<128xi32, #tpu.memory_space<vmem>>
      %dma_wait3A_124 = arith.constant 0 : i32
      %dma_wait3A_125 = arith.constant 0 : i32
      %dma_wait3A_126 = tpu.memref_slice %arg2[%dma_wait3A_124, %dma_wait3A_125] : memref<10240x144xf32, #tpu.memory_space<hbm>> -> memref<10240x144xf32, #tpu.memory_space<hbm>>
      tpu.wait_indirect_dma semaphore(%arg13 : memref<!tpu.dma_semaphore, #tpu.memory_space<semaphore_mem>>) src(%dma_wait3A_126 : memref<10240x144xf32, #tpu.memory_space<hbm>>) dst(%arg10 : memref<128x144xf32, #tpu.memory_space<vmem>>)
      %dma_start3A_127 = arith.constant 3 : i32
      %dma_start3A_128 = arith.constant 0 : i32
      %dma_start3A_129 = tpu.memref_slice %arg8[%dma_start3A_127, %dma_start3A_128] : memref<8x128xi32, #tpu.memory_space<vmem>> -> memref<1x128xi32, #tpu.memory_space<vmem>>
      %dma_start3A_130 = tpu.memref_squeeze %dma_start3A_129 : memref<1x128xi32, #tpu.memory_space<vmem>> -> memref<128xi32, #tpu.memory_space<vmem>>
      %dma_start3A_131 = arith.constant 0 : i32
      %dma_start3A_132 = arith.constant 0 : i32
      %dma_start3A_133 = tpu.memref_slice %arg11[%dma_start3A_131, %dma_start3A_132] : memref<6144x144xf32, #tpu.memory_space<vmem_shared>> -> memref<6144x144xf32, #tpu.memory_space<vmem_shared>>
      tpu.enqueue_indirect_dma source(%arg10 : memref<128x144xf32, #tpu.memory_space<vmem>>) target(%dma_start3A_133 : memref<6144x144xf32, #tpu.memory_space<vmem_shared>>) offsets(%dma_start3A_130 : memref<128xi32, #tpu.memory_space<vmem>>) semaphore(%arg15 : memref<!tpu.dma_semaphore, #tpu.memory_space<semaphore_mem>>) {add = true}
      %dma_wait3A_134 = arith.constant 2 : i32
      %dma_wait3A_135 = arith.constant 0 : i32
      %dma_wait3A_136 = tpu.memref_slice %arg8[%dma_wait3A_134, %dma_wait3A_135] : memref<8x128xi32, #tpu.memory_space<vmem>> -> memref<1x128xi32, #tpu.memory_space<vmem>>
      %dma_wait3A_137 = tpu.memref_squeeze %dma_wait3A_136 : memref<1x128xi32, #tpu.memory_space<vmem>> -> memref<128xi32, #tpu.memory_space<vmem>>
      %dma_wait3A_138 = arith.constant 0 : i32
      %dma_wait3A_139 = arith.constant 0 : i32
      %dma_wait3A_140 = tpu.memref_slice %arg11[%dma_wait3A_138, %dma_wait3A_139] : memref<6144x144xf32, #tpu.memory_space<vmem_shared>> -> memref<6144x144xf32, #tpu.memory_space<vmem_shared>>
      tpu.wait_indirect_dma semaphore(%arg14 : memref<!tpu.dma_semaphore, #tpu.memory_space<semaphore_mem>>) src(%arg9 : memref<128x144xf32, #tpu.memory_space<vmem>>) dst(%dma_wait3A_140 : memref<6144x144xf32, #tpu.memory_space<vmem_shared>>)
      %dma_wait3A_141 = arith.constant 3 : i32
      %dma_wait3A_142 = arith.constant 0 : i32
      %dma_wait3A_143 = tpu.memref_slice %arg8[%dma_wait3A_141, %dma_wait3A_142] : memref<8x128xi32, #tpu.memory_space<vmem>> -> memref<1x128xi32, #tpu.memory_space<vmem>>
      %dma_wait3A_144 = tpu.memref_squeeze %dma_wait3A_143 : memref<1x128xi32, #tpu.memory_space<vmem>> -> memref<128xi32, #tpu.memory_space<vmem>>
      %dma_wait3A_145 = arith.constant 0 : i32
      %dma_wait3A_146 = arith.constant 0 : i32
      %dma_wait3A_147 = tpu.memref_slice %arg11[%dma_wait3A_145, %dma_wait3A_146] : memref<6144x144xf32, #tpu.memory_space<vmem_shared>> -> memref<6144x144xf32, #tpu.memory_space<vmem_shared>>
      tpu.wait_indirect_dma semaphore(%arg15 : memref<!tpu.dma_semaphore, #tpu.memory_space<semaphore_mem>>) src(%arg10 : memref<128x144xf32, #tpu.memory_space<vmem>>) dst(%dma_wait3A_147 : memref<6144x144xf32, #tpu.memory_space<vmem_shared>>)
      %dma_start3A_148 = arith.constant 4 : i32
      %dma_start3A_149 = arith.constant 0 : i32
      %dma_start3A_150 = tpu.memref_slice %arg7[%dma_start3A_148, %dma_start3A_149] : memref<8x128xi32, #tpu.memory_space<vmem>> -> memref<1x128xi32, #tpu.memory_space<vmem>>
      %dma_start3A_151 = tpu.memref_squeeze %dma_start3A_150 : memref<1x128xi32, #tpu.memory_space<vmem>> -> memref<128xi32, #tpu.memory_space<vmem>>
      %dma_start3A_152 = arith.constant 0 : i32
      %dma_start3A_153 = arith.constant 0 : i32
      %dma_start3A_154 = tpu.memref_slice %arg2[%dma_start3A_152, %dma_start3A_153] : memref<10240x144xf32, #tpu.memory_space<hbm>> -> memref<10240x144xf32, #tpu.memory_space<hbm>>
      tpu.enqueue_indirect_dma source(%dma_start3A_154 : memref<10240x144xf32, #tpu.memory_space<hbm>>) target(%arg9 : memref<128x144xf32, #tpu.memory_space<vmem>>) offsets(%dma_start3A_151 : memref<128xi32, #tpu.memory_space<vmem>>) semaphore(%arg12 : memref<!tpu.dma_semaphore, #tpu.memory_space<semaphore_mem>>)
      %dma_start3A_155 = arith.constant 5 : i32
      %dma_start3A_156 = arith.constant 0 : i32
      %dma_start3A_157 = tpu.memref_slice %arg7[%dma_start3A_155, %dma_start3A_156] : memref<8x128xi32, #tpu.memory_space<vmem>> -> memref<1x128xi32, #tpu.memory_space<vmem>>
      %dma_start3A_158 = tpu.memref_squeeze %dma_start3A_157 : memref<1x128xi32, #tpu.memory_space<vmem>> -> memref<128xi32, #tpu.memory_space<vmem>>
      %dma_start3A_159 = arith.constant 0 : i32
      %dma_start3A_160 = arith.constant 0 : i32
      %dma_start3A_161 = tpu.memref_slice %arg2[%dma_start3A_159, %dma_start3A_160] : memref<10240x144xf32, #tpu.memory_space<hbm>> -> memref<10240x144xf32, #tpu.memory_space<hbm>>
      tpu.enqueue_indirect_dma source(%dma_start3A_161 : memref<10240x144xf32, #tpu.memory_space<hbm>>) target(%arg10 : memref<128x144xf32, #tpu.memory_space<vmem>>) offsets(%dma_start3A_158 : memref<128xi32, #tpu.memory_space<vmem>>) semaphore(%arg13 : memref<!tpu.dma_semaphore, #tpu.memory_space<semaphore_mem>>)
      %dma_wait3A_162 = arith.constant 4 : i32
      %dma_wait3A_163 = arith.constant 0 : i32
      %dma_wait3A_164 = tpu.memref_slice %arg7[%dma_wait3A_162, %dma_wait3A_163] : memref<8x128xi32, #tpu.memory_space<vmem>> -> memref<1x128xi32, #tpu.memory_space<vmem>>
      %dma_wait3A_165 = tpu.memref_squeeze %dma_wait3A_164 : memref<1x128xi32, #tpu.memory_space<vmem>> -> memref<128xi32, #tpu.memory_space<vmem>>
      %dma_wait3A_166 = arith.constant 0 : i32
      %dma_wait3A_167 = arith.constant 0 : i32
      %dma_wait3A_168 = tpu.memref_slice %arg2[%dma_wait3A_166, %dma_wait3A_167] : memref<10240x144xf32, #tpu.memory_space<hbm>> -> memref<10240x144xf32, #tpu.memory_space<hbm>>
      tpu.wait_indirect_dma semaphore(%arg12 : memref<!tpu.dma_semaphore, #tpu.memory_space<semaphore_mem>>) src(%dma_wait3A_168 : memref<10240x144xf32, #tpu.memory_space<hbm>>) dst(%arg9 : memref<128x144xf32, #tpu.memory_space<vmem>>)
      %dma_start3A_169 = arith.constant 4 : i32
      %dma_start3A_170 = arith.constant 0 : i32
      %dma_start3A_171 = tpu.memref_slice %arg8[%dma_start3A_169, %dma_start3A_170] : memref<8x128xi32, #tpu.memory_space<vmem>> -> memref<1x128xi32, #tpu.memory_space<vmem>>
      %dma_start3A_172 = tpu.memref_squeeze %dma_start3A_171 : memref<1x128xi32, #tpu.memory_space<vmem>> -> memref<128xi32, #tpu.memory_space<vmem>>
      %dma_start3A_173 = arith.constant 0 : i32
      %dma_start3A_174 = arith.constant 0 : i32
      %dma_start3A_175 = tpu.memref_slice %arg11[%dma_start3A_173, %dma_start3A_174] : memref<6144x144xf32, #tpu.memory_space<vmem_shared>> -> memref<6144x144xf32, #tpu.memory_space<vmem_shared>>
      tpu.enqueue_indirect_dma source(%arg9 : memref<128x144xf32, #tpu.memory_space<vmem>>) target(%dma_start3A_175 : memref<6144x144xf32, #tpu.memory_space<vmem_shared>>) offsets(%dma_start3A_172 : memref<128xi32, #tpu.memory_space<vmem>>) semaphore(%arg14 : memref<!tpu.dma_semaphore, #tpu.memory_space<semaphore_mem>>) {add = true}
      %dma_wait3A_176 = arith.constant 5 : i32
      %dma_wait3A_177 = arith.constant 0 : i32
      %dma_wait3A_178 = tpu.memref_slice %arg7[%dma_wait3A_176, %dma_wait3A_177] : memref<8x128xi32, #tpu.memory_space<vmem>> -> memref<1x128xi32, #tpu.memory_space<vmem>>
      %dma_wait3A_179 = tpu.memref_squeeze %dma_wait3A_178 : memref<1x128xi32, #tpu.memory_space<vmem>> -> memref<128xi32, #tpu.memory_space<vmem>>
      %dma_wait3A_180 = arith.constant 0 : i32
      %dma_wait3A_181 = arith.constant 0 : i32
      %dma_wait3A_182 = tpu.memref_slice %arg2[%dma_wait3A_180, %dma_wait3A_181] : memref<10240x144xf32, #tpu.memory_space<hbm>> -> memref<10240x144xf32, #tpu.memory_space<hbm>>
      tpu.wait_indirect_dma semaphore(%arg13 : memref<!tpu.dma_semaphore, #tpu.memory_space<semaphore_mem>>) src(%dma_wait3A_182 : memref<10240x144xf32, #tpu.memory_space<hbm>>) dst(%arg10 : memref<128x144xf32, #tpu.memory_space<vmem>>)
      %dma_start3A_183 = arith.constant 5 : i32
      %dma_start3A_184 = arith.constant 0 : i32
      %dma_start3A_185 = tpu.memref_slice %arg8[%dma_start3A_183, %dma_start3A_184] : memref<8x128xi32, #tpu.memory_space<vmem>> -> memref<1x128xi32, #tpu.memory_space<vmem>>
      %dma_start3A_186 = tpu.memref_squeeze %dma_start3A_185 : memref<1x128xi32, #tpu.memory_space<vmem>> -> memref<128xi32, #tpu.memory_space<vmem>>
      %dma_start3A_187 = arith.constant 0 : i32
      %dma_start3A_188 = arith.constant 0 : i32
      %dma_start3A_189 = tpu.memref_slice %arg11[%dma_start3A_187, %dma_start3A_188] : memref<6144x144xf32, #tpu.memory_space<vmem_shared>> -> memref<6144x144xf32, #tpu.memory_space<vmem_shared>>
      tpu.enqueue_indirect_dma source(%arg10 : memref<128x144xf32, #tpu.memory_space<vmem>>) target(%dma_start3A_189 : memref<6144x144xf32, #tpu.memory_space<vmem_shared>>) offsets(%dma_start3A_186 : memref<128xi32, #tpu.memory_space<vmem>>) semaphore(%arg15 : memref<!tpu.dma_semaphore, #tpu.memory_space<semaphore_mem>>) {add = true}
      %dma_wait3A_190 = arith.constant 4 : i32
      %dma_wait3A_191 = arith.constant 0 : i32
      %dma_wait3A_192 = tpu.memref_slice %arg8[%dma_wait3A_190, %dma_wait3A_191] : memref<8x128xi32, #tpu.memory_space<vmem>> -> memref<1x128xi32, #tpu.memory_space<vmem>>
      %dma_wait3A_193 = tpu.memref_squeeze %dma_wait3A_192 : memref<1x128xi32, #tpu.memory_space<vmem>> -> memref<128xi32, #tpu.memory_space<vmem>>
      %dma_wait3A_194 = arith.constant 0 : i32
      %dma_wait3A_195 = arith.constant 0 : i32
      %dma_wait3A_196 = tpu.memref_slice %arg11[%dma_wait3A_194, %dma_wait3A_195] : memref<6144x144xf32, #tpu.memory_space<vmem_shared>> -> memref<6144x144xf32, #tpu.memory_space<vmem_shared>>
      tpu.wait_indirect_dma semaphore(%arg14 : memref<!tpu.dma_semaphore, #tpu.memory_space<semaphore_mem>>) src(%arg9 : memref<128x144xf32, #tpu.memory_space<vmem>>) dst(%dma_wait3A_196 : memref<6144x144xf32, #tpu.memory_space<vmem_shared>>)
      %dma_wait3A_197 = arith.constant 5 : i32
      %dma_wait3A_198 = arith.constant 0 : i32
      %dma_wait3A_199 = tpu.memref_slice %arg8[%dma_wait3A_197, %dma_wait3A_198] : memref<8x128xi32, #tpu.memory_space<vmem>> -> memref<1x128xi32, #tpu.memory_space<vmem>>
      %dma_wait3A_200 = tpu.memref_squeeze %dma_wait3A_199 : memref<1x128xi32, #tpu.memory_space<vmem>> -> memref<128xi32, #tpu.memory_space<vmem>>
      %dma_wait3A_201 = arith.constant 0 : i32
      %dma_wait3A_202 = arith.constant 0 : i32
      %dma_wait3A_203 = tpu.memref_slice %arg11[%dma_wait3A_201, %dma_wait3A_202] : memref<6144x144xf32, #tpu.memory_space<vmem_shared>> -> memref<6144x144xf32, #tpu.memory_space<vmem_shared>>
      tpu.wait_indirect_dma semaphore(%arg15 : memref<!tpu.dma_semaphore, #tpu.memory_space<semaphore_mem>>) src(%arg10 : memref<128x144xf32, #tpu.memory_space<vmem>>) dst(%dma_wait3A_203 : memref<6144x144xf32, #tpu.memory_space<vmem_shared>>)
      %dma_start3A_204 = arith.constant 6 : i32
      %dma_start3A_205 = arith.constant 0 : i32
      %dma_start3A_206 = tpu.memref_slice %arg7[%dma_start3A_204, %dma_start3A_205] : memref<8x128xi32, #tpu.memory_space<vmem>> -> memref<1x128xi32, #tpu.memory_space<vmem>>
      %dma_start3A_207 = tpu.memref_squeeze %dma_start3A_206 : memref<1x128xi32, #tpu.memory_space<vmem>> -> memref<128xi32, #tpu.memory_space<vmem>>
      %dma_start3A_208 = arith.constant 0 : i32
      %dma_start3A_209 = arith.constant 0 : i32
      %dma_start3A_210 = tpu.memref_slice %arg2[%dma_start3A_208, %dma_start3A_209] : memref<10240x144xf32, #tpu.memory_space<hbm>> -> memref<10240x144xf32, #tpu.memory_space<hbm>>
      tpu.enqueue_indirect_dma source(%dma_start3A_210 : memref<10240x144xf32, #tpu.memory_space<hbm>>) target(%arg9 : memref<128x144xf32, #tpu.memory_space<vmem>>) offsets(%dma_start3A_207 : memref<128xi32, #tpu.memory_space<vmem>>) semaphore(%arg12 : memref<!tpu.dma_semaphore, #tpu.memory_space<semaphore_mem>>)
      %dma_start3A_211 = arith.constant 7 : i32
      %dma_start3A_212 = arith.constant 0 : i32
      %dma_start3A_213 = tpu.memref_slice %arg7[%dma_start3A_211, %dma_start3A_212] : memref<8x128xi32, #tpu.memory_space<vmem>> -> memref<1x128xi32, #tpu.memory_space<vmem>>
      %dma_start3A_214 = tpu.memref_squeeze %dma_start3A_213 : memref<1x128xi32, #tpu.memory_space<vmem>> -> memref<128xi32, #tpu.memory_space<vmem>>
      %dma_start3A_215 = arith.constant 0 : i32
      %dma_start3A_216 = arith.constant 0 : i32
      %dma_start3A_217 = tpu.memref_slice %arg2[%dma_start3A_215, %dma_start3A_216] : memref<10240x144xf32, #tpu.memory_space<hbm>> -> memref<10240x144xf32, #tpu.memory_space<hbm>>
      tpu.enqueue_indirect_dma source(%dma_start3A_217 : memref<10240x144xf32, #tpu.memory_space<hbm>>) target(%arg10 : memref<128x144xf32, #tpu.memory_space<vmem>>) offsets(%dma_start3A_214 : memref<128xi32, #tpu.memory_space<vmem>>) semaphore(%arg13 : memref<!tpu.dma_semaphore, #tpu.memory_space<semaphore_mem>>)
      %dma_wait3A_218 = arith.constant 6 : i32
      %dma_wait3A_219 = arith.constant 0 : i32
      %dma_wait3A_220 = tpu.memref_slice %arg7[%dma_wait3A_218, %dma_wait3A_219] : memref<8x128xi32, #tpu.memory_space<vmem>> -> memref<1x128xi32, #tpu.memory_space<vmem>>
      %dma_wait3A_221 = tpu.memref_squeeze %dma_wait3A_220 : memref<1x128xi32, #tpu.memory_space<vmem>> -> memref<128xi32, #tpu.memory_space<vmem>>
      %dma_wait3A_222 = arith.constant 0 : i32
      %dma_wait3A_223 = arith.constant 0 : i32
      %dma_wait3A_224 = tpu.memref_slice %arg2[%dma_wait3A_222, %dma_wait3A_223] : memref<10240x144xf32, #tpu.memory_space<hbm>> -> memref<10240x144xf32, #tpu.memory_space<hbm>>
      tpu.wait_indirect_dma semaphore(%arg12 : memref<!tpu.dma_semaphore, #tpu.memory_space<semaphore_mem>>) src(%dma_wait3A_224 : memref<10240x144xf32, #tpu.memory_space<hbm>>) dst(%arg9 : memref<128x144xf32, #tpu.memory_space<vmem>>)
      %dma_start3A_225 = arith.constant 6 : i32
      %dma_start3A_226 = arith.constant 0 : i32
      %dma_start3A_227 = tpu.memref_slice %arg8[%dma_start3A_225, %dma_start3A_226] : memref<8x128xi32, #tpu.memory_space<vmem>> -> memref<1x128xi32, #tpu.memory_space<vmem>>
      %dma_start3A_228 = tpu.memref_squeeze %dma_start3A_227 : memref<1x128xi32, #tpu.memory_space<vmem>> -> memref<128xi32, #tpu.memory_space<vmem>>
      %dma_start3A_229 = arith.constant 0 : i32
      %dma_start3A_230 = arith.constant 0 : i32
      %dma_start3A_231 = tpu.memref_slice %arg11[%dma_start3A_229, %dma_start3A_230] : memref<6144x144xf32, #tpu.memory_space<vmem_shared>> -> memref<6144x144xf32, #tpu.memory_space<vmem_shared>>
      tpu.enqueue_indirect_dma source(%arg9 : memref<128x144xf32, #tpu.memory_space<vmem>>) target(%dma_start3A_231 : memref<6144x144xf32, #tpu.memory_space<vmem_shared>>) offsets(%dma_start3A_228 : memref<128xi32, #tpu.memory_space<vmem>>) semaphore(%arg14 : memref<!tpu.dma_semaphore, #tpu.memory_space<semaphore_mem>>) {add = true}
      %dma_wait3A_232 = arith.constant 7 : i32
      %dma_wait3A_233 = arith.constant 0 : i32
      %dma_wait3A_234 = tpu.memref_slice %arg7[%dma_wait3A_232, %dma_wait3A_233] : memref<8x128xi32, #tpu.memory_space<vmem>> -> memref<1x128xi32, #tpu.memory_space<vmem>>
      %dma_wait3A_235 = tpu.memref_squeeze %dma_wait3A_234 : memref<1x128xi32, #tpu.memory_space<vmem>> -> memref<128xi32, #tpu.memory_space<vmem>>
      %dma_wait3A_236 = arith.constant 0 : i32
      %dma_wait3A_237 = arith.constant 0 : i32
      %dma_wait3A_238 = tpu.memref_slice %arg2[%dma_wait3A_236, %dma_wait3A_237] : memref<10240x144xf32, #tpu.memory_space<hbm>> -> memref<10240x144xf32, #tpu.memory_space<hbm>>
      tpu.wait_indirect_dma semaphore(%arg13 : memref<!tpu.dma_semaphore, #tpu.memory_space<semaphore_mem>>) src(%dma_wait3A_238 : memref<10240x144xf32, #tpu.memory_space<hbm>>) dst(%arg10 : memref<128x144xf32, #tpu.memory_space<vmem>>)
      %dma_start3A_239 = arith.constant 7 : i32
      %dma_start3A_240 = arith.constant 0 : i32
      %dma_start3A_241 = tpu.memref_slice %arg8[%dma_start3A_239, %dma_start3A_240] : memref<8x128xi32, #tpu.memory_space<vmem>> -> memref<1x128xi32, #tpu.memory_space<vmem>>
      %dma_start3A_242 = tpu.memref_squeeze %dma_start3A_241 : memref<1x128xi32, #tpu.memory_space<vmem>> -> memref<128xi32, #tpu.memory_space<vmem>>
      %dma_start3A_243 = arith.constant 0 : i32
      %dma_start3A_244 = arith.constant 0 : i32
      %dma_start3A_245 = tpu.memref_slice %arg11[%dma_start3A_243, %dma_start3A_244] : memref<6144x144xf32, #tpu.memory_space<vmem_shared>> -> memref<6144x144xf32, #tpu.memory_space<vmem_shared>>
      tpu.enqueue_indirect_dma source(%arg10 : memref<128x144xf32, #tpu.memory_space<vmem>>) target(%dma_start3A_245 : memref<6144x144xf32, #tpu.memory_space<vmem_shared>>) offsets(%dma_start3A_242 : memref<128xi32, #tpu.memory_space<vmem>>) semaphore(%arg15 : memref<!tpu.dma_semaphore, #tpu.memory_space<semaphore_mem>>) {add = true}
    }
    %scan3A_10 = arith.constant 20 : i32
    %dma_wait3A = arith.constant 6 : i32
    %dma_wait3A_11 = arith.constant 0 : i32
    %dma_wait3A_12 = tpu.memref_slice %arg8[%dma_wait3A, %dma_wait3A_11] : memref<8x128xi32, #tpu.memory_space<vmem>> -> memref<1x128xi32, #tpu.memory_space<vmem>>
    %dma_wait3A_13 = tpu.memref_squeeze %dma_wait3A_12 : memref<1x128xi32, #tpu.memory_space<vmem>> -> memref<128xi32, #tpu.memory_space<vmem>>
    %dma_wait3A_14 = arith.constant 0 : i32
    %dma_wait3A_15 = arith.constant 0 : i32
    %dma_wait3A_16 = tpu.memref_slice %arg11[%dma_wait3A_14, %dma_wait3A_15] : memref<6144x144xf32, #tpu.memory_space<vmem_shared>> -> memref<6144x144xf32, #tpu.memory_space<vmem_shared>>
    tpu.wait_indirect_dma semaphore(%arg14 : memref<!tpu.dma_semaphore, #tpu.memory_space<semaphore_mem>>) src(%arg9 : memref<128x144xf32, #tpu.memory_space<vmem>>) dst(%dma_wait3A_16 : memref<6144x144xf32, #tpu.memory_space<vmem_shared>>)
    %dma_wait3A_17 = arith.constant 7 : i32
    %dma_wait3A_18 = arith.constant 0 : i32
    %dma_wait3A_19 = tpu.memref_slice %arg8[%dma_wait3A_17, %dma_wait3A_18] : memref<8x128xi32, #tpu.memory_space<vmem>> -> memref<1x128xi32, #tpu.memory_space<vmem>>
    %dma_wait3A_20 = tpu.memref_squeeze %dma_wait3A_19 : memref<1x128xi32, #tpu.memory_space<vmem>> -> memref<128xi32, #tpu.memory_space<vmem>>
    %dma_wait3A_21 = arith.constant 0 : i32
    %dma_wait3A_22 = arith.constant 0 : i32
    %dma_wait3A_23 = tpu.memref_slice %arg11[%dma_wait3A_21, %dma_wait3A_22] : memref<6144x144xf32, #tpu.memory_space<vmem_shared>> -> memref<6144x144xf32, #tpu.memory_space<vmem_shared>>
    tpu.wait_indirect_dma semaphore(%arg15 : memref<!tpu.dma_semaphore, #tpu.memory_space<semaphore_mem>>) src(%arg10 : memref<128x144xf32, #tpu.memory_space<vmem>>) dst(%dma_wait3A_23 : memref<6144x144xf32, #tpu.memory_space<vmem_shared>>)
    %barrier3A_24 = arith.constant 0 : index
    tpu.barrier barrier_id(%barrier3A_24)
    %scan3A_25 = arith.constant 0 : i32
    %scan3A_26 = arith.constant 0 : i32
    %scan3A_27 = arith.constant 3 : i32
    %scan3A_28 = arith.addi %scan3A_26, %scan3A_27 : i32
    %scan3A_29 = arith.constant 1 : i32
    scf.for %scan3A_31 = %scan3A_26 to %scan3A_28 step %scan3A_29  : i32 {
      %mul3A = arith.constant 3 : i32
      %mul3A_32 = arith.muli %arg1, %mul3A : i32
      %add3A = arith.addi %mul3A_32, %scan3A_31 : i32
      %mul3A_33 = arith.constant 128 : i32
      %mul3A_34 = arith.muli %add3A, %mul3A_33 : i32
      "tpu.region"() ({
        %run_scoped3A = tpu.sem_alloc : memref<!tpu.dma_semaphore, #tpu.memory_space<semaphore_mem>>
        %dma_start3A = arith.constant 0 : i32
        %dma_start3A_35 = tpu.memref_slice %arg11[%mul3A_34, %dma_start3A] : memref<6144x144xf32, #tpu.memory_space<vmem_shared>> -> memref<128x144xf32, #tpu.memory_space<vmem_shared>>
        %dma_start3A_36 = arith.constant 0 : i32
        %dma_start3A_37 = tpu.memref_slice %arg11[%mul3A_34, %dma_start3A_36] : memref<6144x144xf32, #tpu.memory_space<vmem_shared>> -> memref<128x144xf32, #tpu.memory_space<vmem_shared>>
        tpu.enqueue_dma source(%dma_start3A_37 : memref<128x144xf32, #tpu.memory_space<vmem_shared>>) target(%arg9 : memref<128x144xf32, #tpu.memory_space<vmem>>) target_semaphore(%run_scoped3A : memref<!tpu.dma_semaphore, #tpu.memory_space<semaphore_mem>>)
        %dma_wait3A_38 = arith.constant 0 : i32
        %dma_wait3A_39 = tpu.memref_slice %arg11[%mul3A_34, %dma_wait3A_38] : memref<6144x144xf32, #tpu.memory_space<vmem_shared>> -> memref<128x144xf32, #tpu.memory_space<vmem_shared>>
        %dma_wait3A_40 = arith.constant 0 : i32
        %dma_wait3A_41 = tpu.memref_slice %arg11[%mul3A_34, %dma_wait3A_40] : memref<6144x144xf32, #tpu.memory_space<vmem_shared>> -> memref<128x144xf32, #tpu.memory_space<vmem_shared>>
        tpu.wait_dma2 semaphore(%run_scoped3A : memref<!tpu.dma_semaphore, #tpu.memory_space<semaphore_mem>>) src(%dma_wait3A_41 : memref<128x144xf32, #tpu.memory_space<vmem_shared>>) dst(%arg9 : memref<128x144xf32, #tpu.memory_space<vmem>>)
        tpu.yield
      }) : () -> ()
      "tpu.region"() ({
        %run_scoped3A = tpu.sem_alloc : memref<!tpu.dma_semaphore, #tpu.memory_space<semaphore_mem>>
        %dma_start3A = arith.constant 0 : i32
        %dma_start3A_35 = tpu.memref_slice %arg6[%arg0, %mul3A_34, %dma_start3A] : memref<2x6144x144xf32, #tpu.memory_space<hbm>> -> memref<1x128x144xf32, #tpu.memory_space<hbm>>
        %dma_start3A_36 = tpu.memref_squeeze %dma_start3A_35 : memref<1x128x144xf32, #tpu.memory_space<hbm>> -> memref<128x144xf32, #tpu.memory_space<hbm>>
        %dma_start3A_37 = arith.constant 0 : i32
        %dma_start3A_38 = tpu.memref_slice %arg6[%arg0, %mul3A_34, %dma_start3A_37] : memref<2x6144x144xf32, #tpu.memory_space<hbm>> -> memref<1x128x144xf32, #tpu.memory_space<hbm>>
        %dma_start3A_39 = tpu.memref_squeeze %dma_start3A_38 : memref<1x128x144xf32, #tpu.memory_space<hbm>> -> memref<128x144xf32, #tpu.memory_space<hbm>>
        tpu.enqueue_dma source(%arg9 : memref<128x144xf32, #tpu.memory_space<vmem>>) target(%dma_start3A_39 : memref<128x144xf32, #tpu.memory_space<hbm>>) target_semaphore(%run_scoped3A : memref<!tpu.dma_semaphore, #tpu.memory_space<semaphore_mem>>)
        %dma_wait3A_40 = arith.constant 0 : i32
        %dma_wait3A_41 = tpu.memref_slice %arg6[%arg0, %mul3A_34, %dma_wait3A_40] : memref<2x6144x144xf32, #tpu.memory_space<hbm>> -> memref<1x128x144xf32, #tpu.memory_space<hbm>>
        %dma_wait3A_42 = tpu.memref_squeeze %dma_wait3A_41 : memref<1x128x144xf32, #tpu.memory_space<hbm>> -> memref<128x144xf32, #tpu.memory_space<hbm>>
        %dma_wait3A_43 = arith.constant 0 : i32
        %dma_wait3A_44 = tpu.memref_slice %arg6[%arg0, %mul3A_34, %dma_wait3A_43] : memref<2x6144x144xf32, #tpu.memory_space<hbm>> -> memref<1x128x144xf32, #tpu.memory_space<hbm>>
        %dma_wait3A_45 = tpu.memref_squeeze %dma_wait3A_44 : memref<1x128x144xf32, #tpu.memory_space<hbm>> -> memref<128x144xf32, #tpu.memory_space<hbm>>
        tpu.wait_dma2 semaphore(%run_scoped3A : memref<!tpu.dma_semaphore, #tpu.memory_space<semaphore_mem>>) src(%arg9 : memref<128x144xf32, #tpu.memory_space<vmem>>) dst(%dma_wait3A_45 : memref<128x144xf32, #tpu.memory_space<hbm>>)
        tpu.yield
      }) : () -> ()
    }
    %scan3A_30 = arith.constant 3 : i32
    return
  }
}

#map = affine_map<(d0, d1) -> (0, 0)>
#map1 = affine_map<(d0, d1) -> (0, 0, 0)>
module attributes {stable_mosaic.version = 14 : i64} {
  func.func @_sc_agg_body(%arg0: i32, %arg1: i32, %arg2: memref<10240x144xf32, #tpu.memory_space<hbm>>, %arg3: memref<2560x128xi32, #tpu.memory_space<hbm>>, %arg4: memref<2x2560x128xi32, #tpu.memory_space<hbm>>, %arg5: memref<128x144xf32, #tpu.memory_space<hbm>>, %arg6: memref<2x6144x144xf32, #tpu.memory_space<hbm>>, %arg7: memref<8x128xi32, #tpu.memory_space<vmem>>, %arg8: memref<8x128xi32, #tpu.memory_space<vmem>>, %arg9: memref<128x144xf32, #tpu.memory_space<vmem>>, %arg10: memref<128x144xf32, #tpu.memory_space<vmem>>, %arg11: memref<6144x144xf32, #tpu.memory_space<vmem_shared>>, %arg12: memref<!tpu.dma_semaphore, #tpu.memory_space<semaphore_mem>>, %arg13: memref<!tpu.dma_semaphore, #tpu.memory_space<semaphore_mem>>, %arg14: memref<!tpu.dma_semaphore, #tpu.memory_space<semaphore_mem>>, %arg15: memref<!tpu.dma_semaphore, #tpu.memory_space<semaphore_mem>>) attributes {dimension_semantics = [#tpu.dimension_semantics<core_parallel>, #tpu.dimension_semantics<subcore_parallel>], iteration_bounds = array<i64: 2, 16>, scalar_prefetch = 0 : i64, scratch_operands = 9 : i64, tpu.core_type = #tpu.core_type<sc_vector_subcore>, window_params = [{transform_indices = #map}, {transform_indices = #map}, {transform_indices = #map1}, {transform_indices = #map}, {transform_indices = #map1}]} {
    "tpu.region"() ({
      %run_scoped3A = tpu.sem_alloc : memref<!tpu.dma_semaphore, #tpu.memory_space<semaphore_mem>>
      tpu.enqueue_dma source(%arg5 : memref<128x144xf32, #tpu.memory_space<hbm>>) target(%arg9 : memref<128x144xf32, #tpu.memory_space<vmem>>) target_semaphore(%run_scoped3A : memref<!tpu.dma_semaphore, #tpu.memory_space<semaphore_mem>>)
      tpu.wait_dma2 semaphore(%run_scoped3A : memref<!tpu.dma_semaphore, #tpu.memory_space<semaphore_mem>>) src(%arg5 : memref<128x144xf32, #tpu.memory_space<hbm>>) dst(%arg9 : memref<128x144xf32, #tpu.memory_space<vmem>>)
      tpu.yield
    }) : () -> ()
    %scan3A = arith.constant 0 : i32
    %scan3A_0 = arith.constant 0 : i32
    %scan3A_1 = arith.constant 3 : i32
    %scan3A_2 = arith.addi %scan3A_0, %scan3A_1 : i32
    %scan3A_3 = arith.constant 1 : i32
    scf.for %scan3A_31 = %scan3A_0 to %scan3A_2 step %scan3A_3  : i32 {
      %mul3A = arith.constant 3 : i32
      %mul3A_32 = arith.muli %arg1, %mul3A : i32
      %add3A = arith.addi %mul3A_32, %scan3A_31 : i32
      %mul3A_33 = arith.constant 128 : i32
      %mul3A_34 = arith.muli %add3A, %mul3A_33 : i32
      "tpu.region"() ({
        %run_scoped3A = tpu.sem_alloc : memref<!tpu.dma_semaphore, #tpu.memory_space<semaphore_mem>>
        %dma_start3A = arith.constant 0 : i32
        %dma_start3A_35 = tpu.memref_slice %arg11[%mul3A_34, %dma_start3A] : memref<6144x144xf32, #tpu.memory_space<vmem_shared>> -> memref<128x144xf32, #tpu.memory_space<vmem_shared>>
        %dma_start3A_36 = arith.constant 0 : i32
        %dma_start3A_37 = tpu.memref_slice %arg11[%mul3A_34, %dma_start3A_36] : memref<6144x144xf32, #tpu.memory_space<vmem_shared>> -> memref<128x144xf32, #tpu.memory_space<vmem_shared>>
        tpu.enqueue_dma source(%arg9 : memref<128x144xf32, #tpu.memory_space<vmem>>) target(%dma_start3A_37 : memref<128x144xf32, #tpu.memory_space<vmem_shared>>) target_semaphore(%run_scoped3A : memref<!tpu.dma_semaphore, #tpu.memory_space<semaphore_mem>>)
        %dma_wait3A_38 = arith.constant 0 : i32
        %dma_wait3A_39 = tpu.memref_slice %arg11[%mul3A_34, %dma_wait3A_38] : memref<6144x144xf32, #tpu.memory_space<vmem_shared>> -> memref<128x144xf32, #tpu.memory_space<vmem_shared>>
        %dma_wait3A_40 = arith.constant 0 : i32
        %dma_wait3A_41 = tpu.memref_slice %arg11[%mul3A_34, %dma_wait3A_40] : memref<6144x144xf32, #tpu.memory_space<vmem_shared>> -> memref<128x144xf32, #tpu.memory_space<vmem_shared>>
        tpu.wait_dma2 semaphore(%run_scoped3A : memref<!tpu.dma_semaphore, #tpu.memory_space<semaphore_mem>>) src(%arg9 : memref<128x144xf32, #tpu.memory_space<vmem>>) dst(%dma_wait3A_41 : memref<128x144xf32, #tpu.memory_space<vmem_shared>>)
        tpu.yield
      }) : () -> ()
    }
    %scan3A_4 = arith.constant 3 : i32
    %barrier3A = arith.constant 0 : index
    tpu.barrier barrier_id(%barrier3A)
    %scan3A_5 = arith.constant 0 : i32
    %scan3A_6 = arith.constant 0 : i32
    %scan3A_7 = arith.constant 20 : i32
    %scan3A_8 = arith.addi %scan3A_6, %scan3A_7 : i32
    %scan3A_9 = arith.constant 1 : i32
    scf.for %scan3A_31 = %scan3A_6 to %scan3A_8 step %scan3A_9  : i32 {
      %gt3A = arith.constant 0 : i32
      %gt3A_32 = arith.cmpi sgt, %scan3A_31, %gt3A : i32
      %convert_element_type3A = arith.extui %gt3A_32 : i1 to i32
      %cond3A = arith.constant 0 : i32
      %cond3A_33 = arith.cmpi ne, %convert_element_type3A, %cond3A : i32
      scf.if %cond3A_33 {
        %dma_wait3A_246 = arith.constant 6 : i32
        %dma_wait3A_247 = arith.constant 0 : i32
        %dma_wait3A_248 = tpu.memref_slice %arg8[%dma_wait3A_246, %dma_wait3A_247] : memref<8x128xi32, #tpu.memory_space<vmem>> -> memref<1x128xi32, #tpu.memory_space<vmem>>
        %dma_wait3A_249 = tpu.memref_squeeze %dma_wait3A_248 : memref<1x128xi32, #tpu.memory_space<vmem>> -> memref<128xi32, #tpu.memory_space<vmem>>
        %dma_wait3A_250 = arith.constant 0 : i32
        %dma_wait3A_251 = arith.constant 0 : i32
        %dma_wait3A_252 = tpu.memref_slice %arg11[%dma_wait3A_250, %dma_wait3A_251] : memref<6144x144xf32, #tpu.memory_space<vmem_shared>> -> memref<6144x144xf32, #tpu.memory_space<vmem_shared>>
        tpu.wait_indirect_dma semaphore(%arg14 : memref<!tpu.dma_semaphore, #tpu.memory_space<semaphore_mem>>) src(%arg9 : memref<128x144xf32, #tpu.memory_space<vmem>>) dst(%dma_wait3A_252 : memref<6144x144xf32, #tpu.memory_space<vmem_shared>>)
        %dma_wait3A_253 = arith.constant 7 : i32
        %dma_wait3A_254 = arith.constant 0 : i32
        %dma_wait3A_255 = tpu.memref_slice %arg8[%dma_wait3A_253, %dma_wait3A_254] : memref<8x128xi32, #tpu.memory_space<vmem>> -> memref<1x128xi32, #tpu.memory_space<vmem>>
        %dma_wait3A_256 = tpu.memref_squeeze %dma_wait3A_255 : memref<1x128xi32, #tpu.memory_space<vmem>> -> memref<128xi32, #tpu.memory_space<vmem>>
        %dma_wait3A_257 = arith.constant 0 : i32
        %dma_wait3A_258 = arith.constant 0 : i32
        %dma_wait3A_259 = tpu.memref_slice %arg11[%dma_wait3A_257, %dma_wait3A_258] : memref<6144x144xf32, #tpu.memory_space<vmem_shared>> -> memref<6144x144xf32, #tpu.memory_space<vmem_shared>>
        tpu.wait_indirect_dma semaphore(%arg15 : memref<!tpu.dma_semaphore, #tpu.memory_space<semaphore_mem>>) src(%arg10 : memref<128x144xf32, #tpu.memory_space<vmem>>) dst(%dma_wait3A_259 : memref<6144x144xf32, #tpu.memory_space<vmem_shared>>)
      } else {
      }
      %mul3A = arith.constant 160 : i32
      %mul3A_34 = arith.muli %arg1, %mul3A : i32
      %mul3A_35 = arith.constant 8 : i32
      %mul3A_36 = arith.muli %scan3A_31, %mul3A_35 : i32
      %add3A = arith.addi %mul3A_34, %mul3A_36 : i32
      "tpu.region"() ({
        %run_scoped3A = tpu.sem_alloc : memref<!tpu.dma_semaphore, #tpu.memory_space<semaphore_mem>>
        %dma_start3A_246 = arith.constant 0 : i32
        %dma_start3A_247 = tpu.memref_slice %arg3[%add3A, %dma_start3A_246] : memref<2560x128xi32, #tpu.memory_space<hbm>> -> memref<8x128xi32, #tpu.memory_space<hbm>>
        %dma_start3A_248 = arith.constant 0 : i32
        %dma_start3A_249 = tpu.memref_slice %arg3[%add3A, %dma_start3A_248] : memref<2560x128xi32, #tpu.memory_space<hbm>> -> memref<8x128xi32, #tpu.memory_space<hbm>>
        tpu.enqueue_dma source(%dma_start3A_249 : memref<8x128xi32, #tpu.memory_space<hbm>>) target(%arg7 : memref<8x128xi32, #tpu.memory_space<vmem>>) target_semaphore(%run_scoped3A : memref<!tpu.dma_semaphore, #tpu.memory_space<semaphore_mem>>)
        %dma_wait3A_250 = arith.constant 0 : i32
        %dma_wait3A_251 = tpu.memref_slice %arg3[%add3A, %dma_wait3A_250] : memref<2560x128xi32, #tpu.memory_space<hbm>> -> memref<8x128xi32, #tpu.memory_space<hbm>>
        %dma_wait3A_252 = arith.constant 0 : i32
        %dma_wait3A_253 = tpu.memref_slice %arg3[%add3A, %dma_wait3A_252] : memref<2560x128xi32, #tpu.memory_space<hbm>> -> memref<8x128xi32, #tpu.memory_space<hbm>>
        tpu.wait_dma2 semaphore(%run_scoped3A : memref<!tpu.dma_semaphore, #tpu.memory_space<semaphore_mem>>) src(%dma_wait3A_253 : memref<8x128xi32, #tpu.memory_space<hbm>>) dst(%arg7 : memref<8x128xi32, #tpu.memory_space<vmem>>)
        tpu.yield
      }) : () -> ()
      "tpu.region"() ({
        %run_scoped3A = tpu.sem_alloc : memref<!tpu.dma_semaphore, #tpu.memory_space<semaphore_mem>>
        %dma_start3A_246 = arith.constant 0 : i32
        %dma_start3A_247 = tpu.memref_slice %arg4[%arg0, %add3A, %dma_start3A_246] : memref<2x2560x128xi32, #tpu.memory_space<hbm>> -> memref<1x8x128xi32, #tpu.memory_space<hbm>>
        %dma_start3A_248 = tpu.memref_squeeze %dma_start3A_247 : memref<1x8x128xi32, #tpu.memory_space<hbm>> -> memref<8x128xi32, #tpu.memory_space<hbm>>
        %dma_start3A_249 = arith.constant 0 : i32
        %dma_start3A_250 = tpu.memref_slice %arg4[%arg0, %add3A, %dma_start3A_249] : memref<2x2560x128xi32, #tpu.memory_space<hbm>> -> memref<1x8x128xi32, #tpu.memory_space<hbm>>
        %dma_start3A_251 = tpu.memref_squeeze %dma_start3A_250 : memref<1x8x128xi32, #tpu.memory_space<hbm>> -> memref<8x128xi32, #tpu.memory_space<hbm>>
        tpu.enqueue_dma source(%dma_start3A_251 : memref<8x128xi32, #tpu.memory_space<hbm>>) target(%arg8 : memref<8x128xi32, #tpu.memory_space<vmem>>) target_semaphore(%run_scoped3A : memref<!tpu.dma_semaphore, #tpu.memory_space<semaphore_mem>>)
        %dma_wait3A_252 = arith.constant 0 : i32
        %dma_wait3A_253 = tpu.memref_slice %arg4[%arg0, %add3A, %dma_wait3A_252] : memref<2x2560x128xi32, #tpu.memory_space<hbm>> -> memref<1x8x128xi32, #tpu.memory_space<hbm>>
        %dma_wait3A_254 = tpu.memref_squeeze %dma_wait3A_253 : memref<1x8x128xi32, #tpu.memory_space<hbm>> -> memref<8x128xi32, #tpu.memory_space<hbm>>
        %dma_wait3A_255 = arith.constant 0 : i32
        %dma_wait3A_256 = tpu.memref_slice %arg4[%arg0, %add3A, %dma_wait3A_255] : memref<2x2560x128xi32, #tpu.memory_space<hbm>> -> memref<1x8x128xi32, #tpu.memory_space<hbm>>
        %dma_wait3A_257 = tpu.memref_squeeze %dma_wait3A_256 : memref<1x8x128xi32, #tpu.memory_space<hbm>> -> memref<8x128xi32, #tpu.memory_space<hbm>>
        tpu.wait_dma2 semaphore(%run_scoped3A : memref<!tpu.dma_semaphore, #tpu.memory_space<semaphore_mem>>) src(%dma_wait3A_257 : memref<8x128xi32, #tpu.memory_space<hbm>>) dst(%arg8 : memref<8x128xi32, #tpu.memory_space<vmem>>)
        tpu.yield
      }) : () -> ()
      %dma_start3A = arith.constant 0 : i32
      %dma_start3A_37 = arith.constant 0 : i32
      %dma_start3A_38 = tpu.memref_slice %arg7[%dma_start3A, %dma_start3A_37] : memref<8x128xi32, #tpu.memory_space<vmem>> -> memref<1x128xi32, #tpu.memory_space<vmem>>
      %dma_start3A_39 = tpu.memref_squeeze %dma_start3A_38 : memref<1x128xi32, #tpu.memory_space<vmem>> -> memref<128xi32, #tpu.memory_space<vmem>>
      %dma_start3A_40 = arith.constant 0 : i32
      %dma_start3A_41 = arith.constant 0 : i32
      %dma_start3A_42 = tpu.memref_slice %arg2[%dma_start3A_40, %dma_start3A_41] : memref<10240x144xf32, #tpu.memory_space<hbm>> -> memref<10240x144xf32, #tpu.memory_space<hbm>>
      tpu.enqueue_indirect_dma source(%dma_start3A_42 : memref<10240x144xf32, #tpu.memory_space<hbm>>) target(%arg9 : memref<128x144xf32, #tpu.memory_space<vmem>>) offsets(%dma_start3A_39 : memref<128xi32, #tpu.memory_space<vmem>>) semaphore(%arg12 : memref<!tpu.dma_semaphore, #tpu.memory_space<semaphore_mem>>)
      %dma_start3A_43 = arith.constant 1 : i32
      %dma_start3A_44 = arith.constant 0 : i32
      %dma_start3A_45 = tpu.memref_slice %arg7[%dma_start3A_43, %dma_start3A_44] : memref<8x128xi32, #tpu.memory_space<vmem>> -> memref<1x128xi32, #tpu.memory_space<vmem>>
      %dma_start3A_46 = tpu.memref_squeeze %dma_start3A_45 : memref<1x128xi32, #tpu.memory_space<vmem>> -> memref<128xi32, #tpu.memory_space<vmem>>
      %dma_start3A_47 = arith.constant 0 : i32
      %dma_start3A_48 = arith.constant 0 : i32
      %dma_start3A_49 = tpu.memref_slice %arg2[%dma_start3A_47, %dma_start3A_48] : memref<10240x144xf32, #tpu.memory_space<hbm>> -> memref<10240x144xf32, #tpu.memory_space<hbm>>
      tpu.enqueue_indirect_dma source(%dma_start3A_49 : memref<10240x144xf32, #tpu.memory_space<hbm>>) target(%arg10 : memref<128x144xf32, #tpu.memory_space<vmem>>) offsets(%dma_start3A_46 : memref<128xi32, #tpu.memory_space<vmem>>) semaphore(%arg13 : memref<!tpu.dma_semaphore, #tpu.memory_space<semaphore_mem>>)
      %dma_wait3A_50 = arith.constant 0 : i32
      %dma_wait3A_51 = arith.constant 0 : i32
      %dma_wait3A_52 = tpu.memref_slice %arg7[%dma_wait3A_50, %dma_wait3A_51] : memref<8x128xi32, #tpu.memory_space<vmem>> -> memref<1x128xi32, #tpu.memory_space<vmem>>
      %dma_wait3A_53 = tpu.memref_squeeze %dma_wait3A_52 : memref<1x128xi32, #tpu.memory_space<vmem>> -> memref<128xi32, #tpu.memory_space<vmem>>
      %dma_wait3A_54 = arith.constant 0 : i32
      %dma_wait3A_55 = arith.constant 0 : i32
      %dma_wait3A_56 = tpu.memref_slice %arg2[%dma_wait3A_54, %dma_wait3A_55] : memref<10240x144xf32, #tpu.memory_space<hbm>> -> memref<10240x144xf32, #tpu.memory_space<hbm>>
      tpu.wait_indirect_dma semaphore(%arg12 : memref<!tpu.dma_semaphore, #tpu.memory_space<semaphore_mem>>) src(%dma_wait3A_56 : memref<10240x144xf32, #tpu.memory_space<hbm>>) dst(%arg9 : memref<128x144xf32, #tpu.memory_space<vmem>>)
      %dma_start3A_57 = arith.constant 0 : i32
      %dma_start3A_58 = arith.constant 0 : i32
      %dma_start3A_59 = tpu.memref_slice %arg8[%dma_start3A_57, %dma_start3A_58] : memref<8x128xi32, #tpu.memory_space<vmem>> -> memref<1x128xi32, #tpu.memory_space<vmem>>
      %dma_start3A_60 = tpu.memref_squeeze %dma_start3A_59 : memref<1x128xi32, #tpu.memory_space<vmem>> -> memref<128xi32, #tpu.memory_space<vmem>>
      %dma_start3A_61 = arith.constant 0 : i32
      %dma_start3A_62 = arith.constant 0 : i32
      %dma_start3A_63 = tpu.memref_slice %arg11[%dma_start3A_61, %dma_start3A_62] : memref<6144x144xf32, #tpu.memory_space<vmem_shared>> -> memref<6144x144xf32, #tpu.memory_space<vmem_shared>>
      tpu.enqueue_indirect_dma source(%arg9 : memref<128x144xf32, #tpu.memory_space<vmem>>) target(%dma_start3A_63 : memref<6144x144xf32, #tpu.memory_space<vmem_shared>>) offsets(%dma_start3A_60 : memref<128xi32, #tpu.memory_space<vmem>>) semaphore(%arg14 : memref<!tpu.dma_semaphore, #tpu.memory_space<semaphore_mem>>) {add = true}
      %dma_wait3A_64 = arith.constant 1 : i32
      %dma_wait3A_65 = arith.constant 0 : i32
      %dma_wait3A_66 = tpu.memref_slice %arg7[%dma_wait3A_64, %dma_wait3A_65] : memref<8x128xi32, #tpu.memory_space<vmem>> -> memref<1x128xi32, #tpu.memory_space<vmem>>
      %dma_wait3A_67 = tpu.memref_squeeze %dma_wait3A_66 : memref<1x128xi32, #tpu.memory_space<vmem>> -> memref<128xi32, #tpu.memory_space<vmem>>
      %dma_wait3A_68 = arith.constant 0 : i32
      %dma_wait3A_69 = arith.constant 0 : i32
      %dma_wait3A_70 = tpu.memref_slice %arg2[%dma_wait3A_68, %dma_wait3A_69] : memref<10240x144xf32, #tpu.memory_space<hbm>> -> memref<10240x144xf32, #tpu.memory_space<hbm>>
      tpu.wait_indirect_dma semaphore(%arg13 : memref<!tpu.dma_semaphore, #tpu.memory_space<semaphore_mem>>) src(%dma_wait3A_70 : memref<10240x144xf32, #tpu.memory_space<hbm>>) dst(%arg10 : memref<128x144xf32, #tpu.memory_space<vmem>>)
      %dma_start3A_71 = arith.constant 1 : i32
      %dma_start3A_72 = arith.constant 0 : i32
      %dma_start3A_73 = tpu.memref_slice %arg8[%dma_start3A_71, %dma_start3A_72] : memref<8x128xi32, #tpu.memory_space<vmem>> -> memref<1x128xi32, #tpu.memory_space<vmem>>
      %dma_start3A_74 = tpu.memref_squeeze %dma_start3A_73 : memref<1x128xi32, #tpu.memory_space<vmem>> -> memref<128xi32, #tpu.memory_space<vmem>>
      %dma_start3A_75 = arith.constant 0 : i32
      %dma_start3A_76 = arith.constant 0 : i32
      %dma_start3A_77 = tpu.memref_slice %arg11[%dma_start3A_75, %dma_start3A_76] : memref<6144x144xf32, #tpu.memory_space<vmem_shared>> -> memref<6144x144xf32, #tpu.memory_space<vmem_shared>>
      tpu.enqueue_indirect_dma source(%arg10 : memref<128x144xf32, #tpu.memory_space<vmem>>) target(%dma_start3A_77 : memref<6144x144xf32, #tpu.memory_space<vmem_shared>>) offsets(%dma_start3A_74 : memref<128xi32, #tpu.memory_space<vmem>>) semaphore(%arg15 : memref<!tpu.dma_semaphore, #tpu.memory_space<semaphore_mem>>) {add = true}
      %dma_wait3A_78 = arith.constant 0 : i32
      %dma_wait3A_79 = arith.constant 0 : i32
      %dma_wait3A_80 = tpu.memref_slice %arg8[%dma_wait3A_78, %dma_wait3A_79] : memref<8x128xi32, #tpu.memory_space<vmem>> -> memref<1x128xi32, #tpu.memory_space<vmem>>
      %dma_wait3A_81 = tpu.memref_squeeze %dma_wait3A_80 : memref<1x128xi32, #tpu.memory_space<vmem>> -> memref<128xi32, #tpu.memory_space<vmem>>
      %dma_wait3A_82 = arith.constant 0 : i32
      %dma_wait3A_83 = arith.constant 0 : i32
      %dma_wait3A_84 = tpu.memref_slice %arg11[%dma_wait3A_82, %dma_wait3A_83] : memref<6144x144xf32, #tpu.memory_space<vmem_shared>> -> memref<6144x144xf32, #tpu.memory_space<vmem_shared>>
      tpu.wait_indirect_dma semaphore(%arg14 : memref<!tpu.dma_semaphore, #tpu.memory_space<semaphore_mem>>) src(%arg9 : memref<128x144xf32, #tpu.memory_space<vmem>>) dst(%dma_wait3A_84 : memref<6144x144xf32, #tpu.memory_space<vmem_shared>>)
      %dma_wait3A_85 = arith.constant 1 : i32
      %dma_wait3A_86 = arith.constant 0 : i32
      %dma_wait3A_87 = tpu.memref_slice %arg8[%dma_wait3A_85, %dma_wait3A_86] : memref<8x128xi32, #tpu.memory_space<vmem>> -> memref<1x128xi32, #tpu.memory_space<vmem>>
      %dma_wait3A_88 = tpu.memref_squeeze %dma_wait3A_87 : memref<1x128xi32, #tpu.memory_space<vmem>> -> memref<128xi32, #tpu.memory_space<vmem>>
      %dma_wait3A_89 = arith.constant 0 : i32
      %dma_wait3A_90 = arith.constant 0 : i32
      %dma_wait3A_91 = tpu.memref_slice %arg11[%dma_wait3A_89, %dma_wait3A_90] : memref<6144x144xf32, #tpu.memory_space<vmem_shared>> -> memref<6144x144xf32, #tpu.memory_space<vmem_shared>>
      tpu.wait_indirect_dma semaphore(%arg15 : memref<!tpu.dma_semaphore, #tpu.memory_space<semaphore_mem>>) src(%arg10 : memref<128x144xf32, #tpu.memory_space<vmem>>) dst(%dma_wait3A_91 : memref<6144x144xf32, #tpu.memory_space<vmem_shared>>)
      %dma_start3A_92 = arith.constant 2 : i32
      %dma_start3A_93 = arith.constant 0 : i32
      %dma_start3A_94 = tpu.memref_slice %arg7[%dma_start3A_92, %dma_start3A_93] : memref<8x128xi32, #tpu.memory_space<vmem>> -> memref<1x128xi32, #tpu.memory_space<vmem>>
      %dma_start3A_95 = tpu.memref_squeeze %dma_start3A_94 : memref<1x128xi32, #tpu.memory_space<vmem>> -> memref<128xi32, #tpu.memory_space<vmem>>
      %dma_start3A_96 = arith.constant 0 : i32
      %dma_start3A_97 = arith.constant 0 : i32
      %dma_start3A_98 = tpu.memref_slice %arg2[%dma_start3A_96, %dma_start3A_97] : memref<10240x144xf32, #tpu.memory_space<hbm>> -> memref<10240x144xf32, #tpu.memory_space<hbm>>
      tpu.enqueue_indirect_dma source(%dma_start3A_98 : memref<10240x144xf32, #tpu.memory_space<hbm>>) target(%arg9 : memref<128x144xf32, #tpu.memory_space<vmem>>) offsets(%dma_start3A_95 : memref<128xi32, #tpu.memory_space<vmem>>) semaphore(%arg12 : memref<!tpu.dma_semaphore, #tpu.memory_space<semaphore_mem>>)
      %dma_start3A_99 = arith.constant 3 : i32
      %dma_start3A_100 = arith.constant 0 : i32
      %dma_start3A_101 = tpu.memref_slice %arg7[%dma_start3A_99, %dma_start3A_100] : memref<8x128xi32, #tpu.memory_space<vmem>> -> memref<1x128xi32, #tpu.memory_space<vmem>>
      %dma_start3A_102 = tpu.memref_squeeze %dma_start3A_101 : memref<1x128xi32, #tpu.memory_space<vmem>> -> memref<128xi32, #tpu.memory_space<vmem>>
      %dma_start3A_103 = arith.constant 0 : i32
      %dma_start3A_104 = arith.constant 0 : i32
      %dma_start3A_105 = tpu.memref_slice %arg2[%dma_start3A_103, %dma_start3A_104] : memref<10240x144xf32, #tpu.memory_space<hbm>> -> memref<10240x144xf32, #tpu.memory_space<hbm>>
      tpu.enqueue_indirect_dma source(%dma_start3A_105 : memref<10240x144xf32, #tpu.memory_space<hbm>>) target(%arg10 : memref<128x144xf32, #tpu.memory_space<vmem>>) offsets(%dma_start3A_102 : memref<128xi32, #tpu.memory_space<vmem>>) semaphore(%arg13 : memref<!tpu.dma_semaphore, #tpu.memory_space<semaphore_mem>>)
      %dma_wait3A_106 = arith.constant 2 : i32
      %dma_wait3A_107 = arith.constant 0 : i32
      %dma_wait3A_108 = tpu.memref_slice %arg7[%dma_wait3A_106, %dma_wait3A_107] : memref<8x128xi32, #tpu.memory_space<vmem>> -> memref<1x128xi32, #tpu.memory_space<vmem>>
      %dma_wait3A_109 = tpu.memref_squeeze %dma_wait3A_108 : memref<1x128xi32, #tpu.memory_space<vmem>> -> memref<128xi32, #tpu.memory_space<vmem>>
      %dma_wait3A_110 = arith.constant 0 : i32
      %dma_wait3A_111 = arith.constant 0 : i32
      %dma_wait3A_112 = tpu.memref_slice %arg2[%dma_wait3A_110, %dma_wait3A_111] : memref<10240x144xf32, #tpu.memory_space<hbm>> -> memref<10240x144xf32, #tpu.memory_space<hbm>>
      tpu.wait_indirect_dma semaphore(%arg12 : memref<!tpu.dma_semaphore, #tpu.memory_space<semaphore_mem>>) src(%dma_wait3A_112 : memref<10240x144xf32, #tpu.memory_space<hbm>>) dst(%arg9 : memref<128x144xf32, #tpu.memory_space<vmem>>)
      %dma_start3A_113 = arith.constant 2 : i32
      %dma_start3A_114 = arith.constant 0 : i32
      %dma_start3A_115 = tpu.memref_slice %arg8[%dma_start3A_113, %dma_start3A_114] : memref<8x128xi32, #tpu.memory_space<vmem>> -> memref<1x128xi32, #tpu.memory_space<vmem>>
      %dma_start3A_116 = tpu.memref_squeeze %dma_start3A_115 : memref<1x128xi32, #tpu.memory_space<vmem>> -> memref<128xi32, #tpu.memory_space<vmem>>
      %dma_start3A_117 = arith.constant 0 : i32
      %dma_start3A_118 = arith.constant 0 : i32
      %dma_start3A_119 = tpu.memref_slice %arg11[%dma_start3A_117, %dma_start3A_118] : memref<6144x144xf32, #tpu.memory_space<vmem_shared>> -> memref<6144x144xf32, #tpu.memory_space<vmem_shared>>
      tpu.enqueue_indirect_dma source(%arg9 : memref<128x144xf32, #tpu.memory_space<vmem>>) target(%dma_start3A_119 : memref<6144x144xf32, #tpu.memory_space<vmem_shared>>) offsets(%dma_start3A_116 : memref<128xi32, #tpu.memory_space<vmem>>) semaphore(%arg14 : memref<!tpu.dma_semaphore, #tpu.memory_space<semaphore_mem>>) {add = true}
      %dma_wait3A_120 = arith.constant 3 : i32
      %dma_wait3A_121 = arith.constant 0 : i32
      %dma_wait3A_122 = tpu.memref_slice %arg7[%dma_wait3A_120, %dma_wait3A_121] : memref<8x128xi32, #tpu.memory_space<vmem>> -> memref<1x128xi32, #tpu.memory_space<vmem>>
      %dma_wait3A_123 = tpu.memref_squeeze %dma_wait3A_122 : memref<1x128xi32, #tpu.memory_space<vmem>> -> memref<128xi32, #tpu.memory_space<vmem>>
      %dma_wait3A_124 = arith.constant 0 : i32
      %dma_wait3A_125 = arith.constant 0 : i32
      %dma_wait3A_126 = tpu.memref_slice %arg2[%dma_wait3A_124, %dma_wait3A_125] : memref<10240x144xf32, #tpu.memory_space<hbm>> -> memref<10240x144xf32, #tpu.memory_space<hbm>>
      tpu.wait_indirect_dma semaphore(%arg13 : memref<!tpu.dma_semaphore, #tpu.memory_space<semaphore_mem>>) src(%dma_wait3A_126 : memref<10240x144xf32, #tpu.memory_space<hbm>>) dst(%arg10 : memref<128x144xf32, #tpu.memory_space<vmem>>)
      %dma_start3A_127 = arith.constant 3 : i32
      %dma_start3A_128 = arith.constant 0 : i32
      %dma_start3A_129 = tpu.memref_slice %arg8[%dma_start3A_127, %dma_start3A_128] : memref<8x128xi32, #tpu.memory_space<vmem>> -> memref<1x128xi32, #tpu.memory_space<vmem>>
      %dma_start3A_130 = tpu.memref_squeeze %dma_start3A_129 : memref<1x128xi32, #tpu.memory_space<vmem>> -> memref<128xi32, #tpu.memory_space<vmem>>
      %dma_start3A_131 = arith.constant 0 : i32
      %dma_start3A_132 = arith.constant 0 : i32
      %dma_start3A_133 = tpu.memref_slice %arg11[%dma_start3A_131, %dma_start3A_132] : memref<6144x144xf32, #tpu.memory_space<vmem_shared>> -> memref<6144x144xf32, #tpu.memory_space<vmem_shared>>
      tpu.enqueue_indirect_dma source(%arg10 : memref<128x144xf32, #tpu.memory_space<vmem>>) target(%dma_start3A_133 : memref<6144x144xf32, #tpu.memory_space<vmem_shared>>) offsets(%dma_start3A_130 : memref<128xi32, #tpu.memory_space<vmem>>) semaphore(%arg15 : memref<!tpu.dma_semaphore, #tpu.memory_space<semaphore_mem>>) {add = true}
      %dma_wait3A_134 = arith.constant 2 : i32
      %dma_wait3A_135 = arith.constant 0 : i32
      %dma_wait3A_136 = tpu.memref_slice %arg8[%dma_wait3A_134, %dma_wait3A_135] : memref<8x128xi32, #tpu.memory_space<vmem>> -> memref<1x128xi32, #tpu.memory_space<vmem>>
      %dma_wait3A_137 = tpu.memref_squeeze %dma_wait3A_136 : memref<1x128xi32, #tpu.memory_space<vmem>> -> memref<128xi32, #tpu.memory_space<vmem>>
      %dma_wait3A_138 = arith.constant 0 : i32
      %dma_wait3A_139 = arith.constant 0 : i32
      %dma_wait3A_140 = tpu.memref_slice %arg11[%dma_wait3A_138, %dma_wait3A_139] : memref<6144x144xf32, #tpu.memory_space<vmem_shared>> -> memref<6144x144xf32, #tpu.memory_space<vmem_shared>>
      tpu.wait_indirect_dma semaphore(%arg14 : memref<!tpu.dma_semaphore, #tpu.memory_space<semaphore_mem>>) src(%arg9 : memref<128x144xf32, #tpu.memory_space<vmem>>) dst(%dma_wait3A_140 : memref<6144x144xf32, #tpu.memory_space<vmem_shared>>)
      %dma_wait3A_141 = arith.constant 3 : i32
      %dma_wait3A_142 = arith.constant 0 : i32
      %dma_wait3A_143 = tpu.memref_slice %arg8[%dma_wait3A_141, %dma_wait3A_142] : memref<8x128xi32, #tpu.memory_space<vmem>> -> memref<1x128xi32, #tpu.memory_space<vmem>>
      %dma_wait3A_144 = tpu.memref_squeeze %dma_wait3A_143 : memref<1x128xi32, #tpu.memory_space<vmem>> -> memref<128xi32, #tpu.memory_space<vmem>>
      %dma_wait3A_145 = arith.constant 0 : i32
      %dma_wait3A_146 = arith.constant 0 : i32
      %dma_wait3A_147 = tpu.memref_slice %arg11[%dma_wait3A_145, %dma_wait3A_146] : memref<6144x144xf32, #tpu.memory_space<vmem_shared>> -> memref<6144x144xf32, #tpu.memory_space<vmem_shared>>
      tpu.wait_indirect_dma semaphore(%arg15 : memref<!tpu.dma_semaphore, #tpu.memory_space<semaphore_mem>>) src(%arg10 : memref<128x144xf32, #tpu.memory_space<vmem>>) dst(%dma_wait3A_147 : memref<6144x144xf32, #tpu.memory_space<vmem_shared>>)
      %dma_start3A_148 = arith.constant 4 : i32
      %dma_start3A_149 = arith.constant 0 : i32
      %dma_start3A_150 = tpu.memref_slice %arg7[%dma_start3A_148, %dma_start3A_149] : memref<8x128xi32, #tpu.memory_space<vmem>> -> memref<1x128xi32, #tpu.memory_space<vmem>>
      %dma_start3A_151 = tpu.memref_squeeze %dma_start3A_150 : memref<1x128xi32, #tpu.memory_space<vmem>> -> memref<128xi32, #tpu.memory_space<vmem>>
      %dma_start3A_152 = arith.constant 0 : i32
      %dma_start3A_153 = arith.constant 0 : i32
      %dma_start3A_154 = tpu.memref_slice %arg2[%dma_start3A_152, %dma_start3A_153] : memref<10240x144xf32, #tpu.memory_space<hbm>> -> memref<10240x144xf32, #tpu.memory_space<hbm>>
      tpu.enqueue_indirect_dma source(%dma_start3A_154 : memref<10240x144xf32, #tpu.memory_space<hbm>>) target(%arg9 : memref<128x144xf32, #tpu.memory_space<vmem>>) offsets(%dma_start3A_151 : memref<128xi32, #tpu.memory_space<vmem>>) semaphore(%arg12 : memref<!tpu.dma_semaphore, #tpu.memory_space<semaphore_mem>>)
      %dma_start3A_155 = arith.constant 5 : i32
      %dma_start3A_156 = arith.constant 0 : i32
      %dma_start3A_157 = tpu.memref_slice %arg7[%dma_start3A_155, %dma_start3A_156] : memref<8x128xi32, #tpu.memory_space<vmem>> -> memref<1x128xi32, #tpu.memory_space<vmem>>
      %dma_start3A_158 = tpu.memref_squeeze %dma_start3A_157 : memref<1x128xi32, #tpu.memory_space<vmem>> -> memref<128xi32, #tpu.memory_space<vmem>>
      %dma_start3A_159 = arith.constant 0 : i32
      %dma_start3A_160 = arith.constant 0 : i32
      %dma_start3A_161 = tpu.memref_slice %arg2[%dma_start3A_159, %dma_start3A_160] : memref<10240x144xf32, #tpu.memory_space<hbm>> -> memref<10240x144xf32, #tpu.memory_space<hbm>>
      tpu.enqueue_indirect_dma source(%dma_start3A_161 : memref<10240x144xf32, #tpu.memory_space<hbm>>) target(%arg10 : memref<128x144xf32, #tpu.memory_space<vmem>>) offsets(%dma_start3A_158 : memref<128xi32, #tpu.memory_space<vmem>>) semaphore(%arg13 : memref<!tpu.dma_semaphore, #tpu.memory_space<semaphore_mem>>)
      %dma_wait3A_162 = arith.constant 4 : i32
      %dma_wait3A_163 = arith.constant 0 : i32
      %dma_wait3A_164 = tpu.memref_slice %arg7[%dma_wait3A_162, %dma_wait3A_163] : memref<8x128xi32, #tpu.memory_space<vmem>> -> memref<1x128xi32, #tpu.memory_space<vmem>>
      %dma_wait3A_165 = tpu.memref_squeeze %dma_wait3A_164 : memref<1x128xi32, #tpu.memory_space<vmem>> -> memref<128xi32, #tpu.memory_space<vmem>>
      %dma_wait3A_166 = arith.constant 0 : i32
      %dma_wait3A_167 = arith.constant 0 : i32
      %dma_wait3A_168 = tpu.memref_slice %arg2[%dma_wait3A_166, %dma_wait3A_167] : memref<10240x144xf32, #tpu.memory_space<hbm>> -> memref<10240x144xf32, #tpu.memory_space<hbm>>
      tpu.wait_indirect_dma semaphore(%arg12 : memref<!tpu.dma_semaphore, #tpu.memory_space<semaphore_mem>>) src(%dma_wait3A_168 : memref<10240x144xf32, #tpu.memory_space<hbm>>) dst(%arg9 : memref<128x144xf32, #tpu.memory_space<vmem>>)
      %dma_start3A_169 = arith.constant 4 : i32
      %dma_start3A_170 = arith.constant 0 : i32
      %dma_start3A_171 = tpu.memref_slice %arg8[%dma_start3A_169, %dma_start3A_170] : memref<8x128xi32, #tpu.memory_space<vmem>> -> memref<1x128xi32, #tpu.memory_space<vmem>>
      %dma_start3A_172 = tpu.memref_squeeze %dma_start3A_171 : memref<1x128xi32, #tpu.memory_space<vmem>> -> memref<128xi32, #tpu.memory_space<vmem>>
      %dma_start3A_173 = arith.constant 0 : i32
      %dma_start3A_174 = arith.constant 0 : i32
      %dma_start3A_175 = tpu.memref_slice %arg11[%dma_start3A_173, %dma_start3A_174] : memref<6144x144xf32, #tpu.memory_space<vmem_shared>> -> memref<6144x144xf32, #tpu.memory_space<vmem_shared>>
      tpu.enqueue_indirect_dma source(%arg9 : memref<128x144xf32, #tpu.memory_space<vmem>>) target(%dma_start3A_175 : memref<6144x144xf32, #tpu.memory_space<vmem_shared>>) offsets(%dma_start3A_172 : memref<128xi32, #tpu.memory_space<vmem>>) semaphore(%arg14 : memref<!tpu.dma_semaphore, #tpu.memory_space<semaphore_mem>>) {add = true}
      %dma_wait3A_176 = arith.constant 5 : i32
      %dma_wait3A_177 = arith.constant 0 : i32
      %dma_wait3A_178 = tpu.memref_slice %arg7[%dma_wait3A_176, %dma_wait3A_177] : memref<8x128xi32, #tpu.memory_space<vmem>> -> memref<1x128xi32, #tpu.memory_space<vmem>>
      %dma_wait3A_179 = tpu.memref_squeeze %dma_wait3A_178 : memref<1x128xi32, #tpu.memory_space<vmem>> -> memref<128xi32, #tpu.memory_space<vmem>>
      %dma_wait3A_180 = arith.constant 0 : i32
      %dma_wait3A_181 = arith.constant 0 : i32
      %dma_wait3A_182 = tpu.memref_slice %arg2[%dma_wait3A_180, %dma_wait3A_181] : memref<10240x144xf32, #tpu.memory_space<hbm>> -> memref<10240x144xf32, #tpu.memory_space<hbm>>
      tpu.wait_indirect_dma semaphore(%arg13 : memref<!tpu.dma_semaphore, #tpu.memory_space<semaphore_mem>>) src(%dma_wait3A_182 : memref<10240x144xf32, #tpu.memory_space<hbm>>) dst(%arg10 : memref<128x144xf32, #tpu.memory_space<vmem>>)
      %dma_start3A_183 = arith.constant 5 : i32
      %dma_start3A_184 = arith.constant 0 : i32
      %dma_start3A_185 = tpu.memref_slice %arg8[%dma_start3A_183, %dma_start3A_184] : memref<8x128xi32, #tpu.memory_space<vmem>> -> memref<1x128xi32, #tpu.memory_space<vmem>>
      %dma_start3A_186 = tpu.memref_squeeze %dma_start3A_185 : memref<1x128xi32, #tpu.memory_space<vmem>> -> memref<128xi32, #tpu.memory_space<vmem>>
      %dma_start3A_187 = arith.constant 0 : i32
      %dma_start3A_188 = arith.constant 0 : i32
      %dma_start3A_189 = tpu.memref_slice %arg11[%dma_start3A_187, %dma_start3A_188] : memref<6144x144xf32, #tpu.memory_space<vmem_shared>> -> memref<6144x144xf32, #tpu.memory_space<vmem_shared>>
      tpu.enqueue_indirect_dma source(%arg10 : memref<128x144xf32, #tpu.memory_space<vmem>>) target(%dma_start3A_189 : memref<6144x144xf32, #tpu.memory_space<vmem_shared>>) offsets(%dma_start3A_186 : memref<128xi32, #tpu.memory_space<vmem>>) semaphore(%arg15 : memref<!tpu.dma_semaphore, #tpu.memory_space<semaphore_mem>>) {add = true}
      %dma_wait3A_190 = arith.constant 4 : i32
      %dma_wait3A_191 = arith.constant 0 : i32
      %dma_wait3A_192 = tpu.memref_slice %arg8[%dma_wait3A_190, %dma_wait3A_191] : memref<8x128xi32, #tpu.memory_space<vmem>> -> memref<1x128xi32, #tpu.memory_space<vmem>>
      %dma_wait3A_193 = tpu.memref_squeeze %dma_wait3A_192 : memref<1x128xi32, #tpu.memory_space<vmem>> -> memref<128xi32, #tpu.memory_space<vmem>>
      %dma_wait3A_194 = arith.constant 0 : i32
      %dma_wait3A_195 = arith.constant 0 : i32
      %dma_wait3A_196 = tpu.memref_slice %arg11[%dma_wait3A_194, %dma_wait3A_195] : memref<6144x144xf32, #tpu.memory_space<vmem_shared>> -> memref<6144x144xf32, #tpu.memory_space<vmem_shared>>
      tpu.wait_indirect_dma semaphore(%arg14 : memref<!tpu.dma_semaphore, #tpu.memory_space<semaphore_mem>>) src(%arg9 : memref<128x144xf32, #tpu.memory_space<vmem>>) dst(%dma_wait3A_196 : memref<6144x144xf32, #tpu.memory_space<vmem_shared>>)
      %dma_wait3A_197 = arith.constant 5 : i32
      %dma_wait3A_198 = arith.constant 0 : i32
      %dma_wait3A_199 = tpu.memref_slice %arg8[%dma_wait3A_197, %dma_wait3A_198] : memref<8x128xi32, #tpu.memory_space<vmem>> -> memref<1x128xi32, #tpu.memory_space<vmem>>
      %dma_wait3A_200 = tpu.memref_squeeze %dma_wait3A_199 : memref<1x128xi32, #tpu.memory_space<vmem>> -> memref<128xi32, #tpu.memory_space<vmem>>
      %dma_wait3A_201 = arith.constant 0 : i32
      %dma_wait3A_202 = arith.constant 0 : i32
      %dma_wait3A_203 = tpu.memref_slice %arg11[%dma_wait3A_201, %dma_wait3A_202] : memref<6144x144xf32, #tpu.memory_space<vmem_shared>> -> memref<6144x144xf32, #tpu.memory_space<vmem_shared>>
      tpu.wait_indirect_dma semaphore(%arg15 : memref<!tpu.dma_semaphore, #tpu.memory_space<semaphore_mem>>) src(%arg10 : memref<128x144xf32, #tpu.memory_space<vmem>>) dst(%dma_wait3A_203 : memref<6144x144xf32, #tpu.memory_space<vmem_shared>>)
      %dma_start3A_204 = arith.constant 6 : i32
      %dma_start3A_205 = arith.constant 0 : i32
      %dma_start3A_206 = tpu.memref_slice %arg7[%dma_start3A_204, %dma_start3A_205] : memref<8x128xi32, #tpu.memory_space<vmem>> -> memref<1x128xi32, #tpu.memory_space<vmem>>
      %dma_start3A_207 = tpu.memref_squeeze %dma_start3A_206 : memref<1x128xi32, #tpu.memory_space<vmem>> -> memref<128xi32, #tpu.memory_space<vmem>>
      %dma_start3A_208 = arith.constant 0 : i32
      %dma_start3A_209 = arith.constant 0 : i32
      %dma_start3A_210 = tpu.memref_slice %arg2[%dma_start3A_208, %dma_start3A_209] : memref<10240x144xf32, #tpu.memory_space<hbm>> -> memref<10240x144xf32, #tpu.memory_space<hbm>>
      tpu.enqueue_indirect_dma source(%dma_start3A_210 : memref<10240x144xf32, #tpu.memory_space<hbm>>) target(%arg9 : memref<128x144xf32, #tpu.memory_space<vmem>>) offsets(%dma_start3A_207 : memref<128xi32, #tpu.memory_space<vmem>>) semaphore(%arg12 : memref<!tpu.dma_semaphore, #tpu.memory_space<semaphore_mem>>)
      %dma_start3A_211 = arith.constant 7 : i32
      %dma_start3A_212 = arith.constant 0 : i32
      %dma_start3A_213 = tpu.memref_slice %arg7[%dma_start3A_211, %dma_start3A_212] : memref<8x128xi32, #tpu.memory_space<vmem>> -> memref<1x128xi32, #tpu.memory_space<vmem>>
      %dma_start3A_214 = tpu.memref_squeeze %dma_start3A_213 : memref<1x128xi32, #tpu.memory_space<vmem>> -> memref<128xi32, #tpu.memory_space<vmem>>
      %dma_start3A_215 = arith.constant 0 : i32
      %dma_start3A_216 = arith.constant 0 : i32
      %dma_start3A_217 = tpu.memref_slice %arg2[%dma_start3A_215, %dma_start3A_216] : memref<10240x144xf32, #tpu.memory_space<hbm>> -> memref<10240x144xf32, #tpu.memory_space<hbm>>
      tpu.enqueue_indirect_dma source(%dma_start3A_217 : memref<10240x144xf32, #tpu.memory_space<hbm>>) target(%arg10 : memref<128x144xf32, #tpu.memory_space<vmem>>) offsets(%dma_start3A_214 : memref<128xi32, #tpu.memory_space<vmem>>) semaphore(%arg13 : memref<!tpu.dma_semaphore, #tpu.memory_space<semaphore_mem>>)
      %dma_wait3A_218 = arith.constant 6 : i32
      %dma_wait3A_219 = arith.constant 0 : i32
      %dma_wait3A_220 = tpu.memref_slice %arg7[%dma_wait3A_218, %dma_wait3A_219] : memref<8x128xi32, #tpu.memory_space<vmem>> -> memref<1x128xi32, #tpu.memory_space<vmem>>
      %dma_wait3A_221 = tpu.memref_squeeze %dma_wait3A_220 : memref<1x128xi32, #tpu.memory_space<vmem>> -> memref<128xi32, #tpu.memory_space<vmem>>
      %dma_wait3A_222 = arith.constant 0 : i32
      %dma_wait3A_223 = arith.constant 0 : i32
      %dma_wait3A_224 = tpu.memref_slice %arg2[%dma_wait3A_222, %dma_wait3A_223] : memref<10240x144xf32, #tpu.memory_space<hbm>> -> memref<10240x144xf32, #tpu.memory_space<hbm>>
      tpu.wait_indirect_dma semaphore(%arg12 : memref<!tpu.dma_semaphore, #tpu.memory_space<semaphore_mem>>) src(%dma_wait3A_224 : memref<10240x144xf32, #tpu.memory_space<hbm>>) dst(%arg9 : memref<128x144xf32, #tpu.memory_space<vmem>>)
      %dma_start3A_225 = arith.constant 6 : i32
      %dma_start3A_226 = arith.constant 0 : i32
      %dma_start3A_227 = tpu.memref_slice %arg8[%dma_start3A_225, %dma_start3A_226] : memref<8x128xi32, #tpu.memory_space<vmem>> -> memref<1x128xi32, #tpu.memory_space<vmem>>
      %dma_start3A_228 = tpu.memref_squeeze %dma_start3A_227 : memref<1x128xi32, #tpu.memory_space<vmem>> -> memref<128xi32, #tpu.memory_space<vmem>>
      %dma_start3A_229 = arith.constant 0 : i32
      %dma_start3A_230 = arith.constant 0 : i32
      %dma_start3A_231 = tpu.memref_slice %arg11[%dma_start3A_229, %dma_start3A_230] : memref<6144x144xf32, #tpu.memory_space<vmem_shared>> -> memref<6144x144xf32, #tpu.memory_space<vmem_shared>>
      tpu.enqueue_indirect_dma source(%arg9 : memref<128x144xf32, #tpu.memory_space<vmem>>) target(%dma_start3A_231 : memref<6144x144xf32, #tpu.memory_space<vmem_shared>>) offsets(%dma_start3A_228 : memref<128xi32, #tpu.memory_space<vmem>>) semaphore(%arg14 : memref<!tpu.dma_semaphore, #tpu.memory_space<semaphore_mem>>) {add = true}
      %dma_wait3A_232 = arith.constant 7 : i32
      %dma_wait3A_233 = arith.constant 0 : i32
      %dma_wait3A_234 = tpu.memref_slice %arg7[%dma_wait3A_232, %dma_wait3A_233] : memref<8x128xi32, #tpu.memory_space<vmem>> -> memref<1x128xi32, #tpu.memory_space<vmem>>
      %dma_wait3A_235 = tpu.memref_squeeze %dma_wait3A_234 : memref<1x128xi32, #tpu.memory_space<vmem>> -> memref<128xi32, #tpu.memory_space<vmem>>
      %dma_wait3A_236 = arith.constant 0 : i32
      %dma_wait3A_237 = arith.constant 0 : i32
      %dma_wait3A_238 = tpu.memref_slice %arg2[%dma_wait3A_236, %dma_wait3A_237] : memref<10240x144xf32, #tpu.memory_space<hbm>> -> memref<10240x144xf32, #tpu.memory_space<hbm>>
      tpu.wait_indirect_dma semaphore(%arg13 : memref<!tpu.dma_semaphore, #tpu.memory_space<semaphore_mem>>) src(%dma_wait3A_238 : memref<10240x144xf32, #tpu.memory_space<hbm>>) dst(%arg10 : memref<128x144xf32, #tpu.memory_space<vmem>>)
      %dma_start3A_239 = arith.constant 7 : i32
      %dma_start3A_240 = arith.constant 0 : i32
      %dma_start3A_241 = tpu.memref_slice %arg8[%dma_start3A_239, %dma_start3A_240] : memref<8x128xi32, #tpu.memory_space<vmem>> -> memref<1x128xi32, #tpu.memory_space<vmem>>
      %dma_start3A_242 = tpu.memref_squeeze %dma_start3A_241 : memref<1x128xi32, #tpu.memory_space<vmem>> -> memref<128xi32, #tpu.memory_space<vmem>>
      %dma_start3A_243 = arith.constant 0 : i32
      %dma_start3A_244 = arith.constant 0 : i32
      %dma_start3A_245 = tpu.memref_slice %arg11[%dma_start3A_243, %dma_start3A_244] : memref<6144x144xf32, #tpu.memory_space<vmem_shared>> -> memref<6144x144xf32, #tpu.memory_space<vmem_shared>>
      tpu.enqueue_indirect_dma source(%arg10 : memref<128x144xf32, #tpu.memory_space<vmem>>) target(%dma_start3A_245 : memref<6144x144xf32, #tpu.memory_space<vmem_shared>>) offsets(%dma_start3A_242 : memref<128xi32, #tpu.memory_space<vmem>>) semaphore(%arg15 : memref<!tpu.dma_semaphore, #tpu.memory_space<semaphore_mem>>) {add = true}
    }
    %scan3A_10 = arith.constant 20 : i32
    %dma_wait3A = arith.constant 6 : i32
    %dma_wait3A_11 = arith.constant 0 : i32
    %dma_wait3A_12 = tpu.memref_slice %arg8[%dma_wait3A, %dma_wait3A_11] : memref<8x128xi32, #tpu.memory_space<vmem>> -> memref<1x128xi32, #tpu.memory_space<vmem>>
    %dma_wait3A_13 = tpu.memref_squeeze %dma_wait3A_12 : memref<1x128xi32, #tpu.memory_space<vmem>> -> memref<128xi32, #tpu.memory_space<vmem>>
    %dma_wait3A_14 = arith.constant 0 : i32
    %dma_wait3A_15 = arith.constant 0 : i32
    %dma_wait3A_16 = tpu.memref_slice %arg11[%dma_wait3A_14, %dma_wait3A_15] : memref<6144x144xf32, #tpu.memory_space<vmem_shared>> -> memref<6144x144xf32, #tpu.memory_space<vmem_shared>>
    tpu.wait_indirect_dma semaphore(%arg14 : memref<!tpu.dma_semaphore, #tpu.memory_space<semaphore_mem>>) src(%arg9 : memref<128x144xf32, #tpu.memory_space<vmem>>) dst(%dma_wait3A_16 : memref<6144x144xf32, #tpu.memory_space<vmem_shared>>)
    %dma_wait3A_17 = arith.constant 7 : i32
    %dma_wait3A_18 = arith.constant 0 : i32
    %dma_wait3A_19 = tpu.memref_slice %arg8[%dma_wait3A_17, %dma_wait3A_18] : memref<8x128xi32, #tpu.memory_space<vmem>> -> memref<1x128xi32, #tpu.memory_space<vmem>>
    %dma_wait3A_20 = tpu.memref_squeeze %dma_wait3A_19 : memref<1x128xi32, #tpu.memory_space<vmem>> -> memref<128xi32, #tpu.memory_space<vmem>>
    %dma_wait3A_21 = arith.constant 0 : i32
    %dma_wait3A_22 = arith.constant 0 : i32
    %dma_wait3A_23 = tpu.memref_slice %arg11[%dma_wait3A_21, %dma_wait3A_22] : memref<6144x144xf32, #tpu.memory_space<vmem_shared>> -> memref<6144x144xf32, #tpu.memory_space<vmem_shared>>
    tpu.wait_indirect_dma semaphore(%arg15 : memref<!tpu.dma_semaphore, #tpu.memory_space<semaphore_mem>>) src(%arg10 : memref<128x144xf32, #tpu.memory_space<vmem>>) dst(%dma_wait3A_23 : memref<6144x144xf32, #tpu.memory_space<vmem_shared>>)
    %barrier3A_24 = arith.constant 0 : index
    tpu.barrier barrier_id(%barrier3A_24)
    %scan3A_25 = arith.constant 0 : i32
    %scan3A_26 = arith.constant 0 : i32
    %scan3A_27 = arith.constant 3 : i32
    %scan3A_28 = arith.addi %scan3A_26, %scan3A_27 : i32
    %scan3A_29 = arith.constant 1 : i32
    scf.for %scan3A_31 = %scan3A_26 to %scan3A_28 step %scan3A_29  : i32 {
      %mul3A = arith.constant 3 : i32
      %mul3A_32 = arith.muli %arg1, %mul3A : i32
      %add3A = arith.addi %mul3A_32, %scan3A_31 : i32
      %mul3A_33 = arith.constant 128 : i32
      %mul3A_34 = arith.muli %add3A, %mul3A_33 : i32
      "tpu.region"() ({
        %run_scoped3A = tpu.sem_alloc : memref<!tpu.dma_semaphore, #tpu.memory_space<semaphore_mem>>
        %dma_start3A = arith.constant 0 : i32
        %dma_start3A_35 = tpu.memref_slice %arg11[%mul3A_34, %dma_start3A] : memref<6144x144xf32, #tpu.memory_space<vmem_shared>> -> memref<128x144xf32, #tpu.memory_space<vmem_shared>>
        %dma_start3A_36 = arith.constant 0 : i32
        %dma_start3A_37 = tpu.memref_slice %arg11[%mul3A_34, %dma_start3A_36] : memref<6144x144xf32, #tpu.memory_space<vmem_shared>> -> memref<128x144xf32, #tpu.memory_space<vmem_shared>>
        tpu.enqueue_dma source(%dma_start3A_37 : memref<128x144xf32, #tpu.memory_space<vmem_shared>>) target(%arg9 : memref<128x144xf32, #tpu.memory_space<vmem>>) target_semaphore(%run_scoped3A : memref<!tpu.dma_semaphore, #tpu.memory_space<semaphore_mem>>)
        %dma_wait3A_38 = arith.constant 0 : i32
        %dma_wait3A_39 = tpu.memref_slice %arg11[%mul3A_34, %dma_wait3A_38] : memref<6144x144xf32, #tpu.memory_space<vmem_shared>> -> memref<128x144xf32, #tpu.memory_space<vmem_shared>>
        %dma_wait3A_40 = arith.constant 0 : i32
        %dma_wait3A_41 = tpu.memref_slice %arg11[%mul3A_34, %dma_wait3A_40] : memref<6144x144xf32, #tpu.memory_space<vmem_shared>> -> memref<128x144xf32, #tpu.memory_space<vmem_shared>>
        tpu.wait_dma2 semaphore(%run_scoped3A : memref<!tpu.dma_semaphore, #tpu.memory_space<semaphore_mem>>) src(%dma_wait3A_41 : memref<128x144xf32, #tpu.memory_space<vmem_shared>>) dst(%arg9 : memref<128x144xf32, #tpu.memory_space<vmem>>)
        tpu.yield
      }) : () -> ()
      "tpu.region"() ({
        %run_scoped3A = tpu.sem_alloc : memref<!tpu.dma_semaphore, #tpu.memory_space<semaphore_mem>>
        %dma_start3A = arith.constant 0 : i32
        %dma_start3A_35 = tpu.memref_slice %arg6[%arg0, %mul3A_34, %dma_start3A] : memref<2x6144x144xf32, #tpu.memory_space<hbm>> -> memref<1x128x144xf32, #tpu.memory_space<hbm>>
        %dma_start3A_36 = tpu.memref_squeeze %dma_start3A_35 : memref<1x128x144xf32, #tpu.memory_space<hbm>> -> memref<128x144xf32, #tpu.memory_space<hbm>>
        %dma_start3A_37 = arith.constant 0 : i32
        %dma_start3A_38 = tpu.memref_slice %arg6[%arg0, %mul3A_34, %dma_start3A_37] : memref<2x6144x144xf32, #tpu.memory_space<hbm>> -> memref<1x128x144xf32, #tpu.memory_space<hbm>>
        %dma_start3A_39 = tpu.memref_squeeze %dma_start3A_38 : memref<1x128x144xf32, #tpu.memory_space<hbm>> -> memref<128x144xf32, #tpu.memory_space<hbm>>
        tpu.enqueue_dma source(%arg9 : memref<128x144xf32, #tpu.memory_space<vmem>>) target(%dma_start3A_39 : memref<128x144xf32, #tpu.memory_space<hbm>>) target_semaphore(%run_scoped3A : memref<!tpu.dma_semaphore, #tpu.memory_space<semaphore_mem>>)
        %dma_wait3A_40 = arith.constant 0 : i32
        %dma_wait3A_41 = tpu.memref_slice %arg6[%arg0, %mul3A_34, %dma_wait3A_40] : memref<2x6144x144xf32, #tpu.memory_space<hbm>> -> memref<1x128x144xf32, #tpu.memory_space<hbm>>
        %dma_wait3A_42 = tpu.memref_squeeze %dma_wait3A_41 : memref<1x128x144xf32, #tpu.memory_space<hbm>> -> memref<128x144xf32, #tpu.memory_space<hbm>>
        %dma_wait3A_43 = arith.constant 0 : i32
        %dma_wait3A_44 = tpu.memref_slice %arg6[%arg0, %mul3A_34, %dma_wait3A_43] : memref<2x6144x144xf32, #tpu.memory_space<hbm>> -> memref<1x128x144xf32, #tpu.memory_space<hbm>>
        %dma_wait3A_45 = tpu.memref_squeeze %dma_wait3A_44 : memref<1x128x144xf32, #tpu.memory_space<hbm>> -> memref<128x144xf32, #tpu.memory_space<hbm>>
        tpu.wait_dma2 semaphore(%run_scoped3A : memref<!tpu.dma_semaphore, #tpu.memory_space<semaphore_mem>>) src(%arg9 : memref<128x144xf32, #tpu.memory_space<vmem>>) dst(%dma_wait3A_45 : memref<128x144xf32, #tpu.memory_space<hbm>>)
        tpu.yield
      }) : () -> ()
    }
    %scan3A_30 = arith.constant 3 : i32
    return
  }
}

module attributes {stable_mosaic.version = 14 : i64} {
  func.func @_tc_layer_body(%arg0: i32, %arg1: memref<1024x128xf32, #tpu.memory_space<vmem>>, %arg2: memref<1024x128xf32, #tpu.memory_space<vmem>>, %arg3: memref<1024x8xf32, #tpu.memory_space<vmem>>, %arg4: memref<128x128xf32, #tpu.memory_space<vmem>>, %arg5: memref<128x128xf32, #tpu.memory_space<vmem>>, %arg6: memref<1x128xf32, #tpu.memory_space<vmem>>, %arg7: memref<1024x128xf32, #tpu.memory_space<vmem>>) attributes {dimension_semantics = [#tpu.dimension_semantics<arbitrary>], iteration_bounds = array<i64: 10>, scalar_prefetch = 0 : i64, scratch_operands = 0 : i64, tpu.core_type = #tpu.core_type<tc>, window_params = [{transform_indices = @transform_0, window_bounds = array<i64: 1024, 128>}, {transform_indices = @transform_1, window_bounds = array<i64: 1024, 128>}, {transform_indices = @transform_2, window_bounds = array<i64: 1024, 8>}, {pipeline_mode = #tpu.pipeline_mode<synchronous>, transform_indices = @transform_3, window_bounds = array<i64: 128, 128>}, {pipeline_mode = #tpu.pipeline_mode<synchronous>, transform_indices = @transform_4, window_bounds = array<i64: 128, 128>}, {pipeline_mode = #tpu.pipeline_mode<synchronous>, transform_indices = @transform_5, window_bounds = array<i64: 1, 128>}, {transform_indices = @transform_6, window_bounds = array<i64: 1024, 128>}]} {
    %get3A = arith.constant 0 : index
    %get3A_0 = arith.constant 0 : index
    %get3A_1 = vector.load %arg3[%get3A, %get3A_0] : memref<1024x8xf32, #tpu.memory_space<vmem>>, vector<1024x1xf32>
    %max3A = arith.constant 1.000000e+00 : f32
    %max3A_2 = vector.broadcast %max3A : f32 to vector<1024x1xf32>
    %max3A_3 = arith.maximumf %get3A_1, %max3A_2 : vector<1024x1xf32>
    %div3A = arith.constant 1.000000e+00 : f32
    %div3A_4 = vector.broadcast %div3A : f32 to vector<1024x1xf32>
    %div3A_5 = arith.divf %div3A_4, %max3A_3 : vector<1024x1xf32>
    %get3A_6 = arith.constant 0 : index
    %get3A_7 = arith.constant 0 : index
    %get3A_8 = vector.load %arg2[%get3A_6, %get3A_7] : memref<1024x128xf32, #tpu.memory_space<vmem>>, vector<1024x128xf32>
    %mul3A = vector.broadcast %div3A_5 : vector<1024x1xf32> to vector<1024x128xf32>
    %mul3A_9 = arith.mulf %get3A_8, %mul3A : vector<1024x128xf32>
    %get3A_10 = arith.constant 0 : index
    %get3A_11 = arith.constant 0 : index
    %get3A_12 = vector.load %arg1[%get3A_10, %get3A_11] : memref<1024x128xf32, #tpu.memory_space<vmem>>, vector<1024x128xf32>
    %get3A_13 = arith.constant 0 : index
    %get3A_14 = arith.constant 0 : index
    %get3A_15 = vector.load %arg4[%get3A_13, %get3A_14] : memref<128x128xf32, #tpu.memory_space<vmem>>, vector<128x128xf32>
    %dot_general3A = arith.constant dense<0.000000e+00> : vector<1024x128xf32>
    %dot_general3A_16 = tpu.matmul %get3A_12, %get3A_15, %dot_general3A {dimension_numbers = #tpu.dot_dimension_numbers<[1], [0], [0], [1], [0, 0, 1, 1], [], []>, transpose_lhs_hint = false} : vector<1024x128xf32>, vector<128x128xf32>, vector<1024x128xf32> -> vector<1024x128xf32>
    %get3A_17 = arith.constant 0 : index
    %get3A_18 = arith.constant 0 : index
    %get3A_19 = vector.load %arg5[%get3A_17, %get3A_18] : memref<128x128xf32, #tpu.memory_space<vmem>>, vector<128x128xf32>
    %dot_general3A_20 = arith.constant dense<0.000000e+00> : vector<1024x128xf32>
    %dot_general3A_21 = tpu.matmul %mul3A_9, %get3A_19, %dot_general3A_20 {dimension_numbers = #tpu.dot_dimension_numbers<[1], [0], [0], [1], [0, 0, 1, 1], [], []>, transpose_lhs_hint = false} : vector<1024x128xf32>, vector<128x128xf32>, vector<1024x128xf32> -> vector<1024x128xf32>
    %add3A = arith.addf %dot_general3A_16, %dot_general3A_21 : vector<1024x128xf32>
    %get3A_22 = arith.constant 0 : index
    %get3A_23 = arith.constant 0 : index
    %get3A_24 = vector.load %arg6[%get3A_22, %get3A_23] : memref<1x128xf32, #tpu.memory_space<vmem>>, vector<1x128xf32>
    %add3A_25 = vector.broadcast %get3A_24 : vector<1x128xf32> to vector<1024x128xf32>
    %add3A_26 = arith.addf %add3A, %add3A_25 : vector<1024x128xf32>
    %max3A_27 = arith.constant 0.000000e+00 : f32
    %max3A_28 = vector.broadcast %max3A_27 : f32 to vector<1024x128xf32>
    %max3A_29 = arith.maximumf %add3A_26, %max3A_28 : vector<1024x128xf32>
    %swap3A = arith.constant 0 : index
    %swap3A_30 = arith.constant 0 : index
    %swap3A_31 = vector.load %arg7[%swap3A, %swap3A_30] : memref<1024x128xf32, #tpu.memory_space<vmem>>, vector<1024x128xf32>
    tpu.vector_store %arg7[%swap3A, %swap3A_30], %max3A_29 {strides = array<i32>} : memref<1024x128xf32, #tpu.memory_space<vmem>>, vector<1024x128xf32>,
    return
  }
  func.func @transform_0(%arg0: i32) -> (i32, i32) {
    %c0_i32 = arith.constant 0 : i32
    %c0_i32_0 = arith.constant 0 : i32
    return %arg0, %c0_i32 : i32, i32
  }
  func.func @transform_1(%arg0: i32) -> (i32, i32) {
    %c0_i32 = arith.constant 0 : i32
    %c0_i32_0 = arith.constant 0 : i32
    return %arg0, %c0_i32 : i32, i32
  }
  func.func @transform_2(%arg0: i32) -> (i32, i32) {
    %c0_i32 = arith.constant 0 : i32
    %c0_i32_0 = arith.constant 0 : i32
    return %arg0, %c0_i32 : i32, i32
  }
  func.func @transform_3(%arg0: i32) -> (i32, i32) {
    %c0_i32 = arith.constant 0 : i32
    %c0_i32_0 = arith.constant 0 : i32
    %c0_i32_1 = arith.constant 0 : i32
    return %c0_i32, %c0_i32_0 : i32, i32
  }
  func.func @transform_4(%arg0: i32) -> (i32, i32) {
    %c0_i32 = arith.constant 0 : i32
    %c0_i32_0 = arith.constant 0 : i32
    %c0_i32_1 = arith.constant 0 : i32
    return %c0_i32, %c0_i32_0 : i32, i32
  }
  func.func @transform_5(%arg0: i32) -> (i32, i32) {
    %c0_i32 = arith.constant 0 : i32
    %c0_i32_0 = arith.constant 0 : i32
    %c0_i32_1 = arith.constant 0 : i32
    return %c0_i32, %c0_i32_0 : i32, i32
  }
  func.func @transform_6(%arg0: i32) -> (i32, i32) {
    %c0_i32 = arith.constant 0 : i32
    %c0_i32_0 = arith.constant 0 : i32
    return %arg0, %c0_i32 : i32, i32
  }
}

module attributes {stable_mosaic.version = 14 : i64} {
  func.func @_tc_layer_body(%arg0: i32, %arg1: memref<1024x128xf32, #tpu.memory_space<vmem>>, %arg2: memref<1024x128xf32, #tpu.memory_space<vmem>>, %arg3: memref<1024x8xf32, #tpu.memory_space<vmem>>, %arg4: memref<128x128xf32, #tpu.memory_space<vmem>>, %arg5: memref<128x128xf32, #tpu.memory_space<vmem>>, %arg6: memref<1x128xf32, #tpu.memory_space<vmem>>, %arg7: memref<1024x128xf32, #tpu.memory_space<vmem>>) attributes {dimension_semantics = [#tpu.dimension_semantics<arbitrary>], iteration_bounds = array<i64: 10>, scalar_prefetch = 0 : i64, scratch_operands = 0 : i64, tpu.core_type = #tpu.core_type<tc>, window_params = [{transform_indices = @transform_0, window_bounds = array<i64: 1024, 128>}, {transform_indices = @transform_1, window_bounds = array<i64: 1024, 128>}, {transform_indices = @transform_2, window_bounds = array<i64: 1024, 8>}, {pipeline_mode = #tpu.pipeline_mode<synchronous>, transform_indices = @transform_3, window_bounds = array<i64: 128, 128>}, {pipeline_mode = #tpu.pipeline_mode<synchronous>, transform_indices = @transform_4, window_bounds = array<i64: 128, 128>}, {pipeline_mode = #tpu.pipeline_mode<synchronous>, transform_indices = @transform_5, window_bounds = array<i64: 1, 128>}, {transform_indices = @transform_6, window_bounds = array<i64: 1024, 128>}]} {
    %get3A = arith.constant 0 : index
    %get3A_0 = arith.constant 0 : index
    %get3A_1 = vector.load %arg3[%get3A, %get3A_0] : memref<1024x8xf32, #tpu.memory_space<vmem>>, vector<1024x1xf32>
    %max3A = arith.constant 1.000000e+00 : f32
    %max3A_2 = vector.broadcast %max3A : f32 to vector<1024x1xf32>
    %max3A_3 = arith.maximumf %get3A_1, %max3A_2 : vector<1024x1xf32>
    %div3A = arith.constant 1.000000e+00 : f32
    %div3A_4 = vector.broadcast %div3A : f32 to vector<1024x1xf32>
    %div3A_5 = arith.divf %div3A_4, %max3A_3 : vector<1024x1xf32>
    %get3A_6 = arith.constant 0 : index
    %get3A_7 = arith.constant 0 : index
    %get3A_8 = vector.load %arg2[%get3A_6, %get3A_7] : memref<1024x128xf32, #tpu.memory_space<vmem>>, vector<1024x128xf32>
    %mul3A = vector.broadcast %div3A_5 : vector<1024x1xf32> to vector<1024x128xf32>
    %mul3A_9 = arith.mulf %get3A_8, %mul3A : vector<1024x128xf32>
    %get3A_10 = arith.constant 0 : index
    %get3A_11 = arith.constant 0 : index
    %get3A_12 = vector.load %arg1[%get3A_10, %get3A_11] : memref<1024x128xf32, #tpu.memory_space<vmem>>, vector<1024x128xf32>
    %get3A_13 = arith.constant 0 : index
    %get3A_14 = arith.constant 0 : index
    %get3A_15 = vector.load %arg4[%get3A_13, %get3A_14] : memref<128x128xf32, #tpu.memory_space<vmem>>, vector<128x128xf32>
    %dot_general3A = arith.constant dense<0.000000e+00> : vector<1024x128xf32>
    %dot_general3A_16 = tpu.matmul %get3A_12, %get3A_15, %dot_general3A {dimension_numbers = #tpu.dot_dimension_numbers<[1], [0], [0], [1], [0, 0, 1, 1], [], []>, transpose_lhs_hint = false} : vector<1024x128xf32>, vector<128x128xf32>, vector<1024x128xf32> -> vector<1024x128xf32>
    %get3A_17 = arith.constant 0 : index
    %get3A_18 = arith.constant 0 : index
    %get3A_19 = vector.load %arg5[%get3A_17, %get3A_18] : memref<128x128xf32, #tpu.memory_space<vmem>>, vector<128x128xf32>
    %dot_general3A_20 = arith.constant dense<0.000000e+00> : vector<1024x128xf32>
    %dot_general3A_21 = tpu.matmul %mul3A_9, %get3A_19, %dot_general3A_20 {dimension_numbers = #tpu.dot_dimension_numbers<[1], [0], [0], [1], [0, 0, 1, 1], [], []>, transpose_lhs_hint = false} : vector<1024x128xf32>, vector<128x128xf32>, vector<1024x128xf32> -> vector<1024x128xf32>
    %add3A = arith.addf %dot_general3A_16, %dot_general3A_21 : vector<1024x128xf32>
    %get3A_22 = arith.constant 0 : index
    %get3A_23 = arith.constant 0 : index
    %get3A_24 = vector.load %arg6[%get3A_22, %get3A_23] : memref<1x128xf32, #tpu.memory_space<vmem>>, vector<1x128xf32>
    %add3A_25 = vector.broadcast %get3A_24 : vector<1x128xf32> to vector<1024x128xf32>
    %add3A_26 = arith.addf %add3A, %add3A_25 : vector<1024x128xf32>
    %swap3A = arith.constant 0 : index
    %swap3A_27 = arith.constant 0 : index
    %swap3A_28 = vector.load %arg7[%swap3A, %swap3A_27] : memref<1024x128xf32, #tpu.memory_space<vmem>>, vector<1024x128xf32>
    tpu.vector_store %arg7[%swap3A, %swap3A_27], %add3A_26 {strides = array<i32>} : memref<1024x128xf32, #tpu.memory_space<vmem>>, vector<1024x128xf32>,
    return
  }
  func.func @transform_0(%arg0: i32) -> (i32, i32) {
    %c0_i32 = arith.constant 0 : i32
    %c0_i32_0 = arith.constant 0 : i32
    return %arg0, %c0_i32 : i32, i32
  }
  func.func @transform_1(%arg0: i32) -> (i32, i32) {
    %c0_i32 = arith.constant 0 : i32
    %c0_i32_0 = arith.constant 0 : i32
    return %arg0, %c0_i32 : i32, i32
  }
  func.func @transform_2(%arg0: i32) -> (i32, i32) {
    %c0_i32 = arith.constant 0 : i32
    %c0_i32_0 = arith.constant 0 : i32
    return %arg0, %c0_i32 : i32, i32
  }
  func.func @transform_3(%arg0: i32) -> (i32, i32) {
    %c0_i32 = arith.constant 0 : i32
    %c0_i32_0 = arith.constant 0 : i32
    %c0_i32_1 = arith.constant 0 : i32
    return %c0_i32, %c0_i32_0 : i32, i32
  }
  func.func @transform_4(%arg0: i32) -> (i32, i32) {
    %c0_i32 = arith.constant 0 : i32
    %c0_i32_0 = arith.constant 0 : i32
    %c0_i32_1 = arith.constant 0 : i32
    return %c0_i32, %c0_i32_0 : i32, i32
  }
  func.func @transform_5(%arg0: i32) -> (i32, i32) {
    %c0_i32 = arith.constant 0 : i32
    %c0_i32_0 = arith.constant 0 : i32
    %c0_i32_1 = arith.constant 0 : i32
    return %c0_i32, %c0_i32_0 : i32, i32
  }
  func.func @transform_6(%arg0: i32) -> (i32, i32) {
    %c0_i32 = arith.constant 0 : i32
    %c0_i32_0 = arith.constant 0 : i32
    return %arg0, %c0_i32 : i32, i32
  }
}

</mosaic_0001>

<sc_bundles>
// kernel: kernel.11.cloned.1.call-start
scs
__scs_entry_jumppad:
0x0: {  	(pc) =	sbr.rel $0x88, $3  }
0x1: {  	(tag) =	ssettag $0x0;
	lr =	simm.s32 $0x1  }
0x2: {  	[smem:$0x3F96] =	sst lr;
	_ =	strace $0xD0000000  }
0x3: {  	_ = 	snop  }
0x4: {  	_ = 	snop  }
0x5: {  	_ = 	snop  }
0x6: {  	_ = 	snop  }
0x7: {  	_ = 	snop  }
__scs_overlays_trampoline_lowered:
0x8: {  	[smem:$0x3FA5] =	sst s0  }
0x9: {  	[smem:$0x3FA6] =	sst s1  }
0xa: {  	[smem:$0x3FA7] =	sst s2  }
0xb: {  	[smem:$0x3FA8] =	sst s3  }
0xc: {  	[smem:$0x3FA9] =	sst s4  }
0xd: {  	[smem:$0x3FAA] =	sst s5  }
0xe: {  	[smem:$0x3FAB] =	sst s6  }
0xf: {  	[smem:$0x3FAC] =	sst s7  }
0x10: {  	[smem:$0x3FAD] =	sst s8  }
0x11: {  	[smem:$0x3FAE] =	sst s9;
	s0 =	simm.s32 @!p0 $0x0  }
0x12: {  	s1 =	sld [smem:$0x3F94];
	s0 =	simm.s32 @p0 $0x1  }
0x13: {  	[smem:$0x3FAF] =	sst s0;
	s0 =	simm.s32 @!p1 $0x0  }
0x14: {  	s2 =	sld [smem:$0x3F93];
	s0 =	simm.s32 @p1 $0x1  }
0x15: {  	[smem:$0x3FB0] =	sst s0;
	s0 =	simm.s32 @!p2 $0x0  }
0x16: {  	s3 =	sld [smem:$0x3FDB];
	s0 =	simm.s32 @p2 $0x1  }
0x17: {  	s4 =	simm.s32 $0x1BF5;
	[smem:$0x3FB2] =	sst s0  }
0x18: {  	s0 =	sld [smem:$0x3F95];
	_ =	swait.ge [sflag:s4], $0x0  }
0x19: {  	s7 =	sld [smem:$0x3F96]  }
0x1a: {  	s8 =	sadd.s32 $0xFFFFE003, lr  }
0x1b: {  	s9 =	sadd.s32 $0xFFFFFEF7, lr;
	s5 =	simm.s32 $0xFFFFFFFF;
	p2 =	slt.u32 s8, $0xFFFFF086  }
0x1c: {  	p1 =	slt.u32 s9, $0xF7A;
	s5 =	simm.s32 @!p2 $0x0  }
0x1d: {  	s5 =	simm.s32 @p1 $0x1;
	p0 =	seq.s32 s7, s2  }
0x1e: {  	s7 =	smul.u32 @!p0 $0xF7A, s2;
	p2 =	seq.s32 @!p0 s5, $0x0  }
0x1f: {  	s9 =	smul.u32 $0xF7A, s1;
	s8 =	simm.s32 @!p0 $0x1BF5;
	p2 =	por !p2, p0  }
0x20: {  	[sflag:s8] =	ssyncset.s32 @!p0 $0xFFFFF086;
	s6 =	sadd.s32 @!p0 s3, s7;
	s7 =	simm.s32 @!p0 $0x108  }
0x21: {  	s3 =	sadd.s32 s3, s9;
	s6 =	sadd.s32 @!p0 $0x88, s6;
	s7 =	simm.s32 @p2 $0x1082  }
0x22: {  	[simem:s7], [sflag:s8] =	dma.local @!p0 [hbm:s6], $0xF7A  }
0x23: {  	s9 =	sor.u32 $0xD0000000, s2;
	s6 =	simm.s32 $0x108;
	_ =	swait.ge @!p0 [sflag:s8], $0x0  }
0x24: {  	s3 =	sadd.s32 $0x88, s3;
	s6 =	simm.s32 @!p1 $0x1082;
	[sflag:s4] =	ssyncset.s32 $0xFFFFF086  }
0x25: {  	[simem:s6], [sflag:s4] =	dma.local [hbm:s3], $0xF7A  }
0x26: {  	[smem:$0x3F96] =	sst s1;
	(tag) =	ssettag s2;
	_ =	strace s9  }
0x27: {  	s1 =	sld [smem:$0x3FA6]  }
0x28: {  	s2 =	sld [smem:$0x3FA7]  }
0x29: {  	s4 =	sld [smem:$0x3FA9]  }
0x2a: {  	p0 =	seq.s32 s5, $0x0;
	s5 =	sld [smem:$0x3FAA]  }
0x2b: {  	s6 =	sld [smem:$0x3FAB]  }
0x2c: {  	s7 =	sld [smem:$0x3FAC]  }
0x2d: {  	s3 =	simm.s32 $0x108;
	s8 =	sld [smem:$0x3FAD]  }
0x2e: {  	s3 =	simm.s32 @!p0 $0x1082;
	s9 =	sld [smem:$0x3FAE]  }
0x2f: {  	lr =	sadd.s32 s0, s3;
	s0 =	sld [smem:$0x3FA5]  }
0x30: {  	s3 =	sld [smem:$0x3FA8]  }
0x31: {  	[smem:$0x3FB1] =	sst s10  }
0x32: {  	s10 =	sld [smem:$0x3FAF];
	_ =	sdelay $0x3  }
0x33: {  	p0 =	seq.s32 s10, $0x1;
	s10 =	sld [smem:$0x3FB1];
	_ =	sdelay $0x3  }
0x34: {  	[smem:$0x3FB1] =	sst s10  }
0x35: {  	s10 =	sld [smem:$0x3FB0];
	_ =	sdelay $0x3  }
0x36: {  	p1 =	seq.s32 s10, $0x1;
	s10 =	sld [smem:$0x3FB1];
	_ =	sdelay $0x3  }
0x37: {  	[smem:$0x3FB1] =	sst s10  }
0x38: {  	s10 =	sld [smem:$0x3FB2]  }
0x39: {  	_ = 	snop;
	(pc) =	sbr.ind lr, $3  }
0x3a: {  	_ = 	snop  }
0x3b: {  	_ = 	snop  }
0x3c: {  	p2 =	seq.s32 s10, $0x1;
	s10 =	sld [smem:$0x3FB1]  }
0x3d: {  	_ =	shalt  }
0x3e: {  	_ =	shalt  }
0x3f: {  	_ =	shalt  }
0x40: {  	_ =	shalt  }
0x41: {  	_ =	shalt  }
0x42: {  	_ =	shalt  }
0x43: {  	_ =	shalt  }
0x44: {  	_ =	shalt  }
0x45: {  	_ =	shalt  }
0x46: {  	_ =	shalt  }
0x47: {  	_ =	shalt  }
0x48: {  	_ =	shalt  }
0x49: {  	_ =	shalt  }
0x4a: {  	_ =	shalt  }
0x4b: {  	_ =	shalt  }
0x4c: {  	_ =	shalt  }
0x4d: {  	_ =	shalt  }
0x4e: {  	_ =	shalt  }
0x4f: {  	_ =	shalt  }
0x50: {  	_ =	shalt  }
0x51: {  	_ =	shalt  }
0x52: {  	_ =	shalt  }
0x53: {  	_ =	shalt  }
0x54: {  	_ =	shalt  }
0x55: {  	_ =	shalt  }
0x56: {  	_ =	shalt  }
0x57: {  	_ =	shalt  }
0x58: {  	_ =	shalt  }
0x59: {  	_ =	shalt  }
0x5a: {  	_ =	shalt  }
0x5b: {  	_ =	shalt  }
0x5c: {  	_ =	shalt  }
0x5d: {  	_ =	shalt  }
0x5e: {  	_ =	shalt  }
0x5f: {  	_ =	shalt  }
0x60: {  	_ =	shalt  }
0x61: {  	_ =	shalt  }
0x62: {  	_ =	shalt  }
0x63: {  	_ =	shalt  }
0x64: {  	_ =	shalt  }
0x65: {  	_ =	shalt  }
0x66: {  	_ =	shalt  }
0x67: {  	_ =	shalt  }
0x68: {  	_ =	shalt  }
0x69: {  	_ =	shalt  }
0x6a: {  	_ =	shalt  }
0x6b: {  	_ =	shalt  }
0x6c: {  	_ =	shalt  }
0x6d: {  	_ =	shalt  }
0x6e: {  	_ =	shalt  }
0x6f: {  	_ =	shalt  }
0x70: {  	_ =	shalt  }
0x71: {  	_ =	shalt  }
0x72: {  	_ =	shalt  }
0x73: {  	_ =	shalt  }
0x74: {  	_ =	shalt  }
0x75: {  	_ =	shalt  }
0x76: {  	_ =	shalt  }
0x77: {  	_ =	shalt  }
0x78: {  	_ =	shalt  }
0x79: {  	_ =	shalt  }
0x7a: {  	_ =	shalt  }
0x7b: {  	_ =	shalt  }
0x7c: {  	_ =	shalt  }
0x7d: {  	_ =	shalt  }
0x7e: {  	_ =	shalt  }
0x7f: {  	_ =	shalt  }
0x80: {  	_ =	shalt  }
0x81: {  	_ =	shalt  }
0x82: {  	_ =	shalt  }
0x83: {  	_ =	shalt  }
0x84: {  	_ =	shalt  }
0x85: {  	_ =	shalt  }
0x86: {  	_ =	shalt  }
0x87: {  	_ =	shalt  }
.Lfunc_end0:
.L_simem_size_0:
called_computation.1_lowered:
.L_overlay_start_0:
0x88: {  	s2 =	sld [smem:$0x3FD9]  }
0x89: {  	s3 =	sld [smem:$0x3FFE];
	_ =	sdelay $0x1  }
0x8a: {  	s1 =	srdreg.scid  }
0x8b: {  	s0 =	sand.u32 $0x1, s1  }
0x8c: {  	s17 =	sshll.u32 s0, $0xA;
	s2 =	sadd.s32 s3, s2  }
0x8d: {  	s2 =	sadd.s32 s2, s17  }
0x8e: {  	[smem:$0x3FBD] =	sst s2  }
0x8f: {  	_ = 	snop  }
0x90: {  	s2 =	sld [smem:$0x3FD0];
	(tm) =	ssettm $0x1  }
0x91: {  	s18 =	sld [smem:$0x3FFB];
	_ =	sdelay $0x3  }
0x92: {  	_ =	strace s18  }
0x93: {  	s3 =	sld [smem:$0x3FFC];
	_ =	sdelay $0x3  }
0x94: {  	_ =	strace s3  }
0x95: {  	s3 =	sld [smem:$0x3FFD];
	_ =	sdelay $0x3  }
0x96: {  	_ =	strace s3  }
0x97: {  	_ =	strace $0x8FFFFFFF  }
0x98: {  	s19 =	sld [smem:$0x3FDB];
	_ =	sdelay $0x1  }
0x99: {  	s4 =	simm.s32 $_scs_section_size  }
0x9a: {  	s5 =	simm.s32 $_size__tile_overlayer_lowered;
	s6 =	simm.s32 $_tile_overlayer_lowered  }
0x9b: {  	s22 =	simm.s32 $0x1BFF;
	s21 =	sshll.u32 s6, $0x1;
	s3 =	sadd.s32 s4, s19  }
0x9c: {  	s7 =	simm.s32 $0x0;
	s20 =	sshll.u32 s5, $0x1;
	s5 =	sadd.s32 s21, s3  }
0x9d: {  	[timem:s7], [sflag:s22] =	dma.local [hbm:s5], s20  }
0x9e: {  	_ =	swait.ge [sflag:s22], s20  }
0x9f: {  	s4 =	ssub.s32 $0x0, s20;
	[sflag:s22] =	ssyncset.done $0x0  }
0xa0: {  	[sflag:s22] =	ssyncadd.s32 s4;
	_ =	sdelay $0x1  }
0xa1: {  	s23 =	simm.s32 $0x1B8B  }
0xa2: {  	_ =	swait.ge [sflag:s23], $0x1  }
0xa3: {  	[sflag:s23] =	ssyncset.done $0x0  }
0xa4: {  	s25 =	simm.s32 $0x1B8E;
	s24 =	sld [smem:$0x3FFE];
	[sflag:s23] =	ssyncadd.s32 $0xFFFFFFFF  }
0xa5: {  	s26 =	simm.s32 $execute0_lowered;
	[smem:$0x3FD2] =	sst s25  }
0xa6: {  	s5 =	sshll.u32 s26, $0x1;
	_ =	strace $0x80000049;
	[dreg:$0x1] =	wrdreg $0xFFFFFFFF  }
0xa7: {  	s28 =	simm.s32 $_size_execute0_lowered;
	s3 =	sadd.s32 s3, s5;
	[dreg:$0x0] =	wrdreg $0x0  }
0xa8: {  	s5 =	sshll.u32 s28, $0x1;
	[dreg:$0x2] =	wrdreg s3  }
0xa9: {  	[dreg:$0x3] =	wrdreg s5  }
0xaa: {  	[dreg:$0x4] =	wrdreg $0xC0  }
0xab: {  	_ =	task [dreg:s7], $0x5FFFF  }
0xac: {  	[dreg:$0x1] =	wrdreg $0xFFFFFFFF  }
0xad: {  	[dreg:$0x0] =	wrdreg $0x60  }
0xae: {  	[dreg:$0x2] =	wrdreg s24  }
0xaf: {  	[dreg:$0x3] =	wrdreg s2  }
0xb0: {  	[dreg:$0x4] =	wrdreg $0x98000  }
0xb1: {  	[dreg:$0x5] =	wrdreg $0x9  }
0xb2: {  	_ =	task.clear_ibuf [dreg:s7], $0x6FFFF;
	_ =	strace $0x90000049  }
0xb3: {  	s29 =	simm.s32 $0x9;
	_ =	strace $0x8000004B  }
0xb4: {  	_ =	swait.ge [sflag:s29], $0x1  }
0xb5: {  	[sflag:s29] =	ssyncadd.s32 $0xFFFFFFFF  }
0xb6: {  	_ =	strace $0x9000004B  }
0xb7: {  	_ =	sfence  }
0xb8: {  	s30 =	sld [smem:$0x0];
	_ =	sdelay $0x2  }
0xb9: {  	s31 =	sshll.u32 s1, $0xD;
	s1 =	sshrl.u32 s1, $0x2  }
0xba: {  	s3 =	sand.u32 $0x4000, s31;
	s1 =	sadd.s32 s1, s30  }
0xbb: {  	s0 =	sor.u32 s3, s0;
	s1 =	sshll.u32 s1, $0x11  }
0xbc: {  	s0 =	sor.u32 s1, s0  }
0xbd: {  	s0 =	sadd.s32 $0x8F2B, s0  }
0xbe: {  	[sflag:s0] =	ssyncadd.remote.s32 $0x1  }
0xbf: {  	_ =	sfence.sel $0xFFFF  }
0xc0: {  	[dreg:$0x0] =	wrdreg $0xFFFFFFFF;
	(pc) =	sbr.abs _section_cstart, $3  }
0xc1: {  	[dreg:$0x1] =	wrdreg $0xFFFFFFFF  }
0xc2: {  	_ =	task.clear_ibuf [dreg:s7], $0x2FFFF;
	_ =	strace $0x9FFFFFFF  }
0xc3: {  	(tm) =	ssettm $0x7FFFFFFF  }
tec
execute0_lowered:
.L_overlay_start_1:
0x0: {  	(tag) =	ssettag $0x1  }
0x1: {  	s0 =	rddreg [dreg:$0x0];
	s1 =	srdreg.scid  }
0x2: {  	s13 =	stileid.u32;
	s5 =	rddreg [dreg:$0x1]  }
0x3: {  	s2 =	rddreg [dreg:$0x2];
	s4 =	smul.u32 $0x5000, s13  }
0x4: {  	s3 =	simm.s32 $0x0;
	s28 =	simm.s32 $0x180;
	s7 =	smul.u32 $0x3, s13  }
0x5: {  	s29 =	simm.s32 $0x500;
	s30 =	simm.s32 $0x580;
	s9 =	smul.u32 $0xD800, s13  }
0x6: {  	s31 =	simm.s32 $0x200;
	s1 =	sand.u32 $0x1, s1;
	s11 =	smul.u32 $0x36000, s13  }
0x7: {  	[smem:$0x7FF] =	sst s3;
	s8 =	sadd.s32 $0x43000, s0;
	s6 =	smul.u32 $0x50000, s1  }
0x8: {  	_ =	strace $0x8000004A;
	[dreg:$0x6] =	wrdreg s8;
	s25 =	ssub.s32 $0x2, s1  }
0x9: {  	s1 =	smul.u32 $0xD8000, s1;
	s10 =	sshrl.u32 s25, $0x1;
	s7 =	sadd.s32 $0x1, s7  }
0xa: {  	s12 =	sadd.s32 s9, s2;
	s14 =	sshrl.u32 s11, $0x2;
	s17 =	sadd.s32 $0x24000, s11  }
0xb: {  	s24 =	sadd.s32 $0x9000, s9;
	s4 =	sadd.s32 s4, s6;
	s8 =	ssub.s32 s25, s10  }
0xc: {  	s26 =	smul.u32 $0x12000, s7;
	[dreg:$0x7] =	wrdreg s12;
	s15 =	sadd.s32 s14, s2  }
0xd: {  	s18 =	sadd.s32 s1, s9;
	s7 =	smul.u32 $0x4800, s7;
	s19 =	sshrl.u32 s17, $0x2  }
0xe: {  	s25 =	smul.u32 $0xA00, s13;
	s17 =	simm.s32 $0x5;
	s9 =	simm.s32 $0x780  }
0xf: {  	s10 =	simm.s32 $0x0;
	s6 =	sshrl.u32 s4, $0x3;
	s4 =	sadd.s32 $0x2000, s0  }
0x10: {  	s8 =	smax.u32 s8, $0x1;
	[dreg:$0x9] =	wrdreg s15;
	s20 =	sshrl.u32 s18, $0x3  }
0x11: {  	s18 =	simm.s32 $0x400;
	s6 =	sadd.s32 s6, s0;
	s0 =	sadd.s32 $0x43A00, s0  }
0x12: {  	[dreg:$0x8] =	wrdreg s8;
	s16 =	sshrl.u32 s26, $0x2;
	s22 =	sadd.s32 s1, s7  }
0x13: {  	s7 =	sadd.s32 s7, s2;
	s1 =	sadd.s32 s1, s24;
	s26 =	sadd.s32 s25, s5  }
0x14: {  	s25 =	simm.s32 $0x4;
	s5 =	simm.s32 $0x680;
	s8 =	sadd.s32 s16, s2  }
0x15: {  	s21 =	sadd.s32 s0, s20;
	[dreg:$0xd] =	wrdreg s7;
	s23 =	sshrl.u32 s22, $0x3  }
0x16: {  	s1 =	sshrl.u32 s1, $0x3;
	s6 =	sadd.s32 $0x2F000, s6;
	[dreg:$0x5] =	wrdreg s26  }
0x17: {  	s16 =	simm.s32 $0x800;
	s20 =	simm.s32 $0x5000;
	s22 =	simm.s32 $0x2  }
0x18: {  	s26 =	simm.s32 $0x100;
	[dreg:$0xa] =	wrdreg s8;
	s8 =	sadd.s32 s19, s2  }
0x19: {  	[dreg:$0xc] =	wrdreg s21;
	s7 =	sadd.s32 s0, s23;
	s0 =	sadd.s32 s0, s1  }
0x1a: {  	[dreg:$0x4] =	wrdreg s6;
	s19 =	simm.s32 $0x80;
	s21 =	simm.s32 $0x1  }
0x1b: {  	s23 =	simm.s32 $0x480;
	s1 =	simm.s32 $0x280;
	[dreg:$0xb] =	wrdreg s8  }
0x1c: {  	s6 =	simm.s32 $0x300;
	[dreg:$0xe] =	wrdreg s7;
	s8 =	sadd.s32 s24, s2  }
0x1d: {  	[dreg:$0x10] =	wrdreg s0;
	s24 =	simm.s32 $0x3;
	s0 =	simm.s32 $0x600  }
0x1e: {  	s7 =	simm.s32 $0x380;
	[dreg:$0xf] =	wrdreg s8;
	s8 =	simm.s32 $0x700  }
.LBB2_1:
0x1f: {  	s11 =	rddreg [dreg:$0x6]  }
0x20: {  	[tilespmem:s16], [sflag:$0x5] =	stream.linear.gather [hbm4b:s11+s3], $0x4800, $0x38;
	[tilespmem:$0x17000] =	vst v63  }
0x21: {  	_ =	swait.ge [sflag:s17], $0x4800  }
0x22: {  	[sflag:s17] =	ssyncset.done $0x0  }
0x23: {  	s15 =	rddreg [dreg:$0x9];
	[sflag:s17] =	ssyncadd.s32 $0xFFFFB800  }
0x24: {  	[spmem:s15] =	stream.linear.scatter [tilespmem:s16], [sflag:$0x5], $0x4800, $0x38;
	[tilespmem:$0x17000] =	vst v63  }
0x25: {  	_ =	swait.ge [sflag:s17], $0x4800  }
0x26: {  	[sflag:s17] =	ssyncset.done $0x0  }
0x27: {  	s12 =	rddreg [dreg:$0xa];
	[sflag:s17] =	ssyncadd.s32 $0xFFFFB800  }
0x28: {  	[spmem:s12] =	stream.linear.scatter [tilespmem:s16], [sflag:$0x5], $0x4800, $0x38;
	[tilespmem:$0x17000] =	vst v63  }
0x29: {  	_ =	swait.ge [sflag:s17], $0x4800  }
0x2a: {  	[sflag:s17] =	ssyncset.done $0x0  }
0x2b: {  	s13 =	rddreg [dreg:$0xb];
	[sflag:s17] =	ssyncadd.s32 $0xFFFFB800  }
0x2c: {  	[spmem:s13] =	stream.linear.scatter [tilespmem:s16], [sflag:$0x5], $0x4800, $0x38;
	[tilespmem:$0x17000] =	vst v63  }
0x2d: {  	_ =	swait.ge [sflag:s17], $0x4800  }
0x2e: {  	[sflag:s17] =	ssyncset.done $0x0  }
0x2f: {  	p0 =	por $0x1, $0x1;
	[sflag:s17] =	ssyncadd.s32 $0xFFFFB800  }
0x30: {  	s11 =	simm.s32 @!p0 $0x3;
	[bflag:$0x0] =	sbarrier.arrive $0xFFFF  }
0x31: {  	_ =	swait.ge @!p0 [sflag:s11], $0x4800  }
0x32: {  	[sflag:s11] =	ssyncset.done @!p0 $0x0  }
0x33: {  	[sflag:s11] =	ssyncadd.s32 @!p0 $0xFFFFB800;
	s11 =	simm.s32 @!p0 $0x4  }
0x34: {  	_ =	swait.ge @!p0 [sflag:s11], $0x4800  }
0x35: {  	s12 =	rddreg [dreg:$0x5];
	[sflag:s11] =	ssyncset.done @!p0 $0x0  }
0x36: {  	[sflag:s11] =	ssyncadd.s32 @!p0 $0xFFFFB800;
	s14 =	sadd.s32 $0x0, s12  }
0x37: {  	[tilespmem:s3], [sflag:$0x5] =	stream.linear.gather [hbm4b:s14+s3], $0x400, $0x38;
	[tilespmem:$0x17000] =	vst v63  }
0x38: {  	_ =	swait.ge [sflag:s17], $0x400  }
0x39: {  	s15 =	rddreg [dreg:$0x4];
	[sflag:s17] =	ssyncset.done $0x0  }
0x3a: {  	[sflag:s17] =	ssyncadd.s32 $0xFFFFFC00;
	s11 =	sadd.s32 $0x0, s15  }
0x3b: {  	[tilespmem:s18], [sflag:$0x5] =	stream.linear.gather [hbm4b:s11+s3], $0x400, $0x38;
	[tilespmem:$0x17000] =	vst v63  }
0x3c: {  	_ =	swait.ge [sflag:s17], $0x400  }
0x3d: {  	[sflag:s17] =	ssyncset.done $0x0  }
0x3e: {  	[sflag:s17] =	ssyncadd.s32 $0xFFFFFC00  }
0x3f: {  	[tilespmem:s16], [sflag:$0x1] =	stream.indirect.gather [hbm4b:s4+s19], $0x90, s3, s19, $0xb8;
	[tilespmem:$0x17000] =	vst v63  }
0x40: {  	_ = 	snop  }
0x41: {  	[tilespmem:s20], [sflag:$0x2] =	stream.indirect.gather [hbm4b:s4+s19], $0x90, s19, s19, $0xb8;
	[tilespmem:$0x17000] =	vst v63  }
0x42: {  	_ =	swait.ge [sflag:s21], $0x4800  }
0x43: {  	[sflag:s21] =	ssyncset.done $0x0  }
0x44: {  	[sflag:s21] =	ssyncadd.s32 $0xFFFFB800  }
0x45: {  	[spmem:s2] =	stream.indirect.scatter.add.f32 [tilespmem:s16], [sflag:$0x3], $0x90, s18, s19, $0xb8;
	[tilespmem:$0x17000] =	vst v63  }
0x46: {  	_ =	swait.ge [sflag:s22], $0x4800  }
0x47: {  	[sflag:s22] =	ssyncset.done $0x0  }
0x48: {  	[sflag:s22] =	ssyncadd.s32 $0xFFFFB800  }
0x49: {  	[spmem:s2] =	stream.indirect.scatter.add.f32 [tilespmem:s20], [sflag:$0x4], $0x90, s23, s19, $0xb8;
	[tilespmem:$0x17000] =	vst v63  }
0x4a: {  	_ =	swait.ge [sflag:s24], $0x4800  }
0x4b: {  	[sflag:s24] =	ssyncset.done $0x0  }
0x4c: {  	[sflag:s24] =	ssyncadd.s32 $0xFFFFB800  }
0x4d: {  	_ =	swait.ge [sflag:s25], $0x4800  }
0x4e: {  	[sflag:s25] =	ssyncset.done $0x0  }
0x4f: {  	[sflag:s25] =	ssyncadd.s32 $0xFFFFB800  }
0x50: {  	[tilespmem:s16], [sflag:$0x1] =	stream.indirect.gather [hbm4b:s4+s19], $0x90, s26, s19, $0xb8;
	[tilespmem:$0x17000] =	vst v63  }
0x51: {  	_ = 	snop  }
0x52: {  	[tilespmem:s20], [sflag:$0x2] =	stream.indirect.gather [hbm4b:s4+s19], $0x90, s28, s19, $0xb8;
	[tilespmem:$0x17000] =	vst v63  }
0x53: {  	_ =	swait.ge [sflag:s21], $0x4800  }
0x54: {  	[sflag:s21] =	ssyncset.done $0x0  }
0x55: {  	[sflag:s21] =	ssyncadd.s32 $0xFFFFB800  }
0x56: {  	[spmem:s2] =	stream.indirect.scatter.add.f32 [tilespmem:s16], [sflag:$0x3], $0x90, s29, s19, $0xb8;
	[tilespmem:$0x17000] =	vst v63  }
0x57: {  	_ =	swait.ge [sflag:s22], $0x4800  }
0x58: {  	[sflag:s22] =	ssyncset.done $0x0  }
0x59: {  	[sflag:s22] =	ssyncadd.s32 $0xFFFFB800  }
0x5a: {  	[spmem:s2] =	stream.indirect.scatter.add.f32 [tilespmem:s20], [sflag:$0x4], $0x90, s30, s19, $0xb8;
	[tilespmem:$0x17000] =	vst v63  }
0x5b: {  	_ =	swait.ge [sflag:s24], $0x4800  }
0x5c: {  	[sflag:s24] =	ssyncset.done $0x0  }
0x5d: {  	[sflag:s24] =	ssyncadd.s32 $0xFFFFB800  }
0x5e: {  	_ =	swait.ge [sflag:s25], $0x4800  }
0x5f: {  	[sflag:s25] =	ssyncset.done $0x0  }
0x60: {  	[sflag:s25] =	ssyncadd.s32 $0xFFFFB800  }
0x61: {  	[tilespmem:s16], [sflag:$0x1] =	stream.indirect.gather [hbm4b:s4+s19], $0x90, s31, s19, $0xb8;
	[tilespmem:$0x17000] =	vst v63  }
0x62: {  	_ = 	snop  }
0x63: {  	[tilespmem:s20], [sflag:$0x2] =	stream.indirect.gather [hbm4b:s4+s19], $0x90, s1, s19, $0xb8;
	[tilespmem:$0x17000] =	vst v63  }
0x64: {  	_ =	swait.ge [sflag:s21], $0x4800  }
0x65: {  	[sflag:s21] =	ssyncset.done $0x0  }
0x66: {  	[sflag:s21] =	ssyncadd.s32 $0xFFFFB800  }
0x67: {  	[spmem:s2] =	stream.indirect.scatter.add.f32 [tilespmem:s16], [sflag:$0x3], $0x90, s0, s19, $0xb8;
	[tilespmem:$0x17000] =	vst v63  }
0x68: {  	_ =	swait.ge [sflag:s22], $0x4800  }
0x69: {  	[sflag:s22] =	ssyncset.done $0x0  }
0x6a: {  	[sflag:s22] =	ssyncadd.s32 $0xFFFFB800  }
0x6b: {  	[spmem:s2] =	stream.indirect.scatter.add.f32 [tilespmem:s20], [sflag:$0x4], $0x90, s5, s19, $0xb8;
	[tilespmem:$0x17000] =	vst v63  }
0x6c: {  	_ =	swait.ge [sflag:s24], $0x4800  }
0x6d: {  	[sflag:s24] =	ssyncset.done $0x0  }
0x6e: {  	[sflag:s24] =	ssyncadd.s32 $0xFFFFB800  }
0x6f: {  	_ =	swait.ge [sflag:s25], $0x4800  }
0x70: {  	[sflag:s25] =	ssyncset.done $0x0  }
0x71: {  	[sflag:s25] =	ssyncadd.s32 $0xFFFFB800  }
0x72: {  	[tilespmem:s16], [sflag:$0x1] =	stream.indirect.gather [hbm4b:s4+s19], $0x90, s6, s19, $0xb8;
	[tilespmem:$0x17000] =	vst v63  }
0x73: {  	_ = 	snop  }
0x74: {  	[tilespmem:s20], [sflag:$0x2] =	stream.indirect.gather [hbm4b:s4+s19], $0x90, s7, s19, $0xb8;
	[tilespmem:$0x17000] =	vst v63  }
0x75: {  	_ =	swait.ge [sflag:s21], $0x4800  }
0x76: {  	[sflag:s21] =	ssyncset.done $0x0  }
0x77: {  	[sflag:s21] =	ssyncadd.s32 $0xFFFFB800  }
0x78: {  	[spmem:s2] =	stream.indirect.scatter.add.f32 [tilespmem:s16], [sflag:$0x3], $0x90, s8, s19, $0xb8;
	[tilespmem:$0x17000] =	vst v63  }
0x79: {  	p1 =	por $0x0, $0x0;
	_ =	swait.ge [sflag:s22], $0x4800  }
0x7a: {  	s12 =	simm.s32 $0x100;
	s11 =	simm.s32 $0x80;
	[sflag:s22] =	ssyncset.done $0x0  }
.LBB2_2:
0x7b: {  	s13 =	simm.s32 @!p1 $0x3;
	[sflag:s22] =	ssyncadd.s32 $0xFFFFB800  }
0x7c: {  	[spmem:s2] =	stream.indirect.scatter.add.f32 [tilespmem:s20], [sflag:$0x4], $0x90, s9, s19, $0xb8;
	[tilespmem:$0x17000] =	vst v63  }
0x7d: {  	_ =	swait.ge @!p1 [sflag:s13], $0x4800  }
0x7e: {  	[sflag:s13] =	ssyncset.done @!p1 $0x0  }
0x7f: {  	[sflag:s13] =	ssyncadd.s32 @!p1 $0xFFFFB800;
	s13 =	simm.s32 @!p1 $0x4  }
0x80: {  	_ =	swait.ge @!p1 [sflag:s13], $0x4800  }
0x81: {  	[sflag:s13] =	ssyncset.done @!p1 $0x0;
	s15 =	rddreg [dreg:$0x5]  }
0x82: {  	[sflag:s13] =	ssyncadd.s32 @!p1 $0xFFFFB800;
	s15 =	sadd.s32 s11, s15  }
0x83: {  	[tilespmem:s3], [sflag:$0x5] =	stream.linear.gather [hbm4b:s15+s3], $0x400, $0x38;
	[tilespmem:$0x17000] =	vst v63  }
0x84: {  	_ =	swait.ge [sflag:s17], $0x400  }
0x85: {  	s15 =	rddreg [dreg:$0x4];
	[sflag:s17] =	ssyncset.done $0x0  }
0x86: {  	[sflag:s17] =	ssyncadd.s32 $0xFFFFFC00;
	s13 =	sadd.s32 s11, s15  }
0x87: {  	[tilespmem:s18], [sflag:$0x5] =	stream.linear.gather [hbm4b:s13+s3], $0x400, $0x38;
	[tilespmem:$0x17000] =	vst v63  }
0x88: {  	_ =	swait.ge [sflag:s17], $0x400  }
0x89: {  	[sflag:s17] =	ssyncset.done $0x0  }
0x8a: {  	[sflag:s17] =	ssyncadd.s32 $0xFFFFFC00  }
0x8b: {  	[tilespmem:s16], [sflag:$0x1] =	stream.indirect.gather [hbm4b:s4+s19], $0x90, s3, s19, $0xb8;
	[tilespmem:$0x17000] =	vst v63  }
0x8c: {  	_ = 	snop  }
0x8d: {  	[tilespmem:s20], [sflag:$0x2] =	stream.indirect.gather [hbm4b:s4+s19], $0x90, s19, s19, $0xb8;
	[tilespmem:$0x17000] =	vst v63  }
0x8e: {  	_ =	swait.ge [sflag:s21], $0x4800  }
0x8f: {  	[sflag:s21] =	ssyncset.done $0x0  }
0x90: {  	[sflag:s21] =	ssyncadd.s32 $0xFFFFB800  }
0x91: {  	[spmem:s2] =	stream.indirect.scatter.add.f32 [tilespmem:s16], [sflag:$0x3], $0x90, s18, s19, $0xb8;
	[tilespmem:$0x17000] =	vst v63  }
0x92: {  	_ =	swait.ge [sflag:s22], $0x4800  }
0x93: {  	[sflag:s22] =	ssyncset.done $0x0  }
0x94: {  	[sflag:s22] =	ssyncadd.s32 $0xFFFFB800  }
0x95: {  	[spmem:s2] =	stream.indirect.scatter.add.f32 [tilespmem:s20], [sflag:$0x4], $0x90, s23, s19, $0xb8;
	[tilespmem:$0x17000] =	vst v63  }
0x96: {  	_ =	swait.ge [sflag:s24], $0x4800  }
0x97: {  	[sflag:s24] =	ssyncset.done $0x0  }
0x98: {  	[sflag:s24] =	ssyncadd.s32 $0xFFFFB800  }
0x99: {  	_ =	swait.ge [sflag:s25], $0x4800  }
0x9a: {  	[sflag:s25] =	ssyncset.done $0x0  }
0x9b: {  	[sflag:s25] =	ssyncadd.s32 $0xFFFFB800  }
0x9c: {  	[tilespmem:s16], [sflag:$0x1] =	stream.indirect.gather [hbm4b:s4+s19], $0x90, s26, s19, $0xb8;
	[tilespmem:$0x17000] =	vst v63  }
0x9d: {  	_ = 	snop  }
0x9e: {  	[tilespmem:s20], [sflag:$0x2] =	stream.indirect.gather [hbm4b:s4+s19], $0x90, s28, s19, $0xb8;
	[tilespmem:$0x17000] =	vst v63  }
0x9f: {  	_ =	swait.ge [sflag:s21], $0x4800  }
0xa0: {  	[sflag:s21] =	ssyncset.done $0x0  }
0xa1: {  	[sflag:s21] =	ssyncadd.s32 $0xFFFFB800  }
0xa2: {  	[spmem:s2] =	stream.indirect.scatter.add.f32 [tilespmem:s16], [sflag:$0x3], $0x90, s29, s19, $0xb8;
	[tilespmem:$0x17000] =	vst v63  }
0xa3: {  	_ =	swait.ge [sflag:s22], $0x4800  }
0xa4: {  	[sflag:s22] =	ssyncset.done $0x0  }
0xa5: {  	[sflag:s22] =	ssyncadd.s32 $0xFFFFB800  }
0xa6: {  	[spmem:s2] =	stream.indirect.scatter.add.f32 [tilespmem:s20], [sflag:$0x4], $0x90, s30, s19, $0xb8;
	[tilespmem:$0x17000] =	vst v63  }
0xa7: {  	_ =	swait.ge [sflag:s24], $0x4800  }
0xa8: {  	[sflag:s24] =	ssyncset.done $0x0  }
0xa9: {  	[sflag:s24] =	ssyncadd.s32 $0xFFFFB800  }
0xaa: {  	_ =	swait.ge [sflag:s25], $0x4800  }
0xab: {  	[sflag:s25] =	ssyncset.done $0x0  }
0xac: {  	[sflag:s25] =	ssyncadd.s32 $0xFFFFB800  }
0xad: {  	[tilespmem:s16], [sflag:$0x1] =	stream.indirect.gather [hbm4b:s4+s19], $0x90, s31, s19, $0xb8;
	[tilespmem:$0x17000] =	vst v63  }
0xae: {  	_ = 	snop  }
0xaf: {  	[tilespmem:s20], [sflag:$0x2] =	stream.indirect.gather [hbm4b:s4+s19], $0x90, s1, s19, $0xb8;
	[tilespmem:$0x17000] =	vst v63  }
0xb0: {  	_ =	swait.ge [sflag:s21], $0x4800  }
0xb1: {  	[sflag:s21] =	ssyncset.done $0x0  }
0xb2: {  	[sflag:s21] =	ssyncadd.s32 $0xFFFFB800  }
0xb3: {  	[spmem:s2] =	stream.indirect.scatter.add.f32 [tilespmem:s16], [sflag:$0x3], $0x90, s0, s19, $0xb8;
	[tilespmem:$0x17000] =	vst v63  }
0xb4: {  	_ =	swait.ge [sflag:s22], $0x4800  }
0xb5: {  	[sflag:s22] =	ssyncset.done $0x0  }
0xb6: {  	[sflag:s22] =	ssyncadd.s32 $0xFFFFB800  }
0xb7: {  	[spmem:s2] =	stream.indirect.scatter.add.f32 [tilespmem:s20], [sflag:$0x4], $0x90, s5, s19, $0xb8;
	[tilespmem:$0x17000] =	vst v63  }
0xb8: {  	_ =	swait.ge [sflag:s24], $0x4800  }
0xb9: {  	[sflag:s24] =	ssyncset.done $0x0  }
0xba: {  	[sflag:s24] =	ssyncadd.s32 $0xFFFFB800  }
0xbb: {  	_ =	swait.ge [sflag:s25], $0x4800  }
0xbc: {  	[sflag:s25] =	ssyncset.done $0x0  }
0xbd: {  	[sflag:s25] =	ssyncadd.s32 $0xFFFFB800  }
0xbe: {  	[tilespmem:s16], [sflag:$0x1] =	stream.indirect.gather [hbm4b:s4+s19], $0x90, s6, s19, $0xb8;
	[tilespmem:$0x17000] =	vst v63  }
0xbf: {  	s14 =	smov.u32 s12;
	s12 =	sadd.s32 $0x80, s12  }
0xc0: {  	[tilespmem:s20], [sflag:$0x2] =	stream.indirect.gather [hbm4b:s4+s19], $0x90, s7, s19, $0xb8;
	[tilespmem:$0x17000] =	vst v63  }
0xc1: {  	p0 =	sne.s32 s12, $0xA00;
	_ =	swait.ge [sflag:s21], $0x4800  }
.Ltmp0:
0xc2: {  	[sflag:s21] =	ssyncset.done $0x0;
	(pc) =	sbr.rel @p0 .LBB2_2-.Ltmp0, $4  }
0xc3: {  	[sflag:s21] =	ssyncadd.s32 $0xFFFFB800  }
0xc4: {  	[spmem:s2] =	stream.indirect.scatter.add.f32 [tilespmem:s16], [sflag:$0x3], $0x90, s8, s19, $0xb8;
	[tilespmem:$0x17000] =	vst v63  }
0xc5: {  	s11 =	smov.u32 s14;
	_ =	swait.ge [sflag:s22], $0x4800  }
0xc6: {  	p1 =	seq.s32 s11, $0x0;
	[sflag:s22] =	ssyncset.done $0x0  }
0xc7: {  	s12 =	simm.s32 @!p1 $0x3;
	[sflag:s22] =	ssyncadd.s32 $0xFFFFB800  }
0xc8: {  	[spmem:s2] =	stream.indirect.scatter.add.f32 [tilespmem:s20], [sflag:$0x4], $0x90, s9, s19, $0xb8;
	[tilespmem:$0x17000] =	vst v63  }
0xc9: {  	_ =	swait.ge @!p1 [sflag:s12], $0x4800  }
0xca: {  	[sflag:s12] =	ssyncset.done @!p1 $0x0  }
0xcb: {  	[sflag:s12] =	ssyncadd.s32 @!p1 $0xFFFFB800;
	s12 =	simm.s32 @!p1 $0x4  }
0xcc: {  	_ =	swait.ge @!p1 [sflag:s12], $0x4800  }
0xcd: {  	s13 =	rddreg [dreg:$0x5];
	[sflag:s12] =	ssyncset.done @!p1 $0x0  }
0xce: {  	[sflag:s12] =	ssyncadd.s32 @!p1 $0xFFFFB800;
	s14 =	sadd.s32 s11, s13  }
0xcf: {  	[tilespmem:s3], [sflag:$0x5] =	stream.linear.gather [hbm4b:s14+s3], $0x400, $0x38;
	[tilespmem:$0x17000] =	vst v63  }
0xd0: {  	_ =	swait.ge [sflag:s17], $0x400  }
0xd1: {  	s15 =	rddreg [dreg:$0x4];
	[sflag:s17] =	ssyncset.done $0x0  }
0xd2: {  	s12 =	sadd.s32 s11, s15;
	[sflag:s17] =	ssyncadd.s32 $0xFFFFFC00  }
0xd3: {  	[tilespmem:s18], [sflag:$0x5] =	stream.linear.gather [hbm4b:s12+s3], $0x400, $0x38;
	[tilespmem:$0x17000] =	vst v63  }
0xd4: {  	_ =	swait.ge [sflag:s17], $0x400  }
0xd5: {  	[sflag:s17] =	ssyncset.done $0x0  }
0xd6: {  	[sflag:s17] =	ssyncadd.s32 $0xFFFFFC00  }
0xd7: {  	[tilespmem:s16], [sflag:$0x1] =	stream.indirect.gather [hbm4b:s4+s19], $0x90, s3, s19, $0xb8;
	[tilespmem:$0x17000] =	vst v63  }
0xd8: {  	_ = 	snop  }
0xd9: {  	[tilespmem:s20], [sflag:$0x2] =	stream.indirect.gather [hbm4b:s4+s19], $0x90, s19, s19, $0xb8;
	[tilespmem:$0x17000] =	vst v63  }
0xda: {  	_ =	swait.ge [sflag:s21], $0x4800  }
0xdb: {  	[sflag:s21] =	ssyncset.done $0x0  }
0xdc: {  	[sflag:s21] =	ssyncadd.s32 $0xFFFFB800  }
0xdd: {  	[spmem:s2] =	stream.indirect.scatter.add.f32 [tilespmem:s16], [sflag:$0x3], $0x90, s18, s19, $0xb8;
	[tilespmem:$0x17000] =	vst v63  }
0xde: {  	_ =	swait.ge [sflag:s22], $0x4800  }
0xdf: {  	[sflag:s22] =	ssyncset.done $0x0  }
0xe0: {  	[sflag:s22] =	ssyncadd.s32 $0xFFFFB800  }
0xe1: {  	[spmem:s2] =	stream.indirect.scatter.add.f32 [tilespmem:s20], [sflag:$0x4], $0x90, s23, s19, $0xb8;
	[tilespmem:$0x17000] =	vst v63  }
0xe2: {  	_ =	swait.ge [sflag:s24], $0x4800  }
0xe3: {  	[sflag:s24] =	ssyncset.done $0x0  }
0xe4: {  	[sflag:s24] =	ssyncadd.s32 $0xFFFFB800  }
0xe5: {  	_ =	swait.ge [sflag:s25], $0x4800  }
0xe6: {  	[sflag:s25] =	ssyncset.done $0x0  }
0xe7: {  	[sflag:s25] =	ssyncadd.s32 $0xFFFFB800  }
0xe8: {  	[tilespmem:s16], [sflag:$0x1] =	stream.indirect.gather [hbm4b:s4+s19], $0x90, s26, s19, $0xb8;
	[tilespmem:$0x17000] =	vst v63  }
0xe9: {  	_ = 	snop  }
0xea: {  	[tilespmem:s20], [sflag:$0x2] =	stream.indirect.gather [hbm4b:s4+s19], $0x90, s28, s19, $0xb8;
	[tilespmem:$0x17000] =	vst v63  }
0xeb: {  	_ =	swait.ge [sflag:s21], $0x4800  }
0xec: {  	[sflag:s21] =	ssyncset.done $0x0  }
0xed: {  	[sflag:s21] =	ssyncadd.s32 $0xFFFFB800  }
0xee: {  	[spmem:s2] =	stream.indirect.scatter.add.f32 [tilespmem:s16], [sflag:$0x3], $0x90, s29, s19, $0xb8;
	[tilespmem:$0x17000] =	vst v63  }
0xef: {  	_ =	swait.ge [sflag:s22], $0x4800  }
0xf0: {  	[sflag:s22] =	ssyncset.done $0x0  }
0xf1: {  	[sflag:s22] =	ssyncadd.s32 $0xFFFFB800  }
0xf2: {  	[spmem:s2] =	stream.indirect.scatter.add.f32 [tilespmem:s20], [sflag:$0x4], $0x90, s30, s19, $0xb8;
	[tilespmem:$0x17000] =	vst v63  }
0xf3: {  	_ =	swait.ge [sflag:s24], $0x4800  }
0xf4: {  	[sflag:s24] =	ssyncset.done $0x0  }
0xf5: {  	[sflag:s24] =	ssyncadd.s32 $0xFFFFB800  }
0xf6: {  	_ =	swait.ge [sflag:s25], $0x4800  }
0xf7: {  	[sflag:s25] =	ssyncset.done $0x0  }
0xf8: {  	[sflag:s25] =	ssyncadd.s32 $0xFFFFB800  }
0xf9: {  	[tilespmem:s16], [sflag:$0x1] =	stream.indirect.gather [hbm4b:s4+s19], $0x90, s31, s19, $0xb8;
	[tilespmem:$0x17000] =	vst v63  }
0xfa: {  	_ = 	snop  }
0xfb: {  	[tilespmem:s20], [sflag:$0x2] =	stream.indirect.gather [hbm4b:s4+s19], $0x90, s1, s19, $0xb8;
	[tilespmem:$0x17000] =	vst v63  }
0xfc: {  	_ =	swait.ge [sflag:s21], $0x4800  }
0xfd: {  	[sflag:s21] =	ssyncset.done $0x0  }
0xfe: {  	[sflag:s21] =	ssyncadd.s32 $0xFFFFB800  }
0xff: {  	[spmem:s2] =	stream.indirect.scatter.add.f32 [tilespmem:s16], [sflag:$0x3], $0x90, s0, s19, $0xb8;
	[tilespmem:$0x17000] =	vst v63  }
0x100: {  	_ =	swait.ge [sflag:s22], $0x4800  }
0x101: {  	[sflag:s22] =	ssyncset.done $0x0  }
0x102: {  	[sflag:s22] =	ssyncadd.s32 $0xFFFFB800  }
0x103: {  	[spmem:s2] =	stream.indirect.scatter.add.f32 [tilespmem:s20], [sflag:$0x4], $0x90, s5, s19, $0xb8;
	[tilespmem:$0x17000] =	vst v63  }
0x104: {  	_ =	swait.ge [sflag:s24], $0x4800  }
0x105: {  	[sflag:s24] =	ssyncset.done $0x0  }
0x106: {  	[sflag:s24] =	ssyncadd.s32 $0xFFFFB800  }
0x107: {  	_ =	swait.ge [sflag:s25], $0x4800  }
0x108: {  	[sflag:s25] =	ssyncset.done $0x0  }
0x109: {  	[sflag:s25] =	ssyncadd.s32 $0xFFFFB800  }
0x10a: {  	[tilespmem:s16], [sflag:$0x1] =	stream.indirect.gather [hbm4b:s4+s19], $0x90, s6, s19, $0xb8;
	[tilespmem:$0x17000] =	vst v63  }
0x10b: {  	_ = 	snop  }
0x10c: {  	[tilespmem:s20], [sflag:$0x2] =	stream.indirect.gather [hbm4b:s4+s19], $0x90, s7, s19, $0xb8;
	[tilespmem:$0x17000] =	vst v63  }
0x10d: {  	_ =	swait.ge [sflag:s21], $0x4800  }
0x10e: {  	[sflag:s21] =	ssyncset.done $0x0  }
0x10f: {  	[sflag:s21] =	ssyncadd.s32 $0xFFFFB800  }
0x110: {  	[spmem:s2] =	stream.indirect.scatter.add.f32 [tilespmem:s16], [sflag:$0x3], $0x90, s8, s19, $0xb8;
	[tilespmem:$0x17000] =	vst v63  }
0x111: {  	_ =	swait.ge [sflag:s22], $0x4800  }
0x112: {  	[sflag:s22] =	ssyncset.done $0x0  }
0x113: {  	[sflag:s22] =	ssyncadd.s32 $0xFFFFB800  }
0x114: {  	[spmem:s2] =	stream.indirect.scatter.add.f32 [tilespmem:s20], [sflag:$0x4], $0x90, s9, s19, $0xb8;
	[tilespmem:$0x17000] =	vst v63  }
0x115: {  	_ =	swait.ge [sflag:s24], $0x4800  }
0x116: {  	[sflag:s24] =	ssyncset.done $0x0  }
0x117: {  	[sflag:s24] =	ssyncadd.s32 $0xFFFFB800  }
0x118: {  	_ =	swait.ge [sflag:s25], $0x4800  }
0x119: {  	[sflag:s25] =	ssyncset.done $0x0  }
0x11a: {  	[sflag:s25] =	ssyncadd.s32 $0xFFFFB800  }
0x11b: {  	[bflag:$0x0] =	sbarrier.arrive $0xFFFF  }
0x11c: {  	s13 =	rddreg [dreg:$0x7]  }
0x11d: {  	[tilespmem:s16], [sflag:$0x5] =	stream.linear.gather [spmem:s13], $0x4800, $0x38;
	[tilespmem:$0x17000] =	vst v63  }
0x11e: {  	_ =	swait.ge [sflag:s17], $0x4800  }
0x11f: {  	[sflag:s17] =	ssyncset.done $0x0  }
0x120: {  	s14 =	rddreg [dreg:$0xc];
	[sflag:s17] =	ssyncadd.s32 $0xFFFFB800  }
0x121: {  	[hbm4b:s14+s3] =	stream.linear.scatter [tilespmem:s16], [sflag:$0x5], $0x4800, $0x38;
	[tilespmem:$0x17000] =	vst v63  }
0x122: {  	_ =	swait.ge [sflag:s17], $0x4800  }
0x123: {  	[sflag:s17] =	ssyncset.done $0x0  }
0x124: {  	s15 =	rddreg [dreg:$0xd];
	[sflag:s17] =	ssyncadd.s32 $0xFFFFB800  }
0x125: {  	[tilespmem:s16], [sflag:$0x5] =	stream.linear.gather [spmem:s15], $0x4800, $0x38;
	[tilespmem:$0x17000] =	vst v63  }
0x126: {  	_ =	swait.ge [sflag:s17], $0x4800  }
0x127: {  	[sflag:s17] =	ssyncset.done $0x0  }
0x128: {  	s12 =	rddreg [dreg:$0xe];
	[sflag:s17] =	ssyncadd.s32 $0xFFFFB800  }
0x129: {  	[hbm4b:s12+s3] =	stream.linear.scatter [tilespmem:s16], [sflag:$0x5], $0x4800, $0x38;
	[tilespmem:$0x17000] =	vst v63  }
0x12a: {  	_ =	swait.ge [sflag:s17], $0x4800  }
0x12b: {  	[sflag:s17] =	ssyncset.done $0x0  }
0x12c: {  	s13 =	rddreg [dreg:$0xf];
	[sflag:s17] =	ssyncadd.s32 $0xFFFFB800  }
0x12d: {  	[tilespmem:s16], [sflag:$0x5] =	stream.linear.gather [spmem:s13], $0x4800, $0x38;
	[tilespmem:$0x17000] =	vst v63  }
0x12e: {  	_ =	swait.ge [sflag:s17], $0x4800  }
0x12f: {  	[sflag:s17] =	ssyncset.done $0x0  }
0x130: {  	s14 =	rddreg [dreg:$0x10];
	[sflag:s17] =	ssyncadd.s32 $0xFFFFB800  }
0x131: {  	[hbm4b:s14+s3] =	stream.linear.scatter [tilespmem:s16], [sflag:$0x5], $0x4800, $0x38;
	[tilespmem:$0x17000] =	vst v63  }
0x132: {  	_ =	swait.ge [sflag:s17], $0x4800  }
0x133: {  	s10 =	sadd.s32 $0x1, s10;
	s15 =	rddreg [dreg:$0x8]  }
0x134: {  	p0 =	sne.s32 s10, s15  }
.Ltmp1:
0x135: {  	_ = 	snop;
	(pc) =	sbr.rel @p0 .LBB2_1-.Ltmp1, $3  }
0x136: {  	_ =	sdelay $0x1  }
0x137: {  	[sflag:s17] =	ssyncset.done $0x0  }
0x138: {  	[sflag:s17] =	ssyncadd.s32 $0xFFFFB800  }
0x139: {  	_ =	sfence.sel $0x180000  }
0x13a: {  	[bflag:$0x0] =	sbarrier.arrive $0xFFFF  }
0x13b: {  	_ =	strace $0x9000004A  }
0x13c: {  	s0 =	stileid.u32;
	[bflag:$0x2] =	sbarrier.arrive $0xFFFF  }
0x13d: {  	p0 =	sne.s32 s0, $0x0;
	s0 =	rddreg [dreg:$0x3]  }
0x13e: {  	s0 =	sadd.s32 @!p0 $0x100000, s0  }
0x13f: {  	[sflag:s0] =	ssyncadd.tile.s32 @!p0 $0x1;
	_ =	shalt  }
.Lfunc_end2:
_tile_overlayer_lowered:
.L_overlay_start_2:
0x140: {  	(tag) =	ssettag $0x2  }
0x141: {  	s0 =	rddreg [dreg:$0x0];
	s2 =	stileid.u32  }
0x142: {  	s1 =	rddreg [dreg:$0x1];
	p0 =	sne.s32 s2, $0x0  }
0x143: {  	s3 =	rddreg [dreg:$0x2];
	[bflag:$0x3] =	sbarrier.arrive $0xFFFF;
	s2 =	simm.s32 @!p0 $0x1C05  }
0x144: {  	[timem:s3], [sflag:s2] =	dma.local @!p0 [hbm:s0], s1  }
0x145: {  	s0 =	simm.s32 @!p0 $0x5  }
0x146: {  	_ =	swait.ge @!p0 [sflag:s0], s1  }
0x147: {  	s1 =	ssub.s32 @!p0 $0x0, s1;
	[sflag:s0] =	ssyncset.done @!p0 $0x0  }
0x148: {  	[sflag:s0] =	ssyncadd.s32 @!p0 s1  }
0x149: {  	[bflag:$0x3] =	sbarrier.arrive $0xFFFF  }
0x14a: {  	_ =	shalt  }

// kernel: kernel.14.cloned.1.call-start
scs
__scs_entry_jumppad:
0x0: {  	(pc) =	sbr.rel $0x88, $3  }
0x1: {  	(tag) =	ssettag $0x0;
	lr =	simm.s32 $0x1  }
0x2: {  	[smem:$0x3F96] =	sst lr;
	_ =	strace $0xD0000000  }
0x3: {  	_ = 	snop  }
0x4: {  	_ = 	snop  }
0x5: {  	_ = 	snop  }
0x6: {  	_ = 	snop  }
0x7: {  	_ = 	snop  }
__scs_overlays_trampoline_lowered:
0x8: {  	[smem:$0x3FA5] =	sst s0  }
0x9: {  	[smem:$0x3FA6] =	sst s1  }
0xa: {  	[smem:$0x3FA7] =	sst s2  }
0xb: {  	[smem:$0x3FA8] =	sst s3  }
0xc: {  	[smem:$0x3FA9] =	sst s4  }
0xd: {  	[smem:$0x3FAA] =	sst s5  }
0xe: {  	[smem:$0x3FAB] =	sst s6  }
0xf: {  	[smem:$0x3FAC] =	sst s7  }
0x10: {  	[smem:$0x3FAD] =	sst s8  }
0x11: {  	[smem:$0x3FAE] =	sst s9;
	s0 =	simm.s32 @!p0 $0x0  }
0x12: {  	s1 =	sld [smem:$0x3F94];
	s0 =	simm.s32 @p0 $0x1  }
0x13: {  	[smem:$0x3FAF] =	sst s0;
	s0 =	simm.s32 @!p1 $0x0  }
0x14: {  	s2 =	sld [smem:$0x3F93];
	s0 =	simm.s32 @p1 $0x1  }
0x15: {  	[smem:$0x3FB0] =	sst s0;
	s0 =	simm.s32 @!p2 $0x0  }
0x16: {  	s3 =	sld [smem:$0x3FDB];
	s0 =	simm.s32 @p2 $0x1  }
0x17: {  	s4 =	simm.s32 $0x1BF5;
	[smem:$0x3FB2] =	sst s0  }
0x18: {  	s0 =	sld [smem:$0x3F95];
	_ =	swait.ge [sflag:s4], $0x0  }
0x19: {  	s7 =	sld [smem:$0x3F96]  }
0x1a: {  	s8 =	sadd.s32 $0xFFFFE003, lr  }
0x1b: {  	s9 =	sadd.s32 $0xFFFFFEF7, lr;
	s5 =	simm.s32 $0xFFFFFFFF;
	p2 =	slt.u32 s8, $0xFFFFF086  }
0x1c: {  	p1 =	slt.u32 s9, $0xF7A;
	s5 =	simm.s32 @!p2 $0x0  }
0x1d: {  	s5 =	simm.s32 @p1 $0x1;
	p0 =	seq.s32 s7, s2  }
0x1e: {  	s7 =	smul.u32 @!p0 $0xF7A, s2;
	p2 =	seq.s32 @!p0 s5, $0x0  }
0x1f: {  	s9 =	smul.u32 $0xF7A, s1;
	s8 =	simm.s32 @!p0 $0x1BF5;
	p2 =	por !p2, p0  }
0x20: {  	[sflag:s8] =	ssyncset.s32 @!p0 $0xFFFFF086;
	s6 =	sadd.s32 @!p0 s3, s7;
	s7 =	simm.s32 @!p0 $0x108  }
0x21: {  	s3 =	sadd.s32 s3, s9;
	s6 =	sadd.s32 @!p0 $0x88, s6;
	s7 =	simm.s32 @p2 $0x1082  }
0x22: {  	[simem:s7], [sflag:s8] =	dma.local @!p0 [hbm:s6], $0xF7A  }
0x23: {  	s9 =	sor.u32 $0xD0000000, s2;
	s6 =	simm.s32 $0x108;
	_ =	swait.ge @!p0 [sflag:s8], $0x0  }
0x24: {  	s3 =	sadd.s32 $0x88, s3;
	s6 =	simm.s32 @!p1 $0x1082;
	[sflag:s4] =	ssyncset.s32 $0xFFFFF086  }
0x25: {  	[simem:s6], [sflag:s4] =	dma.local [hbm:s3], $0xF7A  }
0x26: {  	[smem:$0x3F96] =	sst s1;
	(tag) =	ssettag s2;
	_ =	strace s9  }
0x27: {  	s1 =	sld [smem:$0x3FA6]  }
0x28: {  	s2 =	sld [smem:$0x3FA7]  }
0x29: {  	s4 =	sld [smem:$0x3FA9]  }
0x2a: {  	p0 =	seq.s32 s5, $0x0;
	s5 =	sld [smem:$0x3FAA]  }
0x2b: {  	s6 =	sld [smem:$0x3FAB]  }
0x2c: {  	s7 =	sld [smem:$0x3FAC]  }
0x2d: {  	s3 =	simm.s32 $0x108;
	s8 =	sld [smem:$0x3FAD]  }
0x2e: {  	s3 =	simm.s32 @!p0 $0x1082;
	s9 =	sld [smem:$0x3FAE]  }
0x2f: {  	lr =	sadd.s32 s0, s3;
	s0 =	sld [smem:$0x3FA5]  }
0x30: {  	s3 =	sld [smem:$0x3FA8]  }
0x31: {  	[smem:$0x3FB1] =	sst s10  }
0x32: {  	s10 =	sld [smem:$0x3FAF];
	_ =	sdelay $0x3  }
0x33: {  	p0 =	seq.s32 s10, $0x1;
	s10 =	sld [smem:$0x3FB1];
	_ =	sdelay $0x3  }
0x34: {  	[smem:$0x3FB1] =	sst s10  }
0x35: {  	s10 =	sld [smem:$0x3FB0];
	_ =	sdelay $0x3  }
0x36: {  	p1 =	seq.s32 s10, $0x1;
	s10 =	sld [smem:$0x3FB1];
	_ =	sdelay $0x3  }
0x37: {  	[smem:$0x3FB1] =	sst s10  }
0x38: {  	s10 =	sld [smem:$0x3FB2]  }
0x39: {  	_ = 	snop;
	(pc) =	sbr.ind lr, $3  }
0x3a: {  	_ = 	snop  }
0x3b: {  	_ = 	snop  }
0x3c: {  	p2 =	seq.s32 s10, $0x1;
	s10 =	sld [smem:$0x3FB1]  }
0x3d: {  	_ =	shalt  }
0x3e: {  	_ =	shalt  }
0x3f: {  	_ =	shalt  }
0x40: {  	_ =	shalt  }
0x41: {  	_ =	shalt  }
0x42: {  	_ =	shalt  }
0x43: {  	_ =	shalt  }
0x44: {  	_ =	shalt  }
0x45: {  	_ =	shalt  }
0x46: {  	_ =	shalt  }
0x47: {  	_ =	shalt  }
0x48: {  	_ =	shalt  }
0x49: {  	_ =	shalt  }
0x4a: {  	_ =	shalt  }
0x4b: {  	_ =	shalt  }
0x4c: {  	_ =	shalt  }
0x4d: {  	_ =	shalt  }
0x4e: {  	_ =	shalt  }
0x4f: {  	_ =	shalt  }
0x50: {  	_ =	shalt  }
0x51: {  	_ =	shalt  }
0x52: {  	_ =	shalt  }
0x53: {  	_ =	shalt  }
0x54: {  	_ =	shalt  }
0x55: {  	_ =	shalt  }
0x56: {  	_ =	shalt  }
0x57: {  	_ =	shalt  }
0x58: {  	_ =	shalt  }
0x59: {  	_ =	shalt  }
0x5a: {  	_ =	shalt  }
0x5b: {  	_ =	shalt  }
0x5c: {  	_ =	shalt  }
0x5d: {  	_ =	shalt  }
0x5e: {  	_ =	shalt  }
0x5f: {  	_ =	shalt  }
0x60: {  	_ =	shalt  }
0x61: {  	_ =	shalt  }
0x62: {  	_ =	shalt  }
0x63: {  	_ =	shalt  }
0x64: {  	_ =	shalt  }
0x65: {  	_ =	shalt  }
0x66: {  	_ =	shalt  }
0x67: {  	_ =	shalt  }
0x68: {  	_ =	shalt  }
0x69: {  	_ =	shalt  }
0x6a: {  	_ =	shalt  }
0x6b: {  	_ =	shalt  }
0x6c: {  	_ =	shalt  }
0x6d: {  	_ =	shalt  }
0x6e: {  	_ =	shalt  }
0x6f: {  	_ =	shalt  }
0x70: {  	_ =	shalt  }
0x71: {  	_ =	shalt  }
0x72: {  	_ =	shalt  }
0x73: {  	_ =	shalt  }
0x74: {  	_ =	shalt  }
0x75: {  	_ =	shalt  }
0x76: {  	_ =	shalt  }
0x77: {  	_ =	shalt  }
0x78: {  	_ =	shalt  }
0x79: {  	_ =	shalt  }
0x7a: {  	_ =	shalt  }
0x7b: {  	_ =	shalt  }
0x7c: {  	_ =	shalt  }
0x7d: {  	_ =	shalt  }
0x7e: {  	_ =	shalt  }
0x7f: {  	_ =	shalt  }
0x80: {  	_ =	shalt  }
0x81: {  	_ =	shalt  }
0x82: {  	_ =	shalt  }
0x83: {  	_ =	shalt  }
0x84: {  	_ =	shalt  }
0x85: {  	_ =	shalt  }
0x86: {  	_ =	shalt  }
0x87: {  	_ =	shalt  }
.Lfunc_end0:
.L_simem_size_0:
called_computation.2_lowered:
.L_overlay_start_0:
0x88: {  	s2 =	sld [smem:$0x3FD9]  }
0x89: {  	s3 =	sld [smem:$0x3FFE];
	_ =	sdelay $0x1  }
0x8a: {  	s1 =	srdreg.scid  }
0x8b: {  	s0 =	sand.u32 $0x1, s1  }
0x8c: {  	s17 =	sshll.u32 s0, $0xA;
	s2 =	sadd.s32 s3, s2  }
0x8d: {  	s2 =	sadd.s32 s2, s17  }
0x8e: {  	[smem:$0x3FBD] =	sst s2  }
0x8f: {  	_ = 	snop  }
0x90: {  	s2 =	sld [smem:$0x3FD0];
	(tm) =	ssettm $0x1  }
0x91: {  	s18 =	sld [smem:$0x3FFB];
	_ =	sdelay $0x3  }
0x92: {  	_ =	strace s18  }
0x93: {  	s3 =	sld [smem:$0x3FFC];
	_ =	sdelay $0x3  }
0x94: {  	_ =	strace s3  }
0x95: {  	s3 =	sld [smem:$0x3FFD];
	_ =	sdelay $0x3  }
0x96: {  	_ =	strace s3  }
0x97: {  	_ =	strace $0x8FFFFFFF  }
0x98: {  	s19 =	sld [smem:$0x3FDB];
	_ =	sdelay $0x1  }
0x99: {  	s4 =	simm.s32 $_scs_section_size  }
0x9a: {  	s5 =	simm.s32 $_size__tile_overlayer_lowered;
	s6 =	simm.s32 $_tile_overlayer_lowered  }
0x9b: {  	s22 =	simm.s32 $0x1BFF;
	s21 =	sshll.u32 s6, $0x1;
	s3 =	sadd.s32 s4, s19  }
0x9c: {  	s7 =	simm.s32 $0x0;
	s20 =	sshll.u32 s5, $0x1;
	s5 =	sadd.s32 s21, s3  }
0x9d: {  	[timem:s7], [sflag:s22] =	dma.local [hbm:s5], s20  }
0x9e: {  	_ =	swait.ge [sflag:s22], s20  }
0x9f: {  	s4 =	ssub.s32 $0x0, s20;
	[sflag:s22] =	ssyncset.done $0x0  }
0xa0: {  	[sflag:s22] =	ssyncadd.s32 s4;
	_ =	sdelay $0x1  }
0xa1: {  	s23 =	simm.s32 $0x1B8B  }
0xa2: {  	_ =	swait.ge [sflag:s23], $0x1  }
0xa3: {  	[sflag:s23] =	ssyncset.done $0x0  }
0xa4: {  	s25 =	simm.s32 $0x1B8E;
	s24 =	sld [smem:$0x3FFE];
	[sflag:s23] =	ssyncadd.s32 $0xFFFFFFFF  }
0xa5: {  	s26 =	simm.s32 $execute0_lowered;
	[smem:$0x3FD2] =	sst s25  }
0xa6: {  	s5 =	sshll.u32 s26, $0x1;
	_ =	strace $0x8000004C;
	[dreg:$0x1] =	wrdreg $0xFFFFFFFF  }
0xa7: {  	s28 =	simm.s32 $_size_execute0_lowered;
	s3 =	sadd.s32 s3, s5;
	[dreg:$0x0] =	wrdreg $0x0  }
0xa8: {  	s5 =	sshll.u32 s28, $0x1;
	[dreg:$0x2] =	wrdreg s3  }
0xa9: {  	[dreg:$0x3] =	wrdreg s5  }
0xaa: {  	[dreg:$0x4] =	wrdreg $0xC0  }
0xab: {  	_ =	task [dreg:s7], $0x5FFFF  }
0xac: {  	[dreg:$0x1] =	wrdreg $0xFFFFFFFF  }
0xad: {  	[dreg:$0x0] =	wrdreg $0x60  }
0xae: {  	[dreg:$0x2] =	wrdreg s24  }
0xaf: {  	[dreg:$0x3] =	wrdreg s2  }
0xb0: {  	[dreg:$0x4] =	wrdreg $0x98000  }
0xb1: {  	[dreg:$0x5] =	wrdreg $0x9  }
0xb2: {  	_ =	task.clear_ibuf [dreg:s7], $0x6FFFF;
	_ =	strace $0x9000004C  }
0xb3: {  	s29 =	simm.s32 $0x9;
	_ =	strace $0x8000004E  }
0xb4: {  	_ =	swait.ge [sflag:s29], $0x1  }
0xb5: {  	[sflag:s29] =	ssyncadd.s32 $0xFFFFFFFF  }
0xb6: {  	_ =	strace $0x9000004E  }
0xb7: {  	_ =	sfence  }
0xb8: {  	s30 =	sld [smem:$0x0];
	_ =	sdelay $0x2  }
0xb9: {  	s31 =	sshll.u32 s1, $0xD;
	s1 =	sshrl.u32 s1, $0x2  }
0xba: {  	s3 =	sand.u32 $0x4000, s31;
	s1 =	sadd.s32 s1, s30  }
0xbb: {  	s0 =	sor.u32 s3, s0;
	s1 =	sshll.u32 s1, $0x11  }
0xbc: {  	s0 =	sor.u32 s1, s0  }
0xbd: {  	s0 =	sadd.s32 $0x8F2B, s0  }
0xbe: {  	[sflag:s0] =	ssyncadd.remote.s32 $0x1  }
0xbf: {  	_ =	sfence.sel $0xFFFF  }
0xc0: {  	[dreg:$0x0] =	wrdreg $0xFFFFFFFF;
	(pc) =	sbr.abs _section_cstart, $3  }
0xc1: {  	[dreg:$0x1] =	wrdreg $0xFFFFFFFF  }
0xc2: {  	_ =	task.clear_ibuf [dreg:s7], $0x2FFFF;
	_ =	strace $0x9FFFFFFF  }
0xc3: {  	(tm) =	ssettm $0x7FFFFFFF  }
tec
execute0_lowered:
.L_overlay_start_1:
0x0: {  	(tag) =	ssettag $0x1  }
0x1: {  	s0 =	rddreg [dreg:$0x0];
	s1 =	srdreg.scid  }
0x2: {  	s13 =	stileid.u32;
	s5 =	rddreg [dreg:$0x1]  }
0x3: {  	s2 =	rddreg [dreg:$0x2];
	s4 =	smul.u32 $0x5000, s13  }
0x4: {  	s3 =	simm.s32 $0x0;
	s28 =	simm.s32 $0x180;
	s7 =	smul.u32 $0x3, s13  }
0x5: {  	s29 =	simm.s32 $0x500;
	s30 =	simm.s32 $0x580;
	s9 =	smul.u32 $0xD800, s13  }
0x6: {  	s31 =	simm.s32 $0x200;
	s1 =	sand.u32 $0x1, s1;
	s11 =	smul.u32 $0x36000, s13  }
0x7: {  	[smem:$0x7FF] =	sst s3;
	s8 =	sadd.s32 $0x43000, s0;
	s6 =	smul.u32 $0x50000, s1  }
0x8: {  	_ =	strace $0x8000004D;
	[dreg:$0x6] =	wrdreg s8;
	s25 =	ssub.s32 $0x2, s1  }
0x9: {  	s1 =	smul.u32 $0xD8000, s1;
	s10 =	sshrl.u32 s25, $0x1;
	s7 =	sadd.s32 $0x1, s7  }
0xa: {  	s12 =	sadd.s32 s9, s2;
	s14 =	sshrl.u32 s11, $0x2;
	s17 =	sadd.s32 $0x24000, s11  }
0xb: {  	s24 =	sadd.s32 $0x9000, s9;
	s4 =	sadd.s32 s4, s6;
	s8 =	ssub.s32 s25, s10  }
0xc: {  	s26 =	smul.u32 $0x12000, s7;
	[dreg:$0x7] =	wrdreg s12;
	s15 =	sadd.s32 s14, s2  }
0xd: {  	s18 =	sadd.s32 s1, s9;
	s7 =	smul.u32 $0x4800, s7;
	s19 =	sshrl.u32 s17, $0x2  }
0xe: {  	s25 =	smul.u32 $0xA00, s13;
	s17 =	simm.s32 $0x5;
	s9 =	simm.s32 $0x780  }
0xf: {  	s10 =	simm.s32 $0x0;
	s6 =	sshrl.u32 s4, $0x3;
	s4 =	sadd.s32 $0x2000, s0  }
0x10: {  	s8 =	smax.u32 s8, $0x1;
	[dreg:$0x9] =	wrdreg s15;
	s20 =	sshrl.u32 s18, $0x3  }
0x11: {  	s18 =	simm.s32 $0x400;
	s6 =	sadd.s32 s6, s0;
	s0 =	sadd.s32 $0x43A00, s0  }
0x12: {  	[dreg:$0x8] =	wrdreg s8;
	s16 =	sshrl.u32 s26, $0x2;
	s22 =	sadd.s32 s1, s7  }
0x13: {  	s7 =	sadd.s32 s7, s2;
	s1 =	sadd.s32 s1, s24;
	s26 =	sadd.s32 s25, s5  }
0x14: {  	s25 =	simm.s32 $0x4;
	s5 =	simm.s32 $0x680;
	s8 =	sadd.s32 s16, s2  }
0x15: {  	s21 =	sadd.s32 s0, s20;
	[dreg:$0xd] =	wrdreg s7;
	s23 =	sshrl.u32 s22, $0x3  }
0x16: {  	s1 =	sshrl.u32 s1, $0x3;
	s6 =	sadd.s32 $0x2F000, s6;
	[dreg:$0x5] =	wrdreg s26  }
0x17: {  	s16 =	simm.s32 $0x800;
	s20 =	simm.s32 $0x5000;
	s22 =	simm.s32 $0x2  }
0x18: {  	s26 =	simm.s32 $0x100;
	[dreg:$0xa] =	wrdreg s8;
	s8 =	sadd.s32 s19, s2  }
0x19: {  	[dreg:$0xc] =	wrdreg s21;
	s7 =	sadd.s32 s0, s23;
	s0 =	sadd.s32 s0, s1  }
0x1a: {  	[dreg:$0x4] =	wrdreg s6;
	s19 =	simm.s32 $0x80;
	s21 =	simm.s32 $0x1  }
0x1b: {  	s23 =	simm.s32 $0x480;
	s1 =	simm.s32 $0x280;
	[dreg:$0xb] =	wrdreg s8  }
0x1c: {  	s6 =	simm.s32 $0x300;
	[dreg:$0xe] =	wrdreg s7;
	s8 =	sadd.s32 s24, s2  }
0x1d: {  	[dreg:$0x10] =	wrdreg s0;
	s24 =	simm.s32 $0x3;
	s0 =	simm.s32 $0x600  }
0x1e: {  	s7 =	simm.s32 $0x380;
	[dreg:$0xf] =	wrdreg s8;
	s8 =	simm.s32 $0x700  }
.LBB2_1:
0x1f: {  	s11 =	rddreg [dreg:$0x6]  }
0x20: {  	[tilespmem:s16], [sflag:$0x5] =	stream.linear.gather [hbm4b:s11+s3], $0x4800, $0x38;
	[tilespmem:$0x17000] =	vst v63  }
0x21: {  	_ =	swait.ge [sflag:s17], $0x4800  }
0x22: {  	[sflag:s17] =	ssyncset.done $0x0  }
0x23: {  	s15 =	rddreg [dreg:$0x9];
	[sflag:s17] =	ssyncadd.s32 $0xFFFFB800  }
0x24: {  	[spmem:s15] =	stream.linear.scatter [tilespmem:s16], [sflag:$0x5], $0x4800, $0x38;
	[tilespmem:$0x17000] =	vst v63  }
0x25: {  	_ =	swait.ge [sflag:s17], $0x4800  }
0x26: {  	[sflag:s17] =	ssyncset.done $0x0  }
0x27: {  	s12 =	rddreg [dreg:$0xa];
	[sflag:s17] =	ssyncadd.s32 $0xFFFFB800  }
0x28: {  	[spmem:s12] =	stream.linear.scatter [tilespmem:s16], [sflag:$0x5], $0x4800, $0x38;
	[tilespmem:$0x17000] =	vst v63  }
0x29: {  	_ =	swait.ge [sflag:s17], $0x4800  }
0x2a: {  	[sflag:s17] =	ssyncset.done $0x0  }
0x2b: {  	s13 =	rddreg [dreg:$0xb];
	[sflag:s17] =	ssyncadd.s32 $0xFFFFB800  }
0x2c: {  	[spmem:s13] =	stream.linear.scatter [tilespmem:s16], [sflag:$0x5], $0x4800, $0x38;
	[tilespmem:$0x17000] =	vst v63  }
0x2d: {  	_ =	swait.ge [sflag:s17], $0x4800  }
0x2e: {  	[sflag:s17] =	ssyncset.done $0x0  }
0x2f: {  	p0 =	por $0x1, $0x1;
	[sflag:s17] =	ssyncadd.s32 $0xFFFFB800  }
0x30: {  	s11 =	simm.s32 @!p0 $0x3;
	[bflag:$0x0] =	sbarrier.arrive $0xFFFF  }
0x31: {  	_ =	swait.ge @!p0 [sflag:s11], $0x4800  }
0x32: {  	[sflag:s11] =	ssyncset.done @!p0 $0x0  }
0x33: {  	[sflag:s11] =	ssyncadd.s32 @!p0 $0xFFFFB800;
	s11 =	simm.s32 @!p0 $0x4  }
0x34: {  	_ =	swait.ge @!p0 [sflag:s11], $0x4800  }
0x35: {  	s12 =	rddreg [dreg:$0x5];
	[sflag:s11] =	ssyncset.done @!p0 $0x0  }
0x36: {  	[sflag:s11] =	ssyncadd.s32 @!p0 $0xFFFFB800;
	s14 =	sadd.s32 $0x0, s12  }
0x37: {  	[tilespmem:s3], [sflag:$0x5] =	stream.linear.gather [hbm4b:s14+s3], $0x400, $0x38;
	[tilespmem:$0x17000] =	vst v63  }
0x38: {  	_ =	swait.ge [sflag:s17], $0x400  }
0x39: {  	s15 =	rddreg [dreg:$0x4];
	[sflag:s17] =	ssyncset.done $0x0  }
0x3a: {  	[sflag:s17] =	ssyncadd.s32 $0xFFFFFC00;
	s11 =	sadd.s32 $0x0, s15  }
0x3b: {  	[tilespmem:s18], [sflag:$0x5] =	stream.linear.gather [hbm4b:s11+s3], $0x400, $0x38;
	[tilespmem:$0x17000] =	vst v63  }
0x3c: {  	_ =	swait.ge [sflag:s17], $0x400  }
0x3d: {  	[sflag:s17] =	ssyncset.done $0x0  }
0x3e: {  	[sflag:s17] =	ssyncadd.s32 $0xFFFFFC00  }
0x3f: {  	[tilespmem:s16], [sflag:$0x1] =	stream.indirect.gather [hbm4b:s4+s19], $0x90, s3, s19, $0xb8;
	[tilespmem:$0x17000] =	vst v63  }
0x40: {  	_ = 	snop  }
0x41: {  	[tilespmem:s20], [sflag:$0x2] =	stream.indirect.gather [hbm4b:s4+s19], $0x90, s19, s19, $0xb8;
	[tilespmem:$0x17000] =	vst v63  }
0x42: {  	_ =	swait.ge [sflag:s21], $0x4800  }
0x43: {  	[sflag:s21] =	ssyncset.done $0x0  }
0x44: {  	[sflag:s21] =	ssyncadd.s32 $0xFFFFB800  }
0x45: {  	[spmem:s2] =	stream.indirect.scatter.add.f32 [tilespmem:s16], [sflag:$0x3], $0x90, s18, s19, $0xb8;
	[tilespmem:$0x17000] =	vst v63  }
0x46: {  	_ =	swait.ge [sflag:s22], $0x4800  }
0x47: {  	[sflag:s22] =	ssyncset.done $0x0  }
0x48: {  	[sflag:s22] =	ssyncadd.s32 $0xFFFFB800  }
0x49: {  	[spmem:s2] =	stream.indirect.scatter.add.f32 [tilespmem:s20], [sflag:$0x4], $0x90, s23, s19, $0xb8;
	[tilespmem:$0x17000] =	vst v63  }
0x4a: {  	_ =	swait.ge [sflag:s24], $0x4800  }
0x4b: {  	[sflag:s24] =	ssyncset.done $0x0  }
0x4c: {  	[sflag:s24] =	ssyncadd.s32 $0xFFFFB800  }
0x4d: {  	_ =	swait.ge [sflag:s25], $0x4800  }
0x4e: {  	[sflag:s25] =	ssyncset.done $0x0  }
0x4f: {  	[sflag:s25] =	ssyncadd.s32 $0xFFFFB800  }
0x50: {  	[tilespmem:s16], [sflag:$0x1] =	stream.indirect.gather [hbm4b:s4+s19], $0x90, s26, s19, $0xb8;
	[tilespmem:$0x17000] =	vst v63  }
0x51: {  	_ = 	snop  }
0x52: {  	[tilespmem:s20], [sflag:$0x2] =	stream.indirect.gather [hbm4b:s4+s19], $0x90, s28, s19, $0xb8;
	[tilespmem:$0x17000] =	vst v63  }
0x53: {  	_ =	swait.ge [sflag:s21], $0x4800  }
0x54: {  	[sflag:s21] =	ssyncset.done $0x0  }
0x55: {  	[sflag:s21] =	ssyncadd.s32 $0xFFFFB800  }
0x56: {  	[spmem:s2] =	stream.indirect.scatter.add.f32 [tilespmem:s16], [sflag:$0x3], $0x90, s29, s19, $0xb8;
	[tilespmem:$0x17000] =	vst v63  }
0x57: {  	_ =	swait.ge [sflag:s22], $0x4800  }
0x58: {  	[sflag:s22] =	ssyncset.done $0x0  }
0x59: {  	[sflag:s22] =	ssyncadd.s32 $0xFFFFB800  }
0x5a: {  	[spmem:s2] =	stream.indirect.scatter.add.f32 [tilespmem:s20], [sflag:$0x4], $0x90, s30, s19, $0xb8;
	[tilespmem:$0x17000] =	vst v63  }
0x5b: {  	_ =	swait.ge [sflag:s24], $0x4800  }
0x5c: {  	[sflag:s24] =	ssyncset.done $0x0  }
0x5d: {  	[sflag:s24] =	ssyncadd.s32 $0xFFFFB800  }
0x5e: {  	_ =	swait.ge [sflag:s25], $0x4800  }
0x5f: {  	[sflag:s25] =	ssyncset.done $0x0  }
0x60: {  	[sflag:s25] =	ssyncadd.s32 $0xFFFFB800  }
0x61: {  	[tilespmem:s16], [sflag:$0x1] =	stream.indirect.gather [hbm4b:s4+s19], $0x90, s31, s19, $0xb8;
	[tilespmem:$0x17000] =	vst v63  }
0x62: {  	_ = 	snop  }
0x63: {  	[tilespmem:s20], [sflag:$0x2] =	stream.indirect.gather [hbm4b:s4+s19], $0x90, s1, s19, $0xb8;
	[tilespmem:$0x17000] =	vst v63  }
0x64: {  	_ =	swait.ge [sflag:s21], $0x4800  }
0x65: {  	[sflag:s21] =	ssyncset.done $0x0  }
0x66: {  	[sflag:s21] =	ssyncadd.s32 $0xFFFFB800  }
0x67: {  	[spmem:s2] =	stream.indirect.scatter.add.f32 [tilespmem:s16], [sflag:$0x3], $0x90, s0, s19, $0xb8;
	[tilespmem:$0x17000] =	vst v63  }
0x68: {  	_ =	swait.ge [sflag:s22], $0x4800  }
0x69: {  	[sflag:s22] =	ssyncset.done $0x0  }
0x6a: {  	[sflag:s22] =	ssyncadd.s32 $0xFFFFB800  }
0x6b: {  	[spmem:s2] =	stream.indirect.scatter.add.f32 [tilespmem:s20], [sflag:$0x4], $0x90, s5, s19, $0xb8;
	[tilespmem:$0x17000] =	vst v63  }
0x6c: {  	_ =	swait.ge [sflag:s24], $0x4800  }
0x6d: {  	[sflag:s24] =	ssyncset.done $0x0  }
0x6e: {  	[sflag:s24] =	ssyncadd.s32 $0xFFFFB800  }
0x6f: {  	_ =	swait.ge [sflag:s25], $0x4800  }
0x70: {  	[sflag:s25] =	ssyncset.done $0x0  }
0x71: {  	[sflag:s25] =	ssyncadd.s32 $0xFFFFB800  }
0x72: {  	[tilespmem:s16], [sflag:$0x1] =	stream.indirect.gather [hbm4b:s4+s19], $0x90, s6, s19, $0xb8;
	[tilespmem:$0x17000] =	vst v63  }
0x73: {  	_ = 	snop  }
0x74: {  	[tilespmem:s20], [sflag:$0x2] =	stream.indirect.gather [hbm4b:s4+s19], $0x90, s7, s19, $0xb8;
	[tilespmem:$0x17000] =	vst v63  }
0x75: {  	_ =	swait.ge [sflag:s21], $0x4800  }
0x76: {  	[sflag:s21] =	ssyncset.done $0x0  }
0x77: {  	[sflag:s21] =	ssyncadd.s32 $0xFFFFB800  }
0x78: {  	[spmem:s2] =	stream.indirect.scatter.add.f32 [tilespmem:s16], [sflag:$0x3], $0x90, s8, s19, $0xb8;
	[tilespmem:$0x17000] =	vst v63  }
0x79: {  	p1 =	por $0x0, $0x0;
	_ =	swait.ge [sflag:s22], $0x4800  }
0x7a: {  	s12 =	simm.s32 $0x100;
	s11 =	simm.s32 $0x80;
	[sflag:s22] =	ssyncset.done $0x0  }
.LBB2_2:
0x7b: {  	s13 =	simm.s32 @!p1 $0x3;
	[sflag:s22] =	ssyncadd.s32 $0xFFFFB800  }
0x7c: {  	[spmem:s2] =	stream.indirect.scatter.add.f32 [tilespmem:s20], [sflag:$0x4], $0x90, s9, s19, $0xb8;
	[tilespmem:$0x17000] =	vst v63  }
0x7d: {  	_ =	swait.ge @!p1 [sflag:s13], $0x4800  }
0x7e: {  	[sflag:s13] =	ssyncset.done @!p1 $0x0  }
0x7f: {  	[sflag:s13] =	ssyncadd.s32 @!p1 $0xFFFFB800;
	s13 =	simm.s32 @!p1 $0x4  }
0x80: {  	_ =	swait.ge @!p1 [sflag:s13], $0x4800  }
0x81: {  	[sflag:s13] =	ssyncset.done @!p1 $0x0;
	s15 =	rddreg [dreg:$0x5]  }
0x82: {  	[sflag:s13] =	ssyncadd.s32 @!p1 $0xFFFFB800;
	s15 =	sadd.s32 s11, s15  }
0x83: {  	[tilespmem:s3], [sflag:$0x5] =	stream.linear.gather [hbm4b:s15+s3], $0x400, $0x38;
	[tilespmem:$0x17000] =	vst v63  }
0x84: {  	_ =	swait.ge [sflag:s17], $0x400  }
0x85: {  	s15 =	rddreg [dreg:$0x4];
	[sflag:s17] =	ssyncset.done $0x0  }
0x86: {  	[sflag:s17] =	ssyncadd.s32 $0xFFFFFC00;
	s13 =	sadd.s32 s11, s15  }
0x87: {  	[tilespmem:s18], [sflag:$0x5] =	stream.linear.gather [hbm4b:s13+s3], $0x400, $0x38;
	[tilespmem:$0x17000] =	vst v63  }
0x88: {  	_ =	swait.ge [sflag:s17], $0x400  }
0x89: {  	[sflag:s17] =	ssyncset.done $0x0  }
0x8a: {  	[sflag:s17] =	ssyncadd.s32 $0xFFFFFC00  }
0x8b: {  	[tilespmem:s16], [sflag:$0x1] =	stream.indirect.gather [hbm4b:s4+s19], $0x90, s3, s19, $0xb8;
	[tilespmem:$0x17000] =	vst v63  }
0x8c: {  	_ = 	snop  }
0x8d: {  	[tilespmem:s20], [sflag:$0x2] =	stream.indirect.gather [hbm4b:s4+s19], $0x90, s19, s19, $0xb8;
	[tilespmem:$0x17000] =	vst v63  }
0x8e: {  	_ =	swait.ge [sflag:s21], $0x4800  }
0x8f: {  	[sflag:s21] =	ssyncset.done $0x0  }
0x90: {  	[sflag:s21] =	ssyncadd.s32 $0xFFFFB800  }
0x91: {  	[spmem:s2] =	stream.indirect.scatter.add.f32 [tilespmem:s16], [sflag:$0x3], $0x90, s18, s19, $0xb8;
	[tilespmem:$0x17000] =	vst v63  }
0x92: {  	_ =	swait.ge [sflag:s22], $0x4800  }
0x93: {  	[sflag:s22] =	ssyncset.done $0x0  }
0x94: {  	[sflag:s22] =	ssyncadd.s32 $0xFFFFB800  }
0x95: {  	[spmem:s2] =	stream.indirect.scatter.add.f32 [tilespmem:s20], [sflag:$0x4], $0x90, s23, s19, $0xb8;
	[tilespmem:$0x17000] =	vst v63  }
0x96: {  	_ =	swait.ge [sflag:s24], $0x4800  }
0x97: {  	[sflag:s24] =	ssyncset.done $0x0  }
0x98: {  	[sflag:s24] =	ssyncadd.s32 $0xFFFFB800  }
0x99: {  	_ =	swait.ge [sflag:s25], $0x4800  }
0x9a: {  	[sflag:s25] =	ssyncset.done $0x0  }
0x9b: {  	[sflag:s25] =	ssyncadd.s32 $0xFFFFB800  }
0x9c: {  	[tilespmem:s16], [sflag:$0x1] =	stream.indirect.gather [hbm4b:s4+s19], $0x90, s26, s19, $0xb8;
	[tilespmem:$0x17000] =	vst v63  }
0x9d: {  	_ = 	snop  }
0x9e: {  	[tilespmem:s20], [sflag:$0x2] =	stream.indirect.gather [hbm4b:s4+s19], $0x90, s28, s19, $0xb8;
	[tilespmem:$0x17000] =	vst v63  }
0x9f: {  	_ =	swait.ge [sflag:s21], $0x4800  }
0xa0: {  	[sflag:s21] =	ssyncset.done $0x0  }
0xa1: {  	[sflag:s21] =	ssyncadd.s32 $0xFFFFB800  }
0xa2: {  	[spmem:s2] =	stream.indirect.scatter.add.f32 [tilespmem:s16], [sflag:$0x3], $0x90, s29, s19, $0xb8;
	[tilespmem:$0x17000] =	vst v63  }
0xa3: {  	_ =	swait.ge [sflag:s22], $0x4800  }
0xa4: {  	[sflag:s22] =	ssyncset.done $0x0  }
0xa5: {  	[sflag:s22] =	ssyncadd.s32 $0xFFFFB800  }
0xa6: {  	[spmem:s2] =	stream.indirect.scatter.add.f32 [tilespmem:s20], [sflag:$0x4], $0x90, s30, s19, $0xb8;
	[tilespmem:$0x17000] =	vst v63  }
0xa7: {  	_ =	swait.ge [sflag:s24], $0x4800  }
0xa8: {  	[sflag:s24] =	ssyncset.done $0x0  }
0xa9: {  	[sflag:s24] =	ssyncadd.s32 $0xFFFFB800  }
0xaa: {  	_ =	swait.ge [sflag:s25], $0x4800  }
0xab: {  	[sflag:s25] =	ssyncset.done $0x0  }
0xac: {  	[sflag:s25] =	ssyncadd.s32 $0xFFFFB800  }
0xad: {  	[tilespmem:s16], [sflag:$0x1] =	stream.indirect.gather [hbm4b:s4+s19], $0x90, s31, s19, $0xb8;
	[tilespmem:$0x17000] =	vst v63  }
0xae: {  	_ = 	snop  }
0xaf: {  	[tilespmem:s20], [sflag:$0x2] =	stream.indirect.gather [hbm4b:s4+s19], $0x90, s1, s19, $0xb8;
	[tilespmem:$0x17000] =	vst v63  }
0xb0: {  	_ =	swait.ge [sflag:s21], $0x4800  }
0xb1: {  	[sflag:s21] =	ssyncset.done $0x0  }
0xb2: {  	[sflag:s21] =	ssyncadd.s32 $0xFFFFB800  }
0xb3: {  	[spmem:s2] =	stream.indirect.scatter.add.f32 [tilespmem:s16], [sflag:$0x3], $0x90, s0, s19, $0xb8;
	[tilespmem:$0x17000] =	vst v63  }
0xb4: {  	_ =	swait.ge [sflag:s22], $0x4800  }
0xb5: {  	[sflag:s22] =	ssyncset.done $0x0  }
0xb6: {  	[sflag:s22] =	ssyncadd.s32 $0xFFFFB800  }
0xb7: {  	[spmem:s2] =	stream.indirect.scatter.add.f32 [tilespmem:s20], [sflag:$0x4], $0x90, s5, s19, $0xb8;
	[tilespmem:$0x17000] =	vst v63  }
0xb8: {  	_ =	swait.ge [sflag:s24], $0x4800  }
0xb9: {  	[sflag:s24] =	ssyncset.done $0x0  }
0xba: {  	[sflag:s24] =	ssyncadd.s32 $0xFFFFB800  }
0xbb: {  	_ =	swait.ge [sflag:s25], $0x4800  }
0xbc: {  	[sflag:s25] =	ssyncset.done $0x0  }
0xbd: {  	[sflag:s25] =	ssyncadd.s32 $0xFFFFB800  }
0xbe: {  	[tilespmem:s16], [sflag:$0x1] =	stream.indirect.gather [hbm4b:s4+s19], $0x90, s6, s19, $0xb8;
	[tilespmem:$0x17000] =	vst v63  }
0xbf: {  	s14 =	smov.u32 s12;
	s12 =	sadd.s32 $0x80, s12  }
0xc0: {  	[tilespmem:s20], [sflag:$0x2] =	stream.indirect.gather [hbm4b:s4+s19], $0x90, s7, s19, $0xb8;
	[tilespmem:$0x17000] =	vst v63  }
0xc1: {  	p0 =	sne.s32 s12, $0xA00;
	_ =	swait.ge [sflag:s21], $0x4800  }
.Ltmp0:
0xc2: {  	[sflag:s21] =	ssyncset.done $0x0;
	(pc) =	sbr.rel @p0 .LBB2_2-.Ltmp0, $4  }
0xc3: {  	[sflag:s21] =	ssyncadd.s32 $0xFFFFB800  }
0xc4: {  	[spmem:s2] =	stream.indirect.scatter.add.f32 [tilespmem:s16], [sflag:$0x3], $0x90, s8, s19, $0xb8;
	[tilespmem:$0x17000] =	vst v63  }
0xc5: {  	s11 =	smov.u32 s14;
	_ =	swait.ge [sflag:s22], $0x4800  }
0xc6: {  	p1 =	seq.s32 s11, $0x0;
	[sflag:s22] =	ssyncset.done $0x0  }
0xc7: {  	s12 =	simm.s32 @!p1 $0x3;
	[sflag:s22] =	ssyncadd.s32 $0xFFFFB800  }
0xc8: {  	[spmem:s2] =	stream.indirect.scatter.add.f32 [tilespmem:s20], [sflag:$0x4], $0x90, s9, s19, $0xb8;
	[tilespmem:$0x17000] =	vst v63  }
0xc9: {  	_ =	swait.ge @!p1 [sflag:s12], $0x4800  }
0xca: {  	[sflag:s12] =	ssyncset.done @!p1 $0x0  }
0xcb: {  	[sflag:s12] =	ssyncadd.s32 @!p1 $0xFFFFB800;
	s12 =	simm.s32 @!p1 $0x4  }
0xcc: {  	_ =	swait.ge @!p1 [sflag:s12], $0x4800  }
0xcd: {  	s13 =	rddreg [dreg:$0x5];
	[sflag:s12] =	ssyncset.done @!p1 $0x0  }
0xce: {  	[sflag:s12] =	ssyncadd.s32 @!p1 $0xFFFFB800;
	s14 =	sadd.s32 s11, s13  }
0xcf: {  	[tilespmem:s3], [sflag:$0x5] =	stream.linear.gather [hbm4b:s14+s3], $0x400, $0x38;
	[tilespmem:$0x17000] =	vst v63  }
0xd0: {  	_ =	swait.ge [sflag:s17], $0x400  }
0xd1: {  	s15 =	rddreg [dreg:$0x4];
	[sflag:s17] =	ssyncset.done $0x0  }
0xd2: {  	s12 =	sadd.s32 s11, s15;
	[sflag:s17] =	ssyncadd.s32 $0xFFFFFC00  }
0xd3: {  	[tilespmem:s18], [sflag:$0x5] =	stream.linear.gather [hbm4b:s12+s3], $0x400, $0x38;
	[tilespmem:$0x17000] =	vst v63  }
0xd4: {  	_ =	swait.ge [sflag:s17], $0x400  }
0xd5: {  	[sflag:s17] =	ssyncset.done $0x0  }
0xd6: {  	[sflag:s17] =	ssyncadd.s32 $0xFFFFFC00  }
0xd7: {  	[tilespmem:s16], [sflag:$0x1] =	stream.indirect.gather [hbm4b:s4+s19], $0x90, s3, s19, $0xb8;
	[tilespmem:$0x17000] =	vst v63  }
0xd8: {  	_ = 	snop  }
0xd9: {  	[tilespmem:s20], [sflag:$0x2] =	stream.indirect.gather [hbm4b:s4+s19], $0x90, s19, s19, $0xb8;
	[tilespmem:$0x17000] =	vst v63  }
0xda: {  	_ =	swait.ge [sflag:s21], $0x4800  }
0xdb: {  	[sflag:s21] =	ssyncset.done $0x0  }
0xdc: {  	[sflag:s21] =	ssyncadd.s32 $0xFFFFB800  }
0xdd: {  	[spmem:s2] =	stream.indirect.scatter.add.f32 [tilespmem:s16], [sflag:$0x3], $0x90, s18, s19, $0xb8;
	[tilespmem:$0x17000] =	vst v63  }
0xde: {  	_ =	swait.ge [sflag:s22], $0x4800  }
0xdf: {  	[sflag:s22] =	ssyncset.done $0x0  }
0xe0: {  	[sflag:s22] =	ssyncadd.s32 $0xFFFFB800  }
0xe1: {  	[spmem:s2] =	stream.indirect.scatter.add.f32 [tilespmem:s20], [sflag:$0x4], $0x90, s23, s19, $0xb8;
	[tilespmem:$0x17000] =	vst v63  }
0xe2: {  	_ =	swait.ge [sflag:s24], $0x4800  }
0xe3: {  	[sflag:s24] =	ssyncset.done $0x0  }
0xe4: {  	[sflag:s24] =	ssyncadd.s32 $0xFFFFB800  }
0xe5: {  	_ =	swait.ge [sflag:s25], $0x4800  }
0xe6: {  	[sflag:s25] =	ssyncset.done $0x0  }
0xe7: {  	[sflag:s25] =	ssyncadd.s32 $0xFFFFB800  }
0xe8: {  	[tilespmem:s16], [sflag:$0x1] =	stream.indirect.gather [hbm4b:s4+s19], $0x90, s26, s19, $0xb8;
	[tilespmem:$0x17000] =	vst v63  }
0xe9: {  	_ = 	snop  }
0xea: {  	[tilespmem:s20], [sflag:$0x2] =	stream.indirect.gather [hbm4b:s4+s19], $0x90, s28, s19, $0xb8;
	[tilespmem:$0x17000] =	vst v63  }
0xeb: {  	_ =	swait.ge [sflag:s21], $0x4800  }
0xec: {  	[sflag:s21] =	ssyncset.done $0x0  }
0xed: {  	[sflag:s21] =	ssyncadd.s32 $0xFFFFB800  }
0xee: {  	[spmem:s2] =	stream.indirect.scatter.add.f32 [tilespmem:s16], [sflag:$0x3], $0x90, s29, s19, $0xb8;
	[tilespmem:$0x17000] =	vst v63  }
0xef: {  	_ =	swait.ge [sflag:s22], $0x4800  }
0xf0: {  	[sflag:s22] =	ssyncset.done $0x0  }
0xf1: {  	[sflag:s22] =	ssyncadd.s32 $0xFFFFB800  }
0xf2: {  	[spmem:s2] =	stream.indirect.scatter.add.f32 [tilespmem:s20], [sflag:$0x4], $0x90, s30, s19, $0xb8;
	[tilespmem:$0x17000] =	vst v63  }
0xf3: {  	_ =	swait.ge [sflag:s24], $0x4800  }
0xf4: {  	[sflag:s24] =	ssyncset.done $0x0  }
0xf5: {  	[sflag:s24] =	ssyncadd.s32 $0xFFFFB800  }
0xf6: {  	_ =	swait.ge [sflag:s25], $0x4800  }
0xf7: {  	[sflag:s25] =	ssyncset.done $0x0  }
0xf8: {  	[sflag:s25] =	ssyncadd.s32 $0xFFFFB800  }
0xf9: {  	[tilespmem:s16], [sflag:$0x1] =	stream.indirect.gather [hbm4b:s4+s19], $0x90, s31, s19, $0xb8;
	[tilespmem:$0x17000] =	vst v63  }
0xfa: {  	_ = 	snop  }
0xfb: {  	[tilespmem:s20], [sflag:$0x2] =	stream.indirect.gather [hbm4b:s4+s19], $0x90, s1, s19, $0xb8;
	[tilespmem:$0x17000] =	vst v63  }
0xfc: {  	_ =	swait.ge [sflag:s21], $0x4800  }
0xfd: {  	[sflag:s21] =	ssyncset.done $0x0  }
0xfe: {  	[sflag:s21] =	ssyncadd.s32 $0xFFFFB800  }
0xff: {  	[spmem:s2] =	stream.indirect.scatter.add.f32 [tilespmem:s16], [sflag:$0x3], $0x90, s0, s19, $0xb8;
	[tilespmem:$0x17000] =	vst v63  }
0x100: {  	_ =	swait.ge [sflag:s22], $0x4800  }
0x101: {  	[sflag:s22] =	ssyncset.done $0x0  }
0x102: {  	[sflag:s22] =	ssyncadd.s32 $0xFFFFB800  }
0x103: {  	[spmem:s2] =	stream.indirect.scatter.add.f32 [tilespmem:s20], [sflag:$0x4], $0x90, s5, s19, $0xb8;
	[tilespmem:$0x17000] =	vst v63  }
0x104: {  	_ =	swait.ge [sflag:s24], $0x4800  }
0x105: {  	[sflag:s24] =	ssyncset.done $0x0  }
0x106: {  	[sflag:s24] =	ssyncadd.s32 $0xFFFFB800  }
0x107: {  	_ =	swait.ge [sflag:s25], $0x4800  }
0x108: {  	[sflag:s25] =	ssyncset.done $0x0  }
0x109: {  	[sflag:s25] =	ssyncadd.s32 $0xFFFFB800  }
0x10a: {  	[tilespmem:s16], [sflag:$0x1] =	stream.indirect.gather [hbm4b:s4+s19], $0x90, s6, s19, $0xb8;
	[tilespmem:$0x17000] =	vst v63  }
0x10b: {  	_ = 	snop  }
0x10c: {  	[tilespmem:s20], [sflag:$0x2] =	stream.indirect.gather [hbm4b:s4+s19], $0x90, s7, s19, $0xb8;
	[tilespmem:$0x17000] =	vst v63  }
0x10d: {  	_ =	swait.ge [sflag:s21], $0x4800  }
0x10e: {  	[sflag:s21] =	ssyncset.done $0x0  }
0x10f: {  	[sflag:s21] =	ssyncadd.s32 $0xFFFFB800  }
0x110: {  	[spmem:s2] =	stream.indirect.scatter.add.f32 [tilespmem:s16], [sflag:$0x3], $0x90, s8, s19, $0xb8;
	[tilespmem:$0x17000] =	vst v63  }
0x111: {  	_ =	swait.ge [sflag:s22], $0x4800  }
0x112: {  	[sflag:s22] =	ssyncset.done $0x0  }
0x113: {  	[sflag:s22] =	ssyncadd.s32 $0xFFFFB800  }
0x114: {  	[spmem:s2] =	stream.indirect.scatter.add.f32 [tilespmem:s20], [sflag:$0x4], $0x90, s9, s19, $0xb8;
	[tilespmem:$0x17000] =	vst v63  }
0x115: {  	_ =	swait.ge [sflag:s24], $0x4800  }
0x116: {  	[sflag:s24] =	ssyncset.done $0x0  }
0x117: {  	[sflag:s24] =	ssyncadd.s32 $0xFFFFB800  }
0x118: {  	_ =	swait.ge [sflag:s25], $0x4800  }
0x119: {  	[sflag:s25] =	ssyncset.done $0x0  }
0x11a: {  	[sflag:s25] =	ssyncadd.s32 $0xFFFFB800  }
0x11b: {  	[bflag:$0x0] =	sbarrier.arrive $0xFFFF  }
0x11c: {  	s13 =	rddreg [dreg:$0x7]  }
0x11d: {  	[tilespmem:s16], [sflag:$0x5] =	stream.linear.gather [spmem:s13], $0x4800, $0x38;
	[tilespmem:$0x17000] =	vst v63  }
0x11e: {  	_ =	swait.ge [sflag:s17], $0x4800  }
0x11f: {  	[sflag:s17] =	ssyncset.done $0x0  }
0x120: {  	s14 =	rddreg [dreg:$0xc];
	[sflag:s17] =	ssyncadd.s32 $0xFFFFB800  }
0x121: {  	[hbm4b:s14+s3] =	stream.linear.scatter [tilespmem:s16], [sflag:$0x5], $0x4800, $0x38;
	[tilespmem:$0x17000] =	vst v63  }
0x122: {  	_ =	swait.ge [sflag:s17], $0x4800  }
0x123: {  	[sflag:s17] =	ssyncset.done $0x0  }
0x124: {  	s15 =	rddreg [dreg:$0xd];
	[sflag:s17] =	ssyncadd.s32 $0xFFFFB800  }
0x125: {  	[tilespmem:s16], [sflag:$0x5] =	stream.linear.gather [spmem:s15], $0x4800, $0x38;
	[tilespmem:$0x17000] =	vst v63  }
0x126: {  	_ =	swait.ge [sflag:s17], $0x4800  }
0x127: {  	[sflag:s17] =	ssyncset.done $0x0  }
0x128: {  	s12 =	rddreg [dreg:$0xe];
	[sflag:s17] =	ssyncadd.s32 $0xFFFFB800  }
0x129: {  	[hbm4b:s12+s3] =	stream.linear.scatter [tilespmem:s16], [sflag:$0x5], $0x4800, $0x38;
	[tilespmem:$0x17000] =	vst v63  }
0x12a: {  	_ =	swait.ge [sflag:s17], $0x4800  }
0x12b: {  	[sflag:s17] =	ssyncset.done $0x0  }
0x12c: {  	s13 =	rddreg [dreg:$0xf];
	[sflag:s17] =	ssyncadd.s32 $0xFFFFB800  }
0x12d: {  	[tilespmem:s16], [sflag:$0x5] =	stream.linear.gather [spmem:s13], $0x4800, $0x38;
	[tilespmem:$0x17000] =	vst v63  }
0x12e: {  	_ =	swait.ge [sflag:s17], $0x4800  }
0x12f: {  	[sflag:s17] =	ssyncset.done $0x0  }
0x130: {  	s14 =	rddreg [dreg:$0x10];
	[sflag:s17] =	ssyncadd.s32 $0xFFFFB800  }
0x131: {  	[hbm4b:s14+s3] =	stream.linear.scatter [tilespmem:s16], [sflag:$0x5], $0x4800, $0x38;
	[tilespmem:$0x17000] =	vst v63  }
0x132: {  	_ =	swait.ge [sflag:s17], $0x4800  }
0x133: {  	s10 =	sadd.s32 $0x1, s10;
	s15 =	rddreg [dreg:$0x8]  }
0x134: {  	p0 =	sne.s32 s10, s15  }
.Ltmp1:
0x135: {  	_ = 	snop;
	(pc) =	sbr.rel @p0 .LBB2_1-.Ltmp1, $3  }
0x136: {  	_ =	sdelay $0x1  }
0x137: {  	[sflag:s17] =	ssyncset.done $0x0  }
0x138: {  	[sflag:s17] =	ssyncadd.s32 $0xFFFFB800  }
0x139: {  	_ =	sfence.sel $0x180000  }
0x13a: {  	[bflag:$0x0] =	sbarrier.arrive $0xFFFF  }
0x13b: {  	_ =	strace $0x9000004D  }
0x13c: {  	s0 =	stileid.u32;
	[bflag:$0x2] =	sbarrier.arrive $0xFFFF  }
0x13d: {  	p0 =	sne.s32 s0, $0x0;
	s0 =	rddreg [dreg:$0x3]  }
0x13e: {  	s0 =	sadd.s32 @!p0 $0x100000, s0  }
0x13f: {  	[sflag:s0] =	ssyncadd.tile.s32 @!p0 $0x1;
	_ =	shalt  }
.Lfunc_end2:
_tile_overlayer_lowered:
.L_overlay_start_2:
0x140: {  	(tag) =	ssettag $0x2  }
0x141: {  	s0 =	rddreg [dreg:$0x0];
	s2 =	stileid.u32  }
0x142: {  	s1 =	rddreg [dreg:$0x1];
	p0 =	sne.s32 s2, $0x0  }
0x143: {  	s3 =	rddreg [dreg:$0x2];
	[bflag:$0x3] =	sbarrier.arrive $0xFFFF;
	s2 =	simm.s32 @!p0 $0x1C05  }
0x144: {  	[timem:s3], [sflag:s2] =	dma.local @!p0 [hbm:s0], s1  }
0x145: {  	s0 =	simm.s32 @!p0 $0x5  }
0x146: {  	_ =	swait.ge @!p0 [sflag:s0], s1  }
0x147: {  	s1 =	ssub.s32 @!p0 $0x0, s1;
	[sflag:s0] =	ssyncset.done @!p0 $0x0  }
0x148: {  	[sflag:s0] =	ssyncadd.s32 @!p0 s1  }
0x149: {  	[bflag:$0x3] =	sbarrier.arrive $0xFFFF  }
0x14a: {  	_ =	shalt  }

// kernel: kernel.8.cloned.1.call-start
scs
__scs_entry_jumppad:
0x0: {  	(pc) =	sbr.rel $0x88, $3  }
0x1: {  	(tag) =	ssettag $0x0;
	lr =	simm.s32 $0x1  }
0x2: {  	[smem:$0x3F96] =	sst lr;
	_ =	strace $0xD0000000  }
0x3: {  	_ = 	snop  }
0x4: {  	_ = 	snop  }
0x5: {  	_ = 	snop  }
0x6: {  	_ = 	snop  }
0x7: {  	_ = 	snop  }
__scs_overlays_trampoline_lowered:
0x8: {  	[smem:$0x3FA5] =	sst s0  }
0x9: {  	[smem:$0x3FA6] =	sst s1  }
0xa: {  	[smem:$0x3FA7] =	sst s2  }
0xb: {  	[smem:$0x3FA8] =	sst s3  }
0xc: {  	[smem:$0x3FA9] =	sst s4  }
0xd: {  	[smem:$0x3FAA] =	sst s5  }
0xe: {  	[smem:$0x3FAB] =	sst s6  }
0xf: {  	[smem:$0x3FAC] =	sst s7  }
0x10: {  	[smem:$0x3FAD] =	sst s8  }
0x11: {  	[smem:$0x3FAE] =	sst s9;
	s0 =	simm.s32 @!p0 $0x0  }
0x12: {  	s1 =	sld [smem:$0x3F94];
	s0 =	simm.s32 @p0 $0x1  }
0x13: {  	[smem:$0x3FAF] =	sst s0;
	s0 =	simm.s32 @!p1 $0x0  }
0x14: {  	s2 =	sld [smem:$0x3F93];
	s0 =	simm.s32 @p1 $0x1  }
0x15: {  	[smem:$0x3FB0] =	sst s0;
	s0 =	simm.s32 @!p2 $0x0  }
0x16: {  	s3 =	sld [smem:$0x3FDB];
	s0 =	simm.s32 @p2 $0x1  }
0x17: {  	s4 =	simm.s32 $0x1BF5;
	[smem:$0x3FB2] =	sst s0  }
0x18: {  	s0 =	sld [smem:$0x3F95];
	_ =	swait.ge [sflag:s4], $0x0  }
0x19: {  	s7 =	sld [smem:$0x3F96]  }
0x1a: {  	s8 =	sadd.s32 $0xFFFFE003, lr  }
0x1b: {  	s9 =	sadd.s32 $0xFFFFFEF7, lr;
	s5 =	simm.s32 $0xFFFFFFFF;
	p2 =	slt.u32 s8, $0xFFFFF086  }
0x1c: {  	p1 =	slt.u32 s9, $0xF7A;
	s5 =	simm.s32 @!p2 $0x0  }
0x1d: {  	s5 =	simm.s32 @p1 $0x1;
	p0 =	seq.s32 s7, s2  }
0x1e: {  	s7 =	smul.u32 @!p0 $0xF7A, s2;
	p2 =	seq.s32 @!p0 s5, $0x0  }
0x1f: {  	s9 =	smul.u32 $0xF7A, s1;
	s8 =	simm.s32 @!p0 $0x1BF5;
	p2 =	por !p2, p0  }
0x20: {  	[sflag:s8] =	ssyncset.s32 @!p0 $0xFFFFF086;
	s6 =	sadd.s32 @!p0 s3, s7;
	s7 =	simm.s32 @!p0 $0x108  }
0x21: {  	s3 =	sadd.s32 s3, s9;
	s6 =	sadd.s32 @!p0 $0x88, s6;
	s7 =	simm.s32 @p2 $0x1082  }
0x22: {  	[simem:s7], [sflag:s8] =	dma.local @!p0 [hbm:s6], $0xF7A  }
0x23: {  	s9 =	sor.u32 $0xD0000000, s2;
	s6 =	simm.s32 $0x108;
	_ =	swait.ge @!p0 [sflag:s8], $0x0  }
0x24: {  	s3 =	sadd.s32 $0x88, s3;
	s6 =	simm.s32 @!p1 $0x1082;
	[sflag:s4] =	ssyncset.s32 $0xFFFFF086  }
0x25: {  	[simem:s6], [sflag:s4] =	dma.local [hbm:s3], $0xF7A  }
0x26: {  	[smem:$0x3F96] =	sst s1;
	(tag) =	ssettag s2;
	_ =	strace s9  }
0x27: {  	s1 =	sld [smem:$0x3FA6]  }
0x28: {  	s2 =	sld [smem:$0x3FA7]  }
0x29: {  	s4 =	sld [smem:$0x3FA9]  }
0x2a: {  	p0 =	seq.s32 s5, $0x0;
	s5 =	sld [smem:$0x3FAA]  }
0x2b: {  	s6 =	sld [smem:$0x3FAB]  }
0x2c: {  	s7 =	sld [smem:$0x3FAC]  }
0x2d: {  	s3 =	simm.s32 $0x108;
	s8 =	sld [smem:$0x3FAD]  }
0x2e: {  	s3 =	simm.s32 @!p0 $0x1082;
	s9 =	sld [smem:$0x3FAE]  }
0x2f: {  	lr =	sadd.s32 s0, s3;
	s0 =	sld [smem:$0x3FA5]  }
0x30: {  	s3 =	sld [smem:$0x3FA8]  }
0x31: {  	[smem:$0x3FB1] =	sst s10  }
0x32: {  	s10 =	sld [smem:$0x3FAF];
	_ =	sdelay $0x3  }
0x33: {  	p0 =	seq.s32 s10, $0x1;
	s10 =	sld [smem:$0x3FB1];
	_ =	sdelay $0x3  }
0x34: {  	[smem:$0x3FB1] =	sst s10  }
0x35: {  	s10 =	sld [smem:$0x3FB0];
	_ =	sdelay $0x3  }
0x36: {  	p1 =	seq.s32 s10, $0x1;
	s10 =	sld [smem:$0x3FB1];
	_ =	sdelay $0x3  }
0x37: {  	[smem:$0x3FB1] =	sst s10  }
0x38: {  	s10 =	sld [smem:$0x3FB2]  }
0x39: {  	_ = 	snop;
	(pc) =	sbr.ind lr, $3  }
0x3a: {  	_ = 	snop  }
0x3b: {  	_ = 	snop  }
0x3c: {  	p2 =	seq.s32 s10, $0x1;
	s10 =	sld [smem:$0x3FB1]  }
0x3d: {  	_ =	shalt  }
0x3e: {  	_ =	shalt  }
0x3f: {  	_ =	shalt  }
0x40: {  	_ =	shalt  }
0x41: {  	_ =	shalt  }
0x42: {  	_ =	shalt  }
0x43: {  	_ =	shalt  }
0x44: {  	_ =	shalt  }
0x45: {  	_ =	shalt  }
0x46: {  	_ =	shalt  }
0x47: {  	_ =	shalt  }
0x48: {  	_ =	shalt  }
0x49: {  	_ =	shalt  }
0x4a: {  	_ =	shalt  }
0x4b: {  	_ =	shalt  }
0x4c: {  	_ =	shalt  }
0x4d: {  	_ =	shalt  }
0x4e: {  	_ =	shalt  }
0x4f: {  	_ =	shalt  }
0x50: {  	_ =	shalt  }
0x51: {  	_ =	shalt  }
0x52: {  	_ =	shalt  }
0x53: {  	_ =	shalt  }
0x54: {  	_ =	shalt  }
0x55: {  	_ =	shalt  }
0x56: {  	_ =	shalt  }
0x57: {  	_ =	shalt  }
0x58: {  	_ =	shalt  }
0x59: {  	_ =	shalt  }
0x5a: {  	_ =	shalt  }
0x5b: {  	_ =	shalt  }
0x5c: {  	_ =	shalt  }
0x5d: {  	_ =	shalt  }
0x5e: {  	_ =	shalt  }
0x5f: {  	_ =	shalt  }
0x60: {  	_ =	shalt  }
0x61: {  	_ =	shalt  }
0x62: {  	_ =	shalt  }
0x63: {  	_ =	shalt  }
0x64: {  	_ =	shalt  }
0x65: {  	_ =	shalt  }
0x66: {  	_ =	shalt  }
0x67: {  	_ =	shalt  }
0x68: {  	_ =	shalt  }
0x69: {  	_ =	shalt  }
0x6a: {  	_ =	shalt  }
0x6b: {  	_ =	shalt  }
0x6c: {  	_ =	shalt  }
0x6d: {  	_ =	shalt  }
0x6e: {  	_ =	shalt  }
0x6f: {  	_ =	shalt  }
0x70: {  	_ =	shalt  }
0x71: {  	_ =	shalt  }
0x72: {  	_ =	shalt  }
0x73: {  	_ =	shalt  }
0x74: {  	_ =	shalt  }
0x75: {  	_ =	shalt  }
0x76: {  	_ =	shalt  }
0x77: {  	_ =	shalt  }
0x78: {  	_ =	shalt  }
0x79: {  	_ =	shalt  }
0x7a: {  	_ =	shalt  }
0x7b: {  	_ =	shalt  }
0x7c: {  	_ =	shalt  }
0x7d: {  	_ =	shalt  }
0x7e: {  	_ =	shalt  }
0x7f: {  	_ =	shalt  }
0x80: {  	_ =	shalt  }
0x81: {  	_ =	shalt  }
0x82: {  	_ =	shalt  }
0x83: {  	_ =	shalt  }
0x84: {  	_ =	shalt  }
0x85: {  	_ =	shalt  }
0x86: {  	_ =	shalt  }
0x87: {  	_ =	shalt  }
.Lfunc_end0:
.L_simem_size_0:
called_computation_lowered:
.L_overlay_start_0:
0x88: {  	s2 =	sld [smem:$0x3FD9]  }
0x89: {  	s3 =	sld [smem:$0x3FFE];
	_ =	sdelay $0x1  }
0x8a: {  	s1 =	srdreg.scid  }
0x8b: {  	s0 =	sand.u32 $0x1, s1  }
0x8c: {  	s17 =	sshll.u32 s0, $0xA;
	s2 =	sadd.s32 s3, s2  }
0x8d: {  	s2 =	sadd.s32 s2, s17  }
0x8e: {  	[smem:$0x3FBD] =	sst s2  }
0x8f: {  	_ = 	snop  }
0x90: {  	s2 =	sld [smem:$0x3FD0];
	(tm) =	ssettm $0x1  }
0x91: {  	s18 =	sld [smem:$0x3FFB];
	_ =	sdelay $0x3  }
0x92: {  	_ =	strace s18  }
0x93: {  	s3 =	sld [smem:$0x3FFC];
	_ =	sdelay $0x3  }
0x94: {  	_ =	strace s3  }
0x95: {  	s3 =	sld [smem:$0x3FFD];
	_ =	sdelay $0x3  }
0x96: {  	_ =	strace s3  }
0x97: {  	_ =	strace $0x8FFFFFFF  }
0x98: {  	s19 =	sld [smem:$0x3FDB];
	_ =	sdelay $0x1  }
0x99: {  	s4 =	simm.s32 $_scs_section_size  }
0x9a: {  	s5 =	simm.s32 $_size__tile_overlayer_lowered;
	s6 =	simm.s32 $_tile_overlayer_lowered  }
0x9b: {  	s22 =	simm.s32 $0x1BFF;
	s21 =	sshll.u32 s6, $0x1;
	s3 =	sadd.s32 s4, s19  }
0x9c: {  	s7 =	simm.s32 $0x0;
	s20 =	sshll.u32 s5, $0x1;
	s5 =	sadd.s32 s21, s3  }
0x9d: {  	[timem:s7], [sflag:s22] =	dma.local [hbm:s5], s20  }
0x9e: {  	_ =	swait.ge [sflag:s22], s20  }
0x9f: {  	s4 =	ssub.s32 $0x0, s20;
	[sflag:s22] =	ssyncset.done $0x0  }
0xa0: {  	[sflag:s22] =	ssyncadd.s32 s4;
	_ =	sdelay $0x1  }
0xa1: {  	s23 =	simm.s32 $0x1B8B  }
0xa2: {  	_ =	swait.ge [sflag:s23], $0x1  }
0xa3: {  	[sflag:s23] =	ssyncset.done $0x0  }
0xa4: {  	s25 =	simm.s32 $0x1B8E;
	s24 =	sld [smem:$0x3FFE];
	[sflag:s23] =	ssyncadd.s32 $0xFFFFFFFF  }
0xa5: {  	s26 =	simm.s32 $execute0_lowered;
	[smem:$0x3FD2] =	sst s25  }
0xa6: {  	s5 =	sshll.u32 s26, $0x1;
	_ =	strace $0x80000046;
	[dreg:$0x1] =	wrdreg $0xFFFFFFFF  }
0xa7: {  	s28 =	simm.s32 $_size_execute0_lowered;
	s3 =	sadd.s32 s3, s5;
	[dreg:$0x0] =	wrdreg $0x0  }
0xa8: {  	s5 =	sshll.u32 s28, $0x1;
	[dreg:$0x2] =	wrdreg s3  }
0xa9: {  	[dreg:$0x3] =	wrdreg s5  }
0xaa: {  	[dreg:$0x4] =	wrdreg $0xC0  }
0xab: {  	_ =	task [dreg:s7], $0x5FFFF  }
0xac: {  	[dreg:$0x1] =	wrdreg $0xFFFFFFFF  }
0xad: {  	[dreg:$0x0] =	wrdreg $0x60  }
0xae: {  	[dreg:$0x2] =	wrdreg s24  }
0xaf: {  	[dreg:$0x3] =	wrdreg s2  }
0xb0: {  	[dreg:$0x4] =	wrdreg $0x98000  }
0xb1: {  	[dreg:$0x5] =	wrdreg $0x9  }
0xb2: {  	_ =	task.clear_ibuf [dreg:s7], $0x6FFFF;
	_ =	strace $0x90000046  }
0xb3: {  	s29 =	simm.s32 $0x9;
	_ =	strace $0x80000048  }
0xb4: {  	_ =	swait.ge [sflag:s29], $0x1  }
0xb5: {  	[sflag:s29] =	ssyncadd.s32 $0xFFFFFFFF  }
0xb6: {  	_ =	strace $0x90000048  }
0xb7: {  	_ =	sfence  }
0xb8: {  	s30 =	sld [smem:$0x0];
	_ =	sdelay $0x2  }
0xb9: {  	s31 =	sshll.u32 s1, $0xD;
	s1 =	sshrl.u32 s1, $0x2  }
0xba: {  	s3 =	sand.u32 $0x4000, s31;
	s1 =	sadd.s32 s1, s30  }
0xbb: {  	s0 =	sor.u32 s3, s0;
	s1 =	sshll.u32 s1, $0x11  }
0xbc: {  	s0 =	sor.u32 s1, s0  }
0xbd: {  	s0 =	sadd.s32 $0x8F2B, s0  }
0xbe: {  	[sflag:s0] =	ssyncadd.remote.s32 $0x1  }
0xbf: {  	_ =	sfence.sel $0xFFFF  }
0xc0: {  	[dreg:$0x0] =	wrdreg $0xFFFFFFFF;
	(pc) =	sbr.abs _section_cstart, $3  }
0xc1: {  	[dreg:$0x1] =	wrdreg $0xFFFFFFFF  }
0xc2: {  	_ =	task.clear_ibuf [dreg:s7], $0x2FFFF;
	_ =	strace $0x9FFFFFFF  }
0xc3: {  	(tm) =	ssettm $0x7FFFFFFF  }
tec
execute0_lowered:
.L_overlay_start_1:
0x0: {  	(tag) =	ssettag $0x1  }
0x1: {  	s0 =	rddreg [dreg:$0x0];
	s1 =	srdreg.scid  }
0x2: {  	s13 =	stileid.u32;
	s5 =	rddreg [dreg:$0x1]  }
0x3: {  	s2 =	rddreg [dreg:$0x2];
	s4 =	smul.u32 $0x5000, s13  }
0x4: {  	s3 =	simm.s32 $0x0;
	s28 =	simm.s32 $0x180;
	s7 =	smul.u32 $0x3, s13  }
0x5: {  	s29 =	simm.s32 $0x500;
	s30 =	simm.s32 $0x580;
	s9 =	smul.u32 $0xD800, s13  }
0x6: {  	s31 =	simm.s32 $0x200;
	s1 =	sand.u32 $0x1, s1;
	s11 =	smul.u32 $0x36000, s13  }
0x7: {  	[smem:$0x7FF] =	sst s3;
	s8 =	sadd.s32 $0x43000, s0;
	s6 =	smul.u32 $0x50000, s1  }
0x8: {  	_ =	strace $0x80000047;
	[dreg:$0x6] =	wrdreg s8;
	s25 =	ssub.s32 $0x2, s1  }
0x9: {  	s1 =	smul.u32 $0xD8000, s1;
	s10 =	sshrl.u32 s25, $0x1;
	s7 =	sadd.s32 $0x1, s7  }
0xa: {  	s12 =	sadd.s32 s9, s2;
	s14 =	sshrl.u32 s11, $0x2;
	s17 =	sadd.s32 $0x24000, s11  }
0xb: {  	s24 =	sadd.s32 $0x9000, s9;
	s4 =	sadd.s32 s4, s6;
	s8 =	ssub.s32 s25, s10  }
0xc: {  	s26 =	smul.u32 $0x12000, s7;
	[dreg:$0x7] =	wrdreg s12;
	s15 =	sadd.s32 s14, s2  }
0xd: {  	s18 =	sadd.s32 s1, s9;
	s7 =	smul.u32 $0x4800, s7;
	s19 =	sshrl.u32 s17, $0x2  }
0xe: {  	s25 =	smul.u32 $0xA00, s13;
	s17 =	simm.s32 $0x5;
	s9 =	simm.s32 $0x780  }
0xf: {  	s10 =	simm.s32 $0x0;
	s6 =	sshrl.u32 s4, $0x3;
	s4 =	sadd.s32 $0x2000, s0  }
0x10: {  	s8 =	smax.u32 s8, $0x1;
	[dreg:$0x9] =	wrdreg s15;
	s20 =	sshrl.u32 s18, $0x3  }
0x11: {  	s18 =	simm.s32 $0x400;
	s6 =	sadd.s32 s6, s0;
	s0 =	sadd.s32 $0x43A00, s0  }
0x12: {  	[dreg:$0x8] =	wrdreg s8;
	s16 =	sshrl.u32 s26, $0x2;
	s22 =	sadd.s32 s1, s7  }
0x13: {  	s7 =	sadd.s32 s7, s2;
	s1 =	sadd.s32 s1, s24;
	s26 =	sadd.s32 s25, s5  }
0x14: {  	s25 =	simm.s32 $0x4;
	s5 =	simm.s32 $0x680;
	s8 =	sadd.s32 s16, s2  }
0x15: {  	s21 =	sadd.s32 s0, s20;
	[dreg:$0xd] =	wrdreg s7;
	s23 =	sshrl.u32 s22, $0x3  }
0x16: {  	s1 =	sshrl.u32 s1, $0x3;
	s6 =	sadd.s32 $0x2F000, s6;
	[dreg:$0x5] =	wrdreg s26  }
0x17: {  	s16 =	simm.s32 $0x800;
	s20 =	simm.s32 $0x5000;
	s22 =	simm.s32 $0x2  }
0x18: {  	s26 =	simm.s32 $0x100;
	[dreg:$0xa] =	wrdreg s8;
	s8 =	sadd.s32 s19, s2  }
0x19: {  	[dreg:$0xc] =	wrdreg s21;
	s7 =	sadd.s32 s0, s23;
	s0 =	sadd.s32 s0, s1  }
0x1a: {  	[dreg:$0x4] =	wrdreg s6;
	s19 =	simm.s32 $0x80;
	s21 =	simm.s32 $0x1  }
0x1b: {  	s23 =	simm.s32 $0x480;
	s1 =	simm.s32 $0x280;
	[dreg:$0xb] =	wrdreg s8  }
0x1c: {  	s6 =	simm.s32 $0x300;
	[dreg:$0xe] =	wrdreg s7;
	s8 =	sadd.s32 s24, s2  }
0x1d: {  	[dreg:$0x10] =	wrdreg s0;
	s24 =	simm.s32 $0x3;
	s0 =	simm.s32 $0x600  }
0x1e: {  	s7 =	simm.s32 $0x380;
	[dreg:$0xf] =	wrdreg s8;
	s8 =	simm.s32 $0x700  }
.LBB2_1:
0x1f: {  	s11 =	rddreg [dreg:$0x6]  }
0x20: {  	[tilespmem:s16], [sflag:$0x5] =	stream.linear.gather [hbm4b:s11+s3], $0x4800, $0x38;
	[tilespmem:$0x17000] =	vst v63  }
0x21: {  	_ =	swait.ge [sflag:s17], $0x4800  }
0x22: {  	[sflag:s17] =	ssyncset.done $0x0  }
0x23: {  	s15 =	rddreg [dreg:$0x9];
	[sflag:s17] =	ssyncadd.s32 $0xFFFFB800  }
0x24: {  	[spmem:s15] =	stream.linear.scatter [tilespmem:s16], [sflag:$0x5], $0x4800, $0x38;
	[tilespmem:$0x17000] =	vst v63  }
0x25: {  	_ =	swait.ge [sflag:s17], $0x4800  }
0x26: {  	[sflag:s17] =	ssyncset.done $0x0  }
0x27: {  	s12 =	rddreg [dreg:$0xa];
	[sflag:s17] =	ssyncadd.s32 $0xFFFFB800  }
0x28: {  	[spmem:s12] =	stream.linear.scatter [tilespmem:s16], [sflag:$0x5], $0x4800, $0x38;
	[tilespmem:$0x17000] =	vst v63  }
0x29: {  	_ =	swait.ge [sflag:s17], $0x4800  }
0x2a: {  	[sflag:s17] =	ssyncset.done $0x0  }
0x2b: {  	s13 =	rddreg [dreg:$0xb];
	[sflag:s17] =	ssyncadd.s32 $0xFFFFB800  }
0x2c: {  	[spmem:s13] =	stream.linear.scatter [tilespmem:s16], [sflag:$0x5], $0x4800, $0x38;
	[tilespmem:$0x17000] =	vst v63  }
0x2d: {  	_ =	swait.ge [sflag:s17], $0x4800  }
0x2e: {  	[sflag:s17] =	ssyncset.done $0x0  }
0x2f: {  	p0 =	por $0x1, $0x1;
	[sflag:s17] =	ssyncadd.s32 $0xFFFFB800  }
0x30: {  	s11 =	simm.s32 @!p0 $0x3;
	[bflag:$0x0] =	sbarrier.arrive $0xFFFF  }
0x31: {  	_ =	swait.ge @!p0 [sflag:s11], $0x4800  }
0x32: {  	[sflag:s11] =	ssyncset.done @!p0 $0x0  }
0x33: {  	[sflag:s11] =	ssyncadd.s32 @!p0 $0xFFFFB800;
	s11 =	simm.s32 @!p0 $0x4  }
0x34: {  	_ =	swait.ge @!p0 [sflag:s11], $0x4800  }
0x35: {  	s12 =	rddreg [dreg:$0x5];
	[sflag:s11] =	ssyncset.done @!p0 $0x0  }
0x36: {  	[sflag:s11] =	ssyncadd.s32 @!p0 $0xFFFFB800;
	s14 =	sadd.s32 $0x0, s12  }
0x37: {  	[tilespmem:s3], [sflag:$0x5] =	stream.linear.gather [hbm4b:s14+s3], $0x400, $0x38;
	[tilespmem:$0x17000] =	vst v63  }
0x38: {  	_ =	swait.ge [sflag:s17], $0x400  }
0x39: {  	s15 =	rddreg [dreg:$0x4];
	[sflag:s17] =	ssyncset.done $0x0  }
0x3a: {  	[sflag:s17] =	ssyncadd.s32 $0xFFFFFC00;
	s11 =	sadd.s32 $0x0, s15  }
0x3b: {  	[tilespmem:s18], [sflag:$0x5] =	stream.linear.gather [hbm4b:s11+s3], $0x400, $0x38;
	[tilespmem:$0x17000] =	vst v63  }
0x3c: {  	_ =	swait.ge [sflag:s17], $0x400  }
0x3d: {  	[sflag:s17] =	ssyncset.done $0x0  }
0x3e: {  	[sflag:s17] =	ssyncadd.s32 $0xFFFFFC00  }
0x3f: {  	[tilespmem:s16], [sflag:$0x1] =	stream.indirect.gather [hbm4b:s4+s19], $0x90, s3, s19, $0xb8;
	[tilespmem:$0x17000] =	vst v63  }
0x40: {  	_ = 	snop  }
0x41: {  	[tilespmem:s20], [sflag:$0x2] =	stream.indirect.gather [hbm4b:s4+s19], $0x90, s19, s19, $0xb8;
	[tilespmem:$0x17000] =	vst v63  }
0x42: {  	_ =	swait.ge [sflag:s21], $0x4800  }
0x43: {  	[sflag:s21] =	ssyncset.done $0x0  }
0x44: {  	[sflag:s21] =	ssyncadd.s32 $0xFFFFB800  }
0x45: {  	[spmem:s2] =	stream.indirect.scatter.add.f32 [tilespmem:s16], [sflag:$0x3], $0x90, s18, s19, $0xb8;
	[tilespmem:$0x17000] =	vst v63  }
0x46: {  	_ =	swait.ge [sflag:s22], $0x4800  }
0x47: {  	[sflag:s22] =	ssyncset.done $0x0  }
0x48: {  	[sflag:s22] =	ssyncadd.s32 $0xFFFFB800  }
0x49: {  	[spmem:s2] =	stream.indirect.scatter.add.f32 [tilespmem:s20], [sflag:$0x4], $0x90, s23, s19, $0xb8;
	[tilespmem:$0x17000] =	vst v63  }
0x4a: {  	_ =	swait.ge [sflag:s24], $0x4800  }
0x4b: {  	[sflag:s24] =	ssyncset.done $0x0  }
0x4c: {  	[sflag:s24] =	ssyncadd.s32 $0xFFFFB800  }
0x4d: {  	_ =	swait.ge [sflag:s25], $0x4800  }
0x4e: {  	[sflag:s25] =	ssyncset.done $0x0  }
0x4f: {  	[sflag:s25] =	ssyncadd.s32 $0xFFFFB800  }
0x50: {  	[tilespmem:s16], [sflag:$0x1] =	stream.indirect.gather [hbm4b:s4+s19], $0x90, s26, s19, $0xb8;
	[tilespmem:$0x17000] =	vst v63  }
0x51: {  	_ = 	snop  }
0x52: {  	[tilespmem:s20], [sflag:$0x2] =	stream.indirect.gather [hbm4b:s4+s19], $0x90, s28, s19, $0xb8;
	[tilespmem:$0x17000] =	vst v63  }
0x53: {  	_ =	swait.ge [sflag:s21], $0x4800  }
0x54: {  	[sflag:s21] =	ssyncset.done $0x0  }
0x55: {  	[sflag:s21] =	ssyncadd.s32 $0xFFFFB800  }
0x56: {  	[spmem:s2] =	stream.indirect.scatter.add.f32 [tilespmem:s16], [sflag:$0x3], $0x90, s29, s19, $0xb8;
	[tilespmem:$0x17000] =	vst v63  }
0x57: {  	_ =	swait.ge [sflag:s22], $0x4800  }
0x58: {  	[sflag:s22] =	ssyncset.done $0x0  }
0x59: {  	[sflag:s22] =	ssyncadd.s32 $0xFFFFB800  }
0x5a: {  	[spmem:s2] =	stream.indirect.scatter.add.f32 [tilespmem:s20], [sflag:$0x4], $0x90, s30, s19, $0xb8;
	[tilespmem:$0x17000] =	vst v63  }
0x5b: {  	_ =	swait.ge [sflag:s24], $0x4800  }
0x5c: {  	[sflag:s24] =	ssyncset.done $0x0  }
0x5d: {  	[sflag:s24] =	ssyncadd.s32 $0xFFFFB800  }
0x5e: {  	_ =	swait.ge [sflag:s25], $0x4800  }
0x5f: {  	[sflag:s25] =	ssyncset.done $0x0  }
0x60: {  	[sflag:s25] =	ssyncadd.s32 $0xFFFFB800  }
0x61: {  	[tilespmem:s16], [sflag:$0x1] =	stream.indirect.gather [hbm4b:s4+s19], $0x90, s31, s19, $0xb8;
	[tilespmem:$0x17000] =	vst v63  }
0x62: {  	_ = 	snop  }
0x63: {  	[tilespmem:s20], [sflag:$0x2] =	stream.indirect.gather [hbm4b:s4+s19], $0x90, s1, s19, $0xb8;
	[tilespmem:$0x17000] =	vst v63  }
0x64: {  	_ =	swait.ge [sflag:s21], $0x4800  }
0x65: {  	[sflag:s21] =	ssyncset.done $0x0  }
0x66: {  	[sflag:s21] =	ssyncadd.s32 $0xFFFFB800  }
0x67: {  	[spmem:s2] =	stream.indirect.scatter.add.f32 [tilespmem:s16], [sflag:$0x3], $0x90, s0, s19, $0xb8;
	[tilespmem:$0x17000] =	vst v63  }
0x68: {  	_ =	swait.ge [sflag:s22], $0x4800  }
0x69: {  	[sflag:s22] =	ssyncset.done $0x0  }
0x6a: {  	[sflag:s22] =	ssyncadd.s32 $0xFFFFB800  }
0x6b: {  	[spmem:s2] =	stream.indirect.scatter.add.f32 [tilespmem:s20], [sflag:$0x4], $0x90, s5, s19, $0xb8;
	[tilespmem:$0x17000] =	vst v63  }
0x6c: {  	_ =	swait.ge [sflag:s24], $0x4800  }
0x6d: {  	[sflag:s24] =	ssyncset.done $0x0  }
0x6e: {  	[sflag:s24] =	ssyncadd.s32 $0xFFFFB800  }
0x6f: {  	_ =	swait.ge [sflag:s25], $0x4800  }
0x70: {  	[sflag:s25] =	ssyncset.done $0x0  }
0x71: {  	[sflag:s25] =	ssyncadd.s32 $0xFFFFB800  }
0x72: {  	[tilespmem:s16], [sflag:$0x1] =	stream.indirect.gather [hbm4b:s4+s19], $0x90, s6, s19, $0xb8;
	[tilespmem:$0x17000] =	vst v63  }
0x73: {  	_ = 	snop  }
0x74: {  	[tilespmem:s20], [sflag:$0x2] =	stream.indirect.gather [hbm4b:s4+s19], $0x90, s7, s19, $0xb8;
	[tilespmem:$0x17000] =	vst v63  }
0x75: {  	_ =	swait.ge [sflag:s21], $0x4800  }
0x76: {  	[sflag:s21] =	ssyncset.done $0x0  }
0x77: {  	[sflag:s21] =	ssyncadd.s32 $0xFFFFB800  }
0x78: {  	[spmem:s2] =	stream.indirect.scatter.add.f32 [tilespmem:s16], [sflag:$0x3], $0x90, s8, s19, $0xb8;
	[tilespmem:$0x17000] =	vst v63  }
0x79: {  	p1 =	por $0x0, $0x0;
	_ =	swait.ge [sflag:s22], $0x4800  }
0x7a: {  	s12 =	simm.s32 $0x100;
	s11 =	simm.s32 $0x80;
	[sflag:s22] =	ssyncset.done $0x0  }
.LBB2_2:
0x7b: {  	s13 =	simm.s32 @!p1 $0x3;
	[sflag:s22] =	ssyncadd.s32 $0xFFFFB800  }
0x7c: {  	[spmem:s2] =	stream.indirect.scatter.add.f32 [tilespmem:s20], [sflag:$0x4], $0x90, s9, s19, $0xb8;
	[tilespmem:$0x17000] =	vst v63  }
0x7d: {  	_ =	swait.ge @!p1 [sflag:s13], $0x4800  }
0x7e: {  	[sflag:s13] =	ssyncset.done @!p1 $0x0  }
0x7f: {  	[sflag:s13] =	ssyncadd.s32 @!p1 $0xFFFFB800;
	s13 =	simm.s32 @!p1 $0x4  }
0x80: {  	_ =	swait.ge @!p1 [sflag:s13], $0x4800  }
0x81: {  	[sflag:s13] =	ssyncset.done @!p1 $0x0;
	s15 =	rddreg [dreg:$0x5]  }
0x82: {  	[sflag:s13] =	ssyncadd.s32 @!p1 $0xFFFFB800;
	s15 =	sadd.s32 s11, s15  }
0x83: {  	[tilespmem:s3], [sflag:$0x5] =	stream.linear.gather [hbm4b:s15+s3], $0x400, $0x38;
	[tilespmem:$0x17000] =	vst v63  }
0x84: {  	_ =	swait.ge [sflag:s17], $0x400  }
0x85: {  	s15 =	rddreg [dreg:$0x4];
	[sflag:s17] =	ssyncset.done $0x0  }
0x86: {  	[sflag:s17] =	ssyncadd.s32 $0xFFFFFC00;
	s13 =	sadd.s32 s11, s15  }
0x87: {  	[tilespmem:s18], [sflag:$0x5] =	stream.linear.gather [hbm4b:s13+s3], $0x400, $0x38;
	[tilespmem:$0x17000] =	vst v63  }
0x88: {  	_ =	swait.ge [sflag:s17], $0x400  }
0x89: {  	[sflag:s17] =	ssyncset.done $0x0  }
0x8a: {  	[sflag:s17] =	ssyncadd.s32 $0xFFFFFC00  }
0x8b: {  	[tilespmem:s16], [sflag:$0x1] =	stream.indirect.gather [hbm4b:s4+s19], $0x90, s3, s19, $0xb8;
	[tilespmem:$0x17000] =	vst v63  }
0x8c: {  	_ = 	snop  }
0x8d: {  	[tilespmem:s20], [sflag:$0x2] =	stream.indirect.gather [hbm4b:s4+s19], $0x90, s19, s19, $0xb8;
	[tilespmem:$0x17000] =	vst v63  }
0x8e: {  	_ =	swait.ge [sflag:s21], $0x4800  }
0x8f: {  	[sflag:s21] =	ssyncset.done $0x0  }
0x90: {  	[sflag:s21] =	ssyncadd.s32 $0xFFFFB800  }
0x91: {  	[spmem:s2] =	stream.indirect.scatter.add.f32 [tilespmem:s16], [sflag:$0x3], $0x90, s18, s19, $0xb8;
	[tilespmem:$0x17000] =	vst v63  }
0x92: {  	_ =	swait.ge [sflag:s22], $0x4800  }
0x93: {  	[sflag:s22] =	ssyncset.done $0x0  }
0x94: {  	[sflag:s22] =	ssyncadd.s32 $0xFFFFB800  }
0x95: {  	[spmem:s2] =	stream.indirect.scatter.add.f32 [tilespmem:s20], [sflag:$0x4], $0x90, s23, s19, $0xb8;
	[tilespmem:$0x17000] =	vst v63  }
0x96: {  	_ =	swait.ge [sflag:s24], $0x4800  }
0x97: {  	[sflag:s24] =	ssyncset.done $0x0  }
0x98: {  	[sflag:s24] =	ssyncadd.s32 $0xFFFFB800  }
0x99: {  	_ =	swait.ge [sflag:s25], $0x4800  }
0x9a: {  	[sflag:s25] =	ssyncset.done $0x0  }
0x9b: {  	[sflag:s25] =	ssyncadd.s32 $0xFFFFB800  }
0x9c: {  	[tilespmem:s16], [sflag:$0x1] =	stream.indirect.gather [hbm4b:s4+s19], $0x90, s26, s19, $0xb8;
	[tilespmem:$0x17000] =	vst v63  }
0x9d: {  	_ = 	snop  }
0x9e: {  	[tilespmem:s20], [sflag:$0x2] =	stream.indirect.gather [hbm4b:s4+s19], $0x90, s28, s19, $0xb8;
	[tilespmem:$0x17000] =	vst v63  }
0x9f: {  	_ =	swait.ge [sflag:s21], $0x4800  }
0xa0: {  	[sflag:s21] =	ssyncset.done $0x0  }
0xa1: {  	[sflag:s21] =	ssyncadd.s32 $0xFFFFB800  }
0xa2: {  	[spmem:s2] =	stream.indirect.scatter.add.f32 [tilespmem:s16], [sflag:$0x3], $0x90, s29, s19, $0xb8;
	[tilespmem:$0x17000] =	vst v63  }
0xa3: {  	_ =	swait.ge [sflag:s22], $0x4800  }
0xa4: {  	[sflag:s22] =	ssyncset.done $0x0  }
0xa5: {  	[sflag:s22] =	ssyncadd.s32 $0xFFFFB800  }
0xa6: {  	[spmem:s2] =	stream.indirect.scatter.add.f32 [tilespmem:s20], [sflag:$0x4], $0x90, s30, s19, $0xb8;
	[tilespmem:$0x17000] =	vst v63  }
0xa7: {  	_ =	swait.ge [sflag:s24], $0x4800  }
0xa8: {  	[sflag:s24] =	ssyncset.done $0x0  }
0xa9: {  	[sflag:s24] =	ssyncadd.s32 $0xFFFFB800  }
0xaa: {  	_ =	swait.ge [sflag:s25], $0x4800  }
0xab: {  	[sflag:s25] =	ssyncset.done $0x0  }
0xac: {  	[sflag:s25] =	ssyncadd.s32 $0xFFFFB800  }
0xad: {  	[tilespmem:s16], [sflag:$0x1] =	stream.indirect.gather [hbm4b:s4+s19], $0x90, s31, s19, $0xb8;
	[tilespmem:$0x17000] =	vst v63  }
0xae: {  	_ = 	snop  }
0xaf: {  	[tilespmem:s20], [sflag:$0x2] =	stream.indirect.gather [hbm4b:s4+s19], $0x90, s1, s19, $0xb8;
	[tilespmem:$0x17000] =	vst v63  }
0xb0: {  	_ =	swait.ge [sflag:s21], $0x4800  }
0xb1: {  	[sflag:s21] =	ssyncset.done $0x0  }
0xb2: {  	[sflag:s21] =	ssyncadd.s32 $0xFFFFB800  }
0xb3: {  	[spmem:s2] =	stream.indirect.scatter.add.f32 [tilespmem:s16], [sflag:$0x3], $0x90, s0, s19, $0xb8;
	[tilespmem:$0x17000] =	vst v63  }
0xb4: {  	_ =	swait.ge [sflag:s22], $0x4800  }
0xb5: {  	[sflag:s22] =	ssyncset.done $0x0  }
0xb6: {  	[sflag:s22] =	ssyncadd.s32 $0xFFFFB800  }
0xb7: {  	[spmem:s2] =	stream.indirect.scatter.add.f32 [tilespmem:s20], [sflag:$0x4], $0x90, s5, s19, $0xb8;
	[tilespmem:$0x17000] =	vst v63  }
0xb8: {  	_ =	swait.ge [sflag:s24], $0x4800  }
0xb9: {  	[sflag:s24] =	ssyncset.done $0x0  }
0xba: {  	[sflag:s24] =	ssyncadd.s32 $0xFFFFB800  }
0xbb: {  	_ =	swait.ge [sflag:s25], $0x4800  }
0xbc: {  	[sflag:s25] =	ssyncset.done $0x0  }
0xbd: {  	[sflag:s25] =	ssyncadd.s32 $0xFFFFB800  }
0xbe: {  	[tilespmem:s16], [sflag:$0x1] =	stream.indirect.gather [hbm4b:s4+s19], $0x90, s6, s19, $0xb8;
	[tilespmem:$0x17000] =	vst v63  }
0xbf: {  	s14 =	smov.u32 s12;
	s12 =	sadd.s32 $0x80, s12  }
0xc0: {  	[tilespmem:s20], [sflag:$0x2] =	stream.indirect.gather [hbm4b:s4+s19], $0x90, s7, s19, $0xb8;
	[tilespmem:$0x17000] =	vst v63  }
0xc1: {  	p0 =	sne.s32 s12, $0xA00;
	_ =	swait.ge [sflag:s21], $0x4800  }
.Ltmp0:
0xc2: {  	[sflag:s21] =	ssyncset.done $0x0;
	(pc) =	sbr.rel @p0 .LBB2_2-.Ltmp0, $4  }
0xc3: {  	[sflag:s21] =	ssyncadd.s32 $0xFFFFB800  }
0xc4: {  	[spmem:s2] =	stream.indirect.scatter.add.f32 [tilespmem:s16], [sflag:$0x3], $0x90, s8, s19, $0xb8;
	[tilespmem:$0x17000] =	vst v63  }
0xc5: {  	s11 =	smov.u32 s14;
	_ =	swait.ge [sflag:s22], $0x4800  }
0xc6: {  	p1 =	seq.s32 s11, $0x0;
	[sflag:s22] =	ssyncset.done $0x0  }
0xc7: {  	s12 =	simm.s32 @!p1 $0x3;
	[sflag:s22] =	ssyncadd.s32 $0xFFFFB800  }
0xc8: {  	[spmem:s2] =	stream.indirect.scatter.add.f32 [tilespmem:s20], [sflag:$0x4], $0x90, s9, s19, $0xb8;
	[tilespmem:$0x17000] =	vst v63  }
0xc9: {  	_ =	swait.ge @!p1 [sflag:s12], $0x4800  }
0xca: {  	[sflag:s12] =	ssyncset.done @!p1 $0x0  }
0xcb: {  	[sflag:s12] =	ssyncadd.s32 @!p1 $0xFFFFB800;
	s12 =	simm.s32 @!p1 $0x4  }
0xcc: {  	_ =	swait.ge @!p1 [sflag:s12], $0x4800  }
0xcd: {  	s13 =	rddreg [dreg:$0x5];
	[sflag:s12] =	ssyncset.done @!p1 $0x0  }
0xce: {  	[sflag:s12] =	ssyncadd.s32 @!p1 $0xFFFFB800;
	s14 =	sadd.s32 s11, s13  }
0xcf: {  	[tilespmem:s3], [sflag:$0x5] =	stream.linear.gather [hbm4b:s14+s3], $0x400, $0x38;
	[tilespmem:$0x17000] =	vst v63  }
0xd0: {  	_ =	swait.ge [sflag:s17], $0x400  }
0xd1: {  	s15 =	rddreg [dreg:$0x4];
	[sflag:s17] =	ssyncset.done $0x0  }
0xd2: {  	s12 =	sadd.s32 s11, s15;
	[sflag:s17] =	ssyncadd.s32 $0xFFFFFC00  }
0xd3: {  	[tilespmem:s18], [sflag:$0x5] =	stream.linear.gather [hbm4b:s12+s3], $0x400, $0x38;
	[tilespmem:$0x17000] =	vst v63  }
0xd4: {  	_ =	swait.ge [sflag:s17], $0x400  }
0xd5: {  	[sflag:s17] =	ssyncset.done $0x0  }
0xd6: {  	[sflag:s17] =	ssyncadd.s32 $0xFFFFFC00  }
0xd7: {  	[tilespmem:s16], [sflag:$0x1] =	stream.indirect.gather [hbm4b:s4+s19], $0x90, s3, s19, $0xb8;
	[tilespmem:$0x17000] =	vst v63  }
0xd8: {  	_ = 	snop  }
0xd9: {  	[tilespmem:s20], [sflag:$0x2] =	stream.indirect.gather [hbm4b:s4+s19], $0x90, s19, s19, $0xb8;
	[tilespmem:$0x17000] =	vst v63  }
0xda: {  	_ =	swait.ge [sflag:s21], $0x4800  }
0xdb: {  	[sflag:s21] =	ssyncset.done $0x0  }
0xdc: {  	[sflag:s21] =	ssyncadd.s32 $0xFFFFB800  }
0xdd: {  	[spmem:s2] =	stream.indirect.scatter.add.f32 [tilespmem:s16], [sflag:$0x3], $0x90, s18, s19, $0xb8;
	[tilespmem:$0x17000] =	vst v63  }
0xde: {  	_ =	swait.ge [sflag:s22], $0x4800  }
0xdf: {  	[sflag:s22] =	ssyncset.done $0x0  }
0xe0: {  	[sflag:s22] =	ssyncadd.s32 $0xFFFFB800  }
0xe1: {  	[spmem:s2] =	stream.indirect.scatter.add.f32 [tilespmem:s20], [sflag:$0x4], $0x90, s23, s19, $0xb8;
	[tilespmem:$0x17000] =	vst v63  }
0xe2: {  	_ =	swait.ge [sflag:s24], $0x4800  }
0xe3: {  	[sflag:s24] =	ssyncset.done $0x0  }
0xe4: {  	[sflag:s24] =	ssyncadd.s32 $0xFFFFB800  }
0xe5: {  	_ =	swait.ge [sflag:s25], $0x4800  }
0xe6: {  	[sflag:s25] =	ssyncset.done $0x0  }
0xe7: {  	[sflag:s25] =	ssyncadd.s32 $0xFFFFB800  }
0xe8: {  	[tilespmem:s16], [sflag:$0x1] =	stream.indirect.gather [hbm4b:s4+s19], $0x90, s26, s19, $0xb8;
	[tilespmem:$0x17000] =	vst v63  }
0xe9: {  	_ = 	snop  }
0xea: {  	[tilespmem:s20], [sflag:$0x2] =	stream.indirect.gather [hbm4b:s4+s19], $0x90, s28, s19, $0xb8;
	[tilespmem:$0x17000] =	vst v63  }
0xeb: {  	_ =	swait.ge [sflag:s21], $0x4800  }
0xec: {  	[sflag:s21] =	ssyncset.done $0x0  }
0xed: {  	[sflag:s21] =	ssyncadd.s32 $0xFFFFB800  }
0xee: {  	[spmem:s2] =	stream.indirect.scatter.add.f32 [tilespmem:s16], [sflag:$0x3], $0x90, s29, s19, $0xb8;
	[tilespmem:$0x17000] =	vst v63  }
0xef: {  	_ =	swait.ge [sflag:s22], $0x4800  }
0xf0: {  	[sflag:s22] =	ssyncset.done $0x0  }
0xf1: {  	[sflag:s22] =	ssyncadd.s32 $0xFFFFB800  }
0xf2: {  	[spmem:s2] =	stream.indirect.scatter.add.f32 [tilespmem:s20], [sflag:$0x4], $0x90, s30, s19, $0xb8;
	[tilespmem:$0x17000] =	vst v63  }
0xf3: {  	_ =	swait.ge [sflag:s24], $0x4800  }
0xf4: {  	[sflag:s24] =	ssyncset.done $0x0  }
0xf5: {  	[sflag:s24] =	ssyncadd.s32 $0xFFFFB800  }
0xf6: {  	_ =	swait.ge [sflag:s25], $0x4800  }
0xf7: {  	[sflag:s25] =	ssyncset.done $0x0  }
0xf8: {  	[sflag:s25] =	ssyncadd.s32 $0xFFFFB800  }
0xf9: {  	[tilespmem:s16], [sflag:$0x1] =	stream.indirect.gather [hbm4b:s4+s19], $0x90, s31, s19, $0xb8;
	[tilespmem:$0x17000] =	vst v63  }
0xfa: {  	_ = 	snop  }
0xfb: {  	[tilespmem:s20], [sflag:$0x2] =	stream.indirect.gather [hbm4b:s4+s19], $0x90, s1, s19, $0xb8;
	[tilespmem:$0x17000] =	vst v63  }
0xfc: {  	_ =	swait.ge [sflag:s21], $0x4800  }
0xfd: {  	[sflag:s21] =	ssyncset.done $0x0  }
0xfe: {  	[sflag:s21] =	ssyncadd.s32 $0xFFFFB800  }
0xff: {  	[spmem:s2] =	stream.indirect.scatter.add.f32 [tilespmem:s16], [sflag:$0x3], $0x90, s0, s19, $0xb8;
	[tilespmem:$0x17000] =	vst v63  }
0x100: {  	_ =	swait.ge [sflag:s22], $0x4800  }
0x101: {  	[sflag:s22] =	ssyncset.done $0x0  }
0x102: {  	[sflag:s22] =	ssyncadd.s32 $0xFFFFB800  }
0x103: {  	[spmem:s2] =	stream.indirect.scatter.add.f32 [tilespmem:s20], [sflag:$0x4], $0x90, s5, s19, $0xb8;
	[tilespmem:$0x17000] =	vst v63  }
0x104: {  	_ =	swait.ge [sflag:s24], $0x4800  }
0x105: {  	[sflag:s24] =	ssyncset.done $0x0  }
0x106: {  	[sflag:s24] =	ssyncadd.s32 $0xFFFFB800  }
0x107: {  	_ =	swait.ge [sflag:s25], $0x4800  }
0x108: {  	[sflag:s25] =	ssyncset.done $0x0  }
0x109: {  	[sflag:s25] =	ssyncadd.s32 $0xFFFFB800  }
0x10a: {  	[tilespmem:s16], [sflag:$0x1] =	stream.indirect.gather [hbm4b:s4+s19], $0x90, s6, s19, $0xb8;
	[tilespmem:$0x17000] =	vst v63  }
0x10b: {  	_ = 	snop  }
0x10c: {  	[tilespmem:s20], [sflag:$0x2] =	stream.indirect.gather [hbm4b:s4+s19], $0x90, s7, s19, $0xb8;
	[tilespmem:$0x17000] =	vst v63  }
0x10d: {  	_ =	swait.ge [sflag:s21], $0x4800  }
0x10e: {  	[sflag:s21] =	ssyncset.done $0x0  }
0x10f: {  	[sflag:s21] =	ssyncadd.s32 $0xFFFFB800  }
0x110: {  	[spmem:s2] =	stream.indirect.scatter.add.f32 [tilespmem:s16], [sflag:$0x3], $0x90, s8, s19, $0xb8;
	[tilespmem:$0x17000] =	vst v63  }
0x111: {  	_ =	swait.ge [sflag:s22], $0x4800  }
0x112: {  	[sflag:s22] =	ssyncset.done $0x0  }
0x113: {  	[sflag:s22] =	ssyncadd.s32 $0xFFFFB800  }
0x114: {  	[spmem:s2] =	stream.indirect.scatter.add.f32 [tilespmem:s20], [sflag:$0x4], $0x90, s9, s19, $0xb8;
	[tilespmem:$0x17000] =	vst v63  }
0x115: {  	_ =	swait.ge [sflag:s24], $0x4800  }
0x116: {  	[sflag:s24] =	ssyncset.done $0x0  }
0x117: {  	[sflag:s24] =	ssyncadd.s32 $0xFFFFB800  }
0x118: {  	_ =	swait.ge [sflag:s25], $0x4800  }
0x119: {  	[sflag:s25] =	ssyncset.done $0x0  }
0x11a: {  	[sflag:s25] =	ssyncadd.s32 $0xFFFFB800  }
0x11b: {  	[bflag:$0x0] =	sbarrier.arrive $0xFFFF  }
0x11c: {  	s13 =	rddreg [dreg:$0x7]  }
0x11d: {  	[tilespmem:s16], [sflag:$0x5] =	stream.linear.gather [spmem:s13], $0x4800, $0x38;
	[tilespmem:$0x17000] =	vst v63  }
0x11e: {  	_ =	swait.ge [sflag:s17], $0x4800  }
0x11f: {  	[sflag:s17] =	ssyncset.done $0x0  }
0x120: {  	s14 =	rddreg [dreg:$0xc];
	[sflag:s17] =	ssyncadd.s32 $0xFFFFB800  }
0x121: {  	[hbm4b:s14+s3] =	stream.linear.scatter [tilespmem:s16], [sflag:$0x5], $0x4800, $0x38;
	[tilespmem:$0x17000] =	vst v63  }
0x122: {  	_ =	swait.ge [sflag:s17], $0x4800  }
0x123: {  	[sflag:s17] =	ssyncset.done $0x0  }
0x124: {  	s15 =	rddreg [dreg:$0xd];
	[sflag:s17] =	ssyncadd.s32 $0xFFFFB800  }
0x125: {  	[tilespmem:s16], [sflag:$0x5] =	stream.linear.gather [spmem:s15], $0x4800, $0x38;
	[tilespmem:$0x17000] =	vst v63  }
0x126: {  	_ =	swait.ge [sflag:s17], $0x4800  }
0x127: {  	[sflag:s17] =	ssyncset.done $0x0  }
0x128: {  	s12 =	rddreg [dreg:$0xe];
	[sflag:s17] =	ssyncadd.s32 $0xFFFFB800  }
0x129: {  	[hbm4b:s12+s3] =	stream.linear.scatter [tilespmem:s16], [sflag:$0x5], $0x4800, $0x38;
	[tilespmem:$0x17000] =	vst v63  }
0x12a: {  	_ =	swait.ge [sflag:s17], $0x4800  }
0x12b: {  	[sflag:s17] =	ssyncset.done $0x0  }
0x12c: {  	s13 =	rddreg [dreg:$0xf];
	[sflag:s17] =	ssyncadd.s32 $0xFFFFB800  }
0x12d: {  	[tilespmem:s16], [sflag:$0x5] =	stream.linear.gather [spmem:s13], $0x4800, $0x38;
	[tilespmem:$0x17000] =	vst v63  }
0x12e: {  	_ =	swait.ge [sflag:s17], $0x4800  }
0x12f: {  	[sflag:s17] =	ssyncset.done $0x0  }
0x130: {  	s14 =	rddreg [dreg:$0x10];
	[sflag:s17] =	ssyncadd.s32 $0xFFFFB800  }
0x131: {  	[hbm4b:s14+s3] =	stream.linear.scatter [tilespmem:s16], [sflag:$0x5], $0x4800, $0x38;
	[tilespmem:$0x17000] =	vst v63  }
0x132: {  	_ =	swait.ge [sflag:s17], $0x4800  }
0x133: {  	s10 =	sadd.s32 $0x1, s10;
	s15 =	rddreg [dreg:$0x8]  }
0x134: {  	p0 =	sne.s32 s10, s15  }
.Ltmp1:
0x135: {  	_ = 	snop;
	(pc) =	sbr.rel @p0 .LBB2_1-.Ltmp1, $3  }
0x136: {  	_ =	sdelay $0x1  }
0x137: {  	[sflag:s17] =	ssyncset.done $0x0  }
0x138: {  	[sflag:s17] =	ssyncadd.s32 $0xFFFFB800  }
0x139: {  	_ =	sfence.sel $0x180000  }
0x13a: {  	[bflag:$0x0] =	sbarrier.arrive $0xFFFF  }
0x13b: {  	_ =	strace $0x90000047  }
0x13c: {  	s0 =	stileid.u32;
	[bflag:$0x2] =	sbarrier.arrive $0xFFFF  }
0x13d: {  	p0 =	sne.s32 s0, $0x0;
	s0 =	rddreg [dreg:$0x3]  }
0x13e: {  	s0 =	sadd.s32 @!p0 $0x100000, s0  }
0x13f: {  	[sflag:s0] =	ssyncadd.tile.s32 @!p0 $0x1;
	_ =	shalt  }
.Lfunc_end2:
_tile_overlayer_lowered:
.L_overlay_start_2:
0x140: {  	(tag) =	ssettag $0x2  }
0x141: {  	s0 =	rddreg [dreg:$0x0];
	s2 =	stileid.u32  }
0x142: {  	s1 =	rddreg [dreg:$0x1];
	p0 =	sne.s32 s2, $0x0  }
0x143: {  	s3 =	rddreg [dreg:$0x2];
	[bflag:$0x3] =	sbarrier.arrive $0xFFFF;
	s2 =	simm.s32 @!p0 $0x1C05  }
0x144: {  	[timem:s3], [sflag:s2] =	dma.local @!p0 [hbm:s0], s1  }
0x145: {  	s0 =	simm.s32 @!p0 $0x5  }
0x146: {  	_ =	swait.ge @!p0 [sflag:s0], s1  }
0x147: {  	s1 =	ssub.s32 @!p0 $0x0, s1;
	[sflag:s0] =	ssyncset.done @!p0 $0x0  }
0x148: {  	[sflag:s0] =	ssyncadd.s32 @!p0 s1  }
0x149: {  	[bflag:$0x3] =	sbarrier.arrive $0xFFFF  }
0x14a: {  	_ =	shalt  }

</sc_bundles>
